<compile_context>
chip_gen: v7x
topology: tpu7x:2x2x1
jax: 0.10.2.dev20260603
libtpu: 0.0.44.dev20260713+nightly
codegen_flags: <defaults>
</compile_context>

<pallas_src>
import functools

import jax
import jax.numpy as jnp
from jax import lax
from jax.experimental import pallas as pl
from jax.experimental.pallas import tpu as pltpu
from jax.experimental.pallas import tpu_sc as plsc

N = 10000
E = 160000
IN_C = 256
HID = 128
OUT_C = 3
OUT_P = 16

NC = 2
NS = 16
CHUNK = 125
ROWS_PER_TILE = E // (NC * NS) // CHUNK
NP = 10240
NODES_PER_TILE = NP // NS
ZROWS = 128

_mesh = plsc.VectorSubcoreMesh(core_axis_name="c", subcore_axis_name="s")



DEG_W = 16


def _deg_body(dst2_hbm, out_hbm, dstv, ones_v, zb_v, acc):
    c = lax.axis_index("c")
    s = lax.axis_index("s")

    def zb(i, carry):
        zb_v[i, pl.ds(0, 16)] = jnp.zeros((16,), jnp.float32)
        ones_v[i, pl.ds(0, 16)] = jnp.ones((16,), jnp.float32)
        return carry

    lax.fori_loop(0, ZROWS, zb, 0)
    for k in range(NODES_PER_TILE // ZROWS):
        pltpu.sync_copy(zb_v, acc.at[pl.ds(s * NODES_PER_TILE + k * ZROWS, ZROWS)])
    plsc.subcore_barrier()

    base = (c * NS + s) * ROWS_PER_TILE
    pltpu.sync_copy(dst2_hbm.at[pl.ds(base, ROWS_PER_TILE)], dstv)

    def body(j, carry):
        pltpu.sync_copy(ones_v.at[pl.ds(0, CHUNK)], acc.at[dstv.at[j]], add=True)
        return carry

    lax.fori_loop(0, ROWS_PER_TILE, body, 0)
    plsc.subcore_barrier()
    sl = pl.ds(s * NODES_PER_TILE, NODES_PER_TILE)
    pltpu.sync_copy(acc.at[sl], out_hbm.at[c, sl])


_deg_kernel = pl.kernel(
    _deg_body,
    out_type=jax.ShapeDtypeStruct((NC, NP, DEG_W), jnp.float32),
    mesh=_mesh,
    scratch_types=[
        pltpu.VMEM((ROWS_PER_TILE, CHUNK), jnp.int32),
        pltpu.VMEM((ZROWS, DEG_W), jnp.float32),
        pltpu.VMEM((ZROWS, DEG_W), jnp.float32),
        pltpu.VMEM_SHARED((NP, DEG_W), jnp.float32),
    ],
    compiler_params=pltpu.CompilerParams(use_tc_tiling_on_sc=False),
)



def _agg_body(hs_hbm, src2_hbm, dst2_hbm, out_hbm, srcv, dstv, rows, *rest, W, group):
    gsems = rest[:group]
    ssems = rest[group : 2 * group]
    acc = rest[2 * group]
    c = lax.axis_index("c")
    s = lax.axis_index("s")

    def zb(i, carry):
        for k in range(W // 16):
            rows[0, i, pl.ds(k * 16, 16)] = jnp.zeros((16,), jnp.float32)
        return carry

    lax.fori_loop(0, ZROWS, zb, 0)
    for k in range(NODES_PER_TILE // ZROWS):
        pltpu.sync_copy(
            rows.at[0], acc.at[pl.ds(s * NODES_PER_TILE + k * ZROWS, ZROWS)]
        )
    plsc.subcore_barrier()

    base = (c * NS + s) * ROWS_PER_TILE
    pltpu.sync_copy(src2_hbm.at[pl.ds(base, ROWS_PER_TILE)], srcv)
    pltpu.sync_copy(dst2_hbm.at[pl.ds(base, ROWS_PER_TILE)], dstv)

    if group == 2:
        r0 = rows.at[0, pl.ds(0, CHUNK)]
        r1 = rows.at[1, pl.ds(0, CHUNK)]
        pltpu.async_copy(hs_hbm.at[srcv.at[0]], r0, gsems[0]).wait()
        npair = ROWS_PER_TILE // 2

        def pair(i, carry):
            j0 = 2 * i
            g1 = pltpu.async_copy(hs_hbm.at[srcv.at[j0 + 1]], r1, gsems[1])
            s0 = pltpu.async_copy(r0, acc.at[dstv.at[j0]], ssems[0], add=True)
            g1.wait()
            s0.wait()

            @pl.when(i < npair - 1)
            def _():
                g2 = pltpu.async_copy(hs_hbm.at[srcv.at[j0 + 2]], r0, gsems[0])
                s1 = pltpu.async_copy(r1, acc.at[dstv.at[j0 + 1]], ssems[1], add=True)
                g2.wait()
                s1.wait()

            @pl.when(i == npair - 1)
            def _():
                pltpu.async_copy(r1, acc.at[dstv.at[j0 + 1]], ssems[1], add=True).wait()

            return carry

        lax.fori_loop(0, npair, pair, 0)
    else:
        def body(i, carry):
            j = group * i
            gd = []
            for p in range(group):
                gd.append(
                    pltpu.async_copy(
                        hs_hbm.at[srcv.at[j + p]],
                        rows.at[p, pl.ds(0, CHUNK)],
                        gsems[p],
                    )
                )
            sd = []
            for p in range(group):
                gd[p].wait()
                sd.append(
                    pltpu.async_copy(
                        rows.at[p, pl.ds(0, CHUNK)],
                        acc.at[dstv.at[j + p]],
                        ssems[p],
                        add=True,
                    )
                )
            for p in range(group):
                sd[p].wait()
            return carry

        lax.fori_loop(0, ROWS_PER_TILE // group, body, 0)
    plsc.subcore_barrier()
    pltpu.sync_copy(
        acc.at[pl.ds(s * NODES_PER_TILE, NODES_PER_TILE)],
        out_hbm.at[c, pl.ds(s * NODES_PER_TILE, NODES_PER_TILE)],
    )


def _make_agg(W, group):
    return pl.kernel(
        functools.partial(_agg_body, W=W, group=group),
        out_type=jax.ShapeDtypeStruct((NC, NP, W), jnp.float32),
        mesh=_mesh,
        scratch_types=(
            [
                pltpu.VMEM((ROWS_PER_TILE, CHUNK), jnp.int32),
                pltpu.VMEM((ROWS_PER_TILE, CHUNK), jnp.int32),
                pltpu.VMEM((group, ZROWS, W), jnp.float32),
            ]
            + [pltpu.SemaphoreType.DMA] * (2 * group)
            + [pltpu.VMEM_SHARED((NP, W), jnp.float32)]
        ),
        compiler_params=pltpu.CompilerParams(
            use_tc_tiling_on_sc=None if W >= 128 else False
        ),
    )


_agg128 = _make_agg(HID, 2)
_agg16 = _make_agg(OUT_P, 8)



_BR = 2000
_GRID = N // _BR


def _mm1_body(x_ref, w_ref, h_ref):
    h_ref[...] = jnp.dot(x_ref[...], w_ref[...], preferred_element_type=jnp.float32)


_mm1 = pl.pallas_call(
    _mm1_body,
    grid=(_GRID,),
    in_specs=[
        pl.BlockSpec((_BR, IN_C), lambda i: (i, 0)),
        pl.BlockSpec((IN_C, HID), lambda i: (0, 0)),
    ],
    out_specs=pl.BlockSpec((_BR, HID), lambda i: (i, 0)),
    out_shape=jax.ShapeDtypeStruct((N, HID), jnp.float32),
)


def _scale1_body(dp_ref, h_ref, hs_ref, d_ref):
    d = lax.rsqrt(dp_ref[0, :, :1] + dp_ref[1, :, :1] + 1.0)
    hs_ref[...] = h_ref[...] * d
    d_ref[...] = d


_scale1 = pl.pallas_call(
    _scale1_body,
    grid=(_GRID,),
    in_specs=[
        pl.BlockSpec((NC, _BR, DEG_W), lambda i: (0, i, 0)),
        pl.BlockSpec((_BR, HID), lambda i: (i, 0)),
    ],
    out_specs=[
        pl.BlockSpec((_BR, HID), lambda i: (i, 0)),
        pl.BlockSpec((_BR, 1), lambda i: (i, 0)),
    ],
    out_shape=[
        jax.ShapeDtypeStruct((N, HID), jnp.float32),
        jax.ShapeDtypeStruct((N, 1), jnp.float32),
    ],
)


def _lin2_body(agg_ref, hs_ref, d_ref, b1_ref, w2_ref, out_ref):
    x1 = jnp.maximum(
        d_ref[...] * (agg_ref[0] + agg_ref[1] + hs_ref[...]) + b1_ref[...], 0.0
    )
    out_ref[...] = d_ref[...] * jnp.dot(
        x1, w2_ref[...], preferred_element_type=jnp.float32
    )


_lin2 = pl.pallas_call(
    _lin2_body,
    grid=(_GRID,),
    in_specs=[
        pl.BlockSpec((NC, _BR, HID), lambda i: (0, i, 0)),
        pl.BlockSpec((_BR, HID), lambda i: (i, 0)),
        pl.BlockSpec((_BR, 1), lambda i: (i, 0)),
        pl.BlockSpec((1, HID), lambda i: (0, 0)),
        pl.BlockSpec((HID, OUT_P), lambda i: (0, 0)),
    ],
    out_specs=pl.BlockSpec((_BR, OUT_P), lambda i: (i, 0)),
    out_shape=jax.ShapeDtypeStruct((N, OUT_P), jnp.float32),
)


def _fin_body(e_ref, h2_ref, d_ref, b2_ref, out_ref):
    v = d_ref[...] * (e_ref[0] + e_ref[1] + h2_ref[...])
    out_ref[...] = v[:, : OUT_C] + b2_ref[...]


_FBR = 5000

_fin = pl.pallas_call(
    _fin_body,
    grid=(N // _FBR,),
    in_specs=[
        pl.BlockSpec((NC, _FBR, OUT_P), lambda i: (0, i, 0)),
        pl.BlockSpec((_FBR, OUT_P), lambda i: (i, 0)),
        pl.BlockSpec((_FBR, 1), lambda i: (i, 0)),
        pl.BlockSpec((1, OUT_C), lambda i: (0, 0)),
    ],
    out_specs=pl.BlockSpec((_FBR, OUT_C), lambda i: (i, 0)),
    out_shape=jax.ShapeDtypeStruct((N, OUT_C), jnp.float32),
)


def kernel(features, edges, edges2, edge_features, additional_feature, W1, b1, W2, b2):
    src2 = edges[0].reshape(E // CHUNK, CHUNK)
    dst2 = edges[1].reshape(E // CHUNK, CHUNK)

    degp = _deg_kernel(dst2)
    h = _mm1(features, W1)
    hs, d = _scale1(degp, h)
    agg = _agg128(hs, src2, dst2)

    w2p = jnp.pad(W2, ((0, 0), (0, OUT_P - W2.shape[1])))
    b1r = b1.reshape(1, HID)
    h2p = _lin2(agg, hs, d, b1r, w2p)

    agg2 = _agg16(h2p, src2, dst2)
    return _fin(agg2, h2p, d, b2.reshape(1, OUT_C))

# --- scband reference (transcript-rebuilt; emitter-appended) ---
"""Pipeline reference for scband-gcnconv-model-17712445128819 (READ-ONLY COPY).

The authoritative reference and input builder live on the scoring server;
editing this copy changes nothing except your own understanding.
"""

import jax, jax.numpy as jnp
import numpy as np

N = 10000
E = 160000
IN_C = 256
HID = 128
OUT_C = 3


def setup_inputs(seed: int = 0) -> dict:
    key = jax.random.key(seed)
    ks = jax.random.split(key, 9)
    features = jax.random.normal(ks[0], (N, IN_C), dtype=jnp.float32)
    edges = jax.random.randint(ks[1], (2, E), 0, N, dtype=jnp.int32)
    edges2 = jax.random.randint(ks[2], (2, E), 0, N, dtype=jnp.int32)
    edge_features = jax.random.normal(ks[3], (E, 16), dtype=jnp.float32)
    additional_feature = jax.random.normal(ks[4], (N, 4), dtype=jnp.float32)
    # GCN layer params (glorot-ish scale)
    W1 = jax.random.normal(ks[5], (IN_C, HID), dtype=jnp.float32) * (1.0 / np.sqrt(IN_C))
    b1 = jnp.zeros((HID,), dtype=jnp.float32)
    W2 = jax.random.normal(ks[6], (HID, OUT_C), dtype=jnp.float32) * (1.0 / np.sqrt(HID))
    b2 = jnp.zeros((OUT_C,), dtype=jnp.float32)
    return {"features": features, "edges": edges, "edges2": edges2,
            "edge_features": edge_features, "additional_feature": additional_feature,
            "W1": W1, "b1": b1, "W2": W2, "b2": b2}


def _gcn_conv(x, edge_index, W, b):
    # torch_geometric GCNConv with edge_weight=None:
    # add self-loops, symmetric normalization, linear transform, scatter-add aggregate.
    src = edge_index[0]
    dst = edge_index[1]
    loop = jnp.arange(N, dtype=edge_index.dtype)
    src = jnp.concatenate([src, loop])
    dst = jnp.concatenate([dst, loop])
    deg = jnp.zeros((N,), jnp.float32).at[dst].add(1.0)
    deg_inv_sqrt = jnp.where(deg > 0, 1.0 / jnp.sqrt(jnp.maximum(deg, 1e-12)), 0.0)
    norm = deg_inv_sqrt[src] * deg_inv_sqrt[dst]
    h = x @ W
    msg = jnp.take(h, src, axis=0) * norm[:, None]
    out = jnp.zeros((N, h.shape[1]), jnp.float32).at[dst].add(msg)
    return out + b


def reference(features, edges, edges2, edge_features, additional_feature, W1, b1, W2, b2):
    # Model sets edge_features = None, so plain GCN (eval mode: dropout is identity).
    x = _gcn_conv(features, edges, W1, b1)
    x = jax.nn.relu(x)
    return _gcn_conv(x, edges, W2, b2)

if __name__ == "__main__":
    import jax
    _d = setup_inputs()
    print(jax.jit(kernel)(*tuple(_d.values())))

</pallas_src>

<mosaic_0001>
#map = affine_map<(d0, d1) -> (0, 0)>
#map1 = affine_map<(d0, d1) -> (0, 0, 0)>
module attributes {stable_mosaic.version = 14 : i64} {
  func.func @_deg_body(%arg0: i32, %arg1: i32, %arg2: memref<1280x125xi32, #tpu.memory_space<hbm>>, %arg3: memref<2x10240x16xf32, #tpu.memory_space<hbm>>, %arg4: memref<40x125xi32, #tpu.memory_space<vmem>>, %arg5: memref<128x16xf32, #tpu.memory_space<vmem>>, %arg6: memref<128x16xf32, #tpu.memory_space<vmem>>, %arg7: memref<10240x16xf32, #tpu.memory_space<vmem_shared>>) attributes {dimension_semantics = [#tpu.dimension_semantics<core_parallel>, #tpu.dimension_semantics<subcore_parallel>], iteration_bounds = array<i64: 2, 16>, scalar_prefetch = 0 : i64, scratch_operands = 4 : i64, tpu.core_type = #tpu.core_type<sc_vector_subcore>, window_params = [{transform_indices = #map}, {transform_indices = #map1}]} {
    %scan3A = arith.constant 0 : i32
    %scan3A_0 = arith.constant 0 : i32
    %scan3A_1 = arith.constant 128 : i32
    %scan3A_2 = arith.addi %scan3A_0, %scan3A_1 : i32
    %scan3A_3 = arith.constant 1 : i32
    scf.for %scan3A_37 = %scan3A_0 to %scan3A_2 step %scan3A_3  : i32 {
      %broadcast_in_dim3A = arith.constant 0.000000e+00 : f32
      %broadcast_in_dim3A_38 = vector.broadcast %broadcast_in_dim3A : f32 to vector<16xf32>
      %swap3A = arith.index_cast %scan3A_37 : i32 to index
      %swap3A_39 = arith.constant 0 : index
      %swap3A_40 = tpu.vector_load %arg6[%swap3A, %swap3A_39] {strides = array<i32>} : memref<128x16xf32, #tpu.memory_space<vmem>>, vector<1x16xf32>,
      %swap3A_41 = vector.shape_cast %swap3A_40 : vector<1x16xf32> to vector<16xf32>
      %swap3A_42 = vector.shape_cast %broadcast_in_dim3A_38 : vector<16xf32> to vector<1x16xf32>
      tpu.vector_store %arg6[%swap3A, %swap3A_39], %swap3A_42 {strides = array<i32>} : memref<128x16xf32, #tpu.memory_space<vmem>>, vector<1x16xf32>,
      %broadcast_in_dim3A_43 = arith.constant 1.000000e+00 : f32
      %broadcast_in_dim3A_44 = vector.broadcast %broadcast_in_dim3A_43 : f32 to vector<16xf32>
      %swap3A_45 = arith.index_cast %scan3A_37 : i32 to index
      %swap3A_46 = arith.constant 0 : index
      %swap3A_47 = tpu.vector_load %arg5[%swap3A_45, %swap3A_46] {strides = array<i32>} : memref<128x16xf32, #tpu.memory_space<vmem>>, vector<1x16xf32>,
      %swap3A_48 = vector.shape_cast %swap3A_47 : vector<1x16xf32> to vector<16xf32>
      %swap3A_49 = vector.shape_cast %broadcast_in_dim3A_44 : vector<16xf32> to vector<1x16xf32>
      tpu.vector_store %arg5[%swap3A_45, %swap3A_46], %swap3A_49 {strides = array<i32>} : memref<128x16xf32, #tpu.memory_space<vmem>>, vector<1x16xf32>,
    }
    %scan3A_4 = arith.constant 128 : i32
    %mul3A = arith.constant 640 : i32
    %mul3A_5 = arith.muli %arg1, %mul3A : i32
    %add3A = arith.constant 0 : i32
    %add3A_6 = arith.addi %mul3A_5, %add3A : i32
    "tpu.region"() ({
      %run_scoped3A = tpu.sem_alloc : memref<!tpu.dma_semaphore, #tpu.memory_space<semaphore_mem>>
      %dma_start3A = arith.constant 0 : i32
      %dma_start3A_37 = tpu.memref_slice %arg7[%add3A_6, %dma_start3A] : memref<10240x16xf32, #tpu.memory_space<vmem_shared>> -> memref<128x16xf32, #tpu.memory_space<vmem_shared>>
      %dma_start3A_38 = arith.constant 0 : i32
      %dma_start3A_39 = tpu.memref_slice %arg7[%add3A_6, %dma_start3A_38] : memref<10240x16xf32, #tpu.memory_space<vmem_shared>> -> memref<128x16xf32, #tpu.memory_space<vmem_shared>>
      tpu.enqueue_dma source(%arg6 : memref<128x16xf32, #tpu.memory_space<vmem>>) target(%dma_start3A_39 : memref<128x16xf32, #tpu.memory_space<vmem_shared>>) target_semaphore(%run_scoped3A : memref<!tpu.dma_semaphore, #tpu.memory_space<semaphore_mem>>)
      %dma_wait3A = arith.constant 0 : i32
      %dma_wait3A_40 = tpu.memref_slice %arg7[%add3A_6, %dma_wait3A] : memref<10240x16xf32, #tpu.memory_space<vmem_shared>> -> memref<128x16xf32, #tpu.memory_space<vmem_shared>>
      %dma_wait3A_41 = arith.constant 0 : i32
      %dma_wait3A_42 = tpu.memref_slice %arg7[%add3A_6, %dma_wait3A_41] : memref<10240x16xf32, #tpu.memory_space<vmem_shared>> -> memref<128x16xf32, #tpu.memory_space<vmem_shared>>
      tpu.wait_dma2 semaphore(%run_scoped3A : memref<!tpu.dma_semaphore, #tpu.memory_space<semaphore_mem>>) src(%arg6 : memref<128x16xf32, #tpu.memory_space<vmem>>) dst(%dma_wait3A_42 : memref<128x16xf32, #tpu.memory_space<vmem_shared>>)
      tpu.yield
    }) : () -> ()
    %mul3A_7 = arith.constant 640 : i32
    %mul3A_8 = arith.muli %arg1, %mul3A_7 : i32
    %add3A_9 = arith.constant 128 : i32
    %add3A_10 = arith.addi %mul3A_8, %add3A_9 : i32
    "tpu.region"() ({
      %run_scoped3A = tpu.sem_alloc : memref<!tpu.dma_semaphore, #tpu.memory_space<semaphore_mem>>
      %dma_start3A = arith.constant 0 : i32
      %dma_start3A_37 = tpu.memref_slice %arg7[%add3A_10, %dma_start3A] : memref<10240x16xf32, #tpu.memory_space<vmem_shared>> -> memref<128x16xf32, #tpu.memory_space<vmem_shared>>
      %dma_start3A_38 = arith.constant 0 : i32
      %dma_start3A_39 = tpu.memref_slice %arg7[%add3A_10, %dma_start3A_38] : memref<10240x16xf32, #tpu.memory_space<vmem_shared>> -> memref<128x16xf32, #tpu.memory_space<vmem_shared>>
      tpu.enqueue_dma source(%arg6 : memref<128x16xf32, #tpu.memory_space<vmem>>) target(%dma_start3A_39 : memref<128x16xf32, #tpu.memory_space<vmem_shared>>) target_semaphore(%run_scoped3A : memref<!tpu.dma_semaphore, #tpu.memory_space<semaphore_mem>>)
      %dma_wait3A = arith.constant 0 : i32
      %dma_wait3A_40 = tpu.memref_slice %arg7[%add3A_10, %dma_wait3A] : memref<10240x16xf32, #tpu.memory_space<vmem_shared>> -> memref<128x16xf32, #tpu.memory_space<vmem_shared>>
      %dma_wait3A_41 = arith.constant 0 : i32
      %dma_wait3A_42 = tpu.memref_slice %arg7[%add3A_10, %dma_wait3A_41] : memref<10240x16xf32, #tpu.memory_space<vmem_shared>> -> memref<128x16xf32, #tpu.memory_space<vmem_shared>>
      tpu.wait_dma2 semaphore(%run_scoped3A : memref<!tpu.dma_semaphore, #tpu.memory_space<semaphore_mem>>) src(%arg6 : memref<128x16xf32, #tpu.memory_space<vmem>>) dst(%dma_wait3A_42 : memref<128x16xf32, #tpu.memory_space<vmem_shared>>)
      tpu.yield
    }) : () -> ()
    %mul3A_11 = arith.constant 640 : i32
    %mul3A_12 = arith.muli %arg1, %mul3A_11 : i32
    %add3A_13 = arith.constant 256 : i32
    %add3A_14 = arith.addi %mul3A_12, %add3A_13 : i32
    "tpu.region"() ({
      %run_scoped3A = tpu.sem_alloc : memref<!tpu.dma_semaphore, #tpu.memory_space<semaphore_mem>>
      %dma_start3A = arith.constant 0 : i32
      %dma_start3A_37 = tpu.memref_slice %arg7[%add3A_14, %dma_start3A] : memref<10240x16xf32, #tpu.memory_space<vmem_shared>> -> memref<128x16xf32, #tpu.memory_space<vmem_shared>>
      %dma_start3A_38 = arith.constant 0 : i32
      %dma_start3A_39 = tpu.memref_slice %arg7[%add3A_14, %dma_start3A_38] : memref<10240x16xf32, #tpu.memory_space<vmem_shared>> -> memref<128x16xf32, #tpu.memory_space<vmem_shared>>
      tpu.enqueue_dma source(%arg6 : memref<128x16xf32, #tpu.memory_space<vmem>>) target(%dma_start3A_39 : memref<128x16xf32, #tpu.memory_space<vmem_shared>>) target_semaphore(%run_scoped3A : memref<!tpu.dma_semaphore, #tpu.memory_space<semaphore_mem>>)
      %dma_wait3A = arith.constant 0 : i32
      %dma_wait3A_40 = tpu.memref_slice %arg7[%add3A_14, %dma_wait3A] : memref<10240x16xf32, #tpu.memory_space<vmem_shared>> -> memref<128x16xf32, #tpu.memory_space<vmem_shared>>
      %dma_wait3A_41 = arith.constant 0 : i32
      %dma_wait3A_42 = tpu.memref_slice %arg7[%add3A_14, %dma_wait3A_41] : memref<10240x16xf32, #tpu.memory_space<vmem_shared>> -> memref<128x16xf32, #tpu.memory_space<vmem_shared>>
      tpu.wait_dma2 semaphore(%run_scoped3A : memref<!tpu.dma_semaphore, #tpu.memory_space<semaphore_mem>>) src(%arg6 : memref<128x16xf32, #tpu.memory_space<vmem>>) dst(%dma_wait3A_42 : memref<128x16xf32, #tpu.memory_space<vmem_shared>>)
      tpu.yield
    }) : () -> ()
    %mul3A_15 = arith.constant 640 : i32
    %mul3A_16 = arith.muli %arg1, %mul3A_15 : i32
    %add3A_17 = arith.constant 384 : i32
    %add3A_18 = arith.addi %mul3A_16, %add3A_17 : i32
    "tpu.region"() ({
      %run_scoped3A = tpu.sem_alloc : memref<!tpu.dma_semaphore, #tpu.memory_space<semaphore_mem>>
      %dma_start3A = arith.constant 0 : i32
      %dma_start3A_37 = tpu.memref_slice %arg7[%add3A_18, %dma_start3A] : memref<10240x16xf32, #tpu.memory_space<vmem_shared>> -> memref<128x16xf32, #tpu.memory_space<vmem_shared>>
      %dma_start3A_38 = arith.constant 0 : i32
      %dma_start3A_39 = tpu.memref_slice %arg7[%add3A_18, %dma_start3A_38] : memref<10240x16xf32, #tpu.memory_space<vmem_shared>> -> memref<128x16xf32, #tpu.memory_space<vmem_shared>>
      tpu.enqueue_dma source(%arg6 : memref<128x16xf32, #tpu.memory_space<vmem>>) target(%dma_start3A_39 : memref<128x16xf32, #tpu.memory_space<vmem_shared>>) target_semaphore(%run_scoped3A : memref<!tpu.dma_semaphore, #tpu.memory_space<semaphore_mem>>)
      %dma_wait3A = arith.constant 0 : i32
      %dma_wait3A_40 = tpu.memref_slice %arg7[%add3A_18, %dma_wait3A] : memref<10240x16xf32, #tpu.memory_space<vmem_shared>> -> memref<128x16xf32, #tpu.memory_space<vmem_shared>>
      %dma_wait3A_41 = arith.constant 0 : i32
      %dma_wait3A_42 = tpu.memref_slice %arg7[%add3A_18, %dma_wait3A_41] : memref<10240x16xf32, #tpu.memory_space<vmem_shared>> -> memref<128x16xf32, #tpu.memory_space<vmem_shared>>
      tpu.wait_dma2 semaphore(%run_scoped3A : memref<!tpu.dma_semaphore, #tpu.memory_space<semaphore_mem>>) src(%arg6 : memref<128x16xf32, #tpu.memory_space<vmem>>) dst(%dma_wait3A_42 : memref<128x16xf32, #tpu.memory_space<vmem_shared>>)
      tpu.yield
    }) : () -> ()
    %mul3A_19 = arith.constant 640 : i32
    %mul3A_20 = arith.muli %arg1, %mul3A_19 : i32
    %add3A_21 = arith.constant 512 : i32
    %add3A_22 = arith.addi %mul3A_20, %add3A_21 : i32
    "tpu.region"() ({
      %run_scoped3A = tpu.sem_alloc : memref<!tpu.dma_semaphore, #tpu.memory_space<semaphore_mem>>
      %dma_start3A = arith.constant 0 : i32
      %dma_start3A_37 = tpu.memref_slice %arg7[%add3A_22, %dma_start3A] : memref<10240x16xf32, #tpu.memory_space<vmem_shared>> -> memref<128x16xf32, #tpu.memory_space<vmem_shared>>
      %dma_start3A_38 = arith.constant 0 : i32
      %dma_start3A_39 = tpu.memref_slice %arg7[%add3A_22, %dma_start3A_38] : memref<10240x16xf32, #tpu.memory_space<vmem_shared>> -> memref<128x16xf32, #tpu.memory_space<vmem_shared>>
      tpu.enqueue_dma source(%arg6 : memref<128x16xf32, #tpu.memory_space<vmem>>) target(%dma_start3A_39 : memref<128x16xf32, #tpu.memory_space<vmem_shared>>) target_semaphore(%run_scoped3A : memref<!tpu.dma_semaphore, #tpu.memory_space<semaphore_mem>>)
      %dma_wait3A = arith.constant 0 : i32
      %dma_wait3A_40 = tpu.memref_slice %arg7[%add3A_22, %dma_wait3A] : memref<10240x16xf32, #tpu.memory_space<vmem_shared>> -> memref<128x16xf32, #tpu.memory_space<vmem_shared>>
      %dma_wait3A_41 = arith.constant 0 : i32
      %dma_wait3A_42 = tpu.memref_slice %arg7[%add3A_22, %dma_wait3A_41] : memref<10240x16xf32, #tpu.memory_space<vmem_shared>> -> memref<128x16xf32, #tpu.memory_space<vmem_shared>>
      tpu.wait_dma2 semaphore(%run_scoped3A : memref<!tpu.dma_semaphore, #tpu.memory_space<semaphore_mem>>) src(%arg6 : memref<128x16xf32, #tpu.memory_space<vmem>>) dst(%dma_wait3A_42 : memref<128x16xf32, #tpu.memory_space<vmem_shared>>)
      tpu.yield
    }) : () -> ()
    %barrier3A = arith.constant 0 : index
    tpu.barrier barrier_id(%barrier3A)
    %mul3A_23 = arith.constant 16 : i32
    %mul3A_24 = arith.muli %arg0, %mul3A_23 : i32
    %add3A_25 = arith.addi %mul3A_24, %arg1 : i32
    %mul3A_26 = arith.constant 40 : i32
    %mul3A_27 = arith.muli %add3A_25, %mul3A_26 : i32
    "tpu.region"() ({
      %run_scoped3A = tpu.sem_alloc : memref<!tpu.dma_semaphore, #tpu.memory_space<semaphore_mem>>
      %dma_start3A = arith.constant 0 : i32
      %dma_start3A_37 = tpu.memref_slice %arg2[%mul3A_27, %dma_start3A] : memref<1280x125xi32, #tpu.memory_space<hbm>> -> memref<40x125xi32, #tpu.memory_space<hbm>>
      %dma_start3A_38 = arith.constant 0 : i32
      %dma_start3A_39 = tpu.memref_slice %arg2[%mul3A_27, %dma_start3A_38] : memref<1280x125xi32, #tpu.memory_space<hbm>> -> memref<40x125xi32, #tpu.memory_space<hbm>>
      tpu.enqueue_dma source(%dma_start3A_39 : memref<40x125xi32, #tpu.memory_space<hbm>>) target(%arg4 : memref<40x125xi32, #tpu.memory_space<vmem>>) target_semaphore(%run_scoped3A : memref<!tpu.dma_semaphore, #tpu.memory_space<semaphore_mem>>)
      %dma_wait3A = arith.constant 0 : i32
      %dma_wait3A_40 = tpu.memref_slice %arg2[%mul3A_27, %dma_wait3A] : memref<1280x125xi32, #tpu.memory_space<hbm>> -> memref<40x125xi32, #tpu.memory_space<hbm>>
      %dma_wait3A_41 = arith.constant 0 : i32
      %dma_wait3A_42 = tpu.memref_slice %arg2[%mul3A_27, %dma_wait3A_41] : memref<1280x125xi32, #tpu.memory_space<hbm>> -> memref<40x125xi32, #tpu.memory_space<hbm>>
      tpu.wait_dma2 semaphore(%run_scoped3A : memref<!tpu.dma_semaphore, #tpu.memory_space<semaphore_mem>>) src(%dma_wait3A_42 : memref<40x125xi32, #tpu.memory_space<hbm>>) dst(%arg4 : memref<40x125xi32, #tpu.memory_space<vmem>>)
      tpu.yield
    }) : () -> ()
    %scan3A_28 = arith.constant 0 : i32
    %scan3A_29 = arith.constant 0 : i32
    %scan3A_30 = arith.constant 40 : i32
    %scan3A_31 = arith.addi %scan3A_29, %scan3A_30 : i32
    %scan3A_32 = arith.constant 1 : i32
    scf.for %scan3A_37 = %scan3A_29 to %scan3A_31 step %scan3A_32  : i32 {
      "tpu.region"() ({
        %run_scoped3A = tpu.sem_alloc : memref<!tpu.dma_semaphore, #tpu.memory_space<semaphore_mem>>
        %dma_start3A = arith.constant 0 : i32
        %dma_start3A_38 = arith.constant 0 : i32
        %dma_start3A_39 = tpu.memref_slice %arg5[%dma_start3A, %dma_start3A_38] : memref<128x16xf32, #tpu.memory_space<vmem>> -> memref<125x16xf32, #tpu.memory_space<vmem>>
        %dma_start3A_40 = arith.constant 0 : i32
        %dma_start3A_41 = tpu.memref_slice %arg4[%scan3A_37, %dma_start3A_40] : memref<40x125xi32, #tpu.memory_space<vmem>> -> memref<1x125xi32, #tpu.memory_space<vmem>>
        %dma_start3A_42 = tpu.memref_squeeze %dma_start3A_41 : memref<1x125xi32, #tpu.memory_space<vmem>> -> memref<125xi32, #tpu.memory_space<vmem>>
        %dma_start3A_43 = arith.constant 0 : i32
        %dma_start3A_44 = arith.constant 0 : i32
        %dma_start3A_45 = tpu.memref_slice %arg7[%dma_start3A_43, %dma_start3A_44] : memref<10240x16xf32, #tpu.memory_space<vmem_shared>> -> memref<10240x16xf32, #tpu.memory_space<vmem_shared>>
        tpu.enqueue_indirect_dma source(%dma_start3A_39 : memref<125x16xf32, #tpu.memory_space<vmem>>) target(%dma_start3A_45 : memref<10240x16xf32, #tpu.memory_space<vmem_shared>>) offsets(%dma_start3A_42 : memref<125xi32, #tpu.memory_space<vmem>>) semaphore(%run_scoped3A : memref<!tpu.dma_semaphore, #tpu.memory_space<semaphore_mem>>) {add = true}
        %dma_wait3A = arith.constant 0 : i32
        %dma_wait3A_46 = arith.constant 0 : i32
        %dma_wait3A_47 = tpu.memref_slice %arg5[%dma_wait3A, %dma_wait3A_46] : memref<128x16xf32, #tpu.memory_space<vmem>> -> memref<125x16xf32, #tpu.memory_space<vmem>>
        %dma_wait3A_48 = arith.constant 0 : i32
        %dma_wait3A_49 = tpu.memref_slice %arg4[%scan3A_37, %dma_wait3A_48] : memref<40x125xi32, #tpu.memory_space<vmem>> -> memref<1x125xi32, #tpu.memory_space<vmem>>
        %dma_wait3A_50 = tpu.memref_squeeze %dma_wait3A_49 : memref<1x125xi32, #tpu.memory_space<vmem>> -> memref<125xi32, #tpu.memory_space<vmem>>
        %dma_wait3A_51 = arith.constant 0 : i32
        %dma_wait3A_52 = arith.constant 0 : i32
        %dma_wait3A_53 = tpu.memref_slice %arg7[%dma_wait3A_51, %dma_wait3A_52] : memref<10240x16xf32, #tpu.memory_space<vmem_shared>> -> memref<10240x16xf32, #tpu.memory_space<vmem_shared>>
        tpu.wait_indirect_dma semaphore(%run_scoped3A : memref<!tpu.dma_semaphore, #tpu.memory_space<semaphore_mem>>) src(%dma_wait3A_47 : memref<125x16xf32, #tpu.memory_space<vmem>>) dst(%dma_wait3A_53 : memref<10240x16xf32, #tpu.memory_space<vmem_shared>>)
        tpu.yield
      }) : () -> ()
    }
    %scan3A_33 = arith.constant 40 : i32
    %barrier3A_34 = arith.constant 0 : index
    tpu.barrier barrier_id(%barrier3A_34)
    %mul3A_35 = arith.constant 640 : i32
    %mul3A_36 = arith.muli %arg1, %mul3A_35 : i32
    "tpu.region"() ({
      %run_scoped3A = tpu.sem_alloc : memref<!tpu.dma_semaphore, #tpu.memory_space<semaphore_mem>>
      %dma_start3A = arith.constant 0 : i32
      %dma_start3A_37 = tpu.memref_slice %arg3[%arg0, %mul3A_36, %dma_start3A] : memref<2x10240x16xf32, #tpu.memory_space<hbm>> -> memref<1x640x16xf32, #tpu.memory_space<hbm>>
      %dma_start3A_38 = tpu.memref_squeeze %dma_start3A_37 : memref<1x640x16xf32, #tpu.memory_space<hbm>> -> memref<640x16xf32, #tpu.memory_space<hbm>>
      %dma_start3A_39 = arith.constant 0 : i32
      %dma_start3A_40 = tpu.memref_slice %arg7[%mul3A_36, %dma_start3A_39] : memref<10240x16xf32, #tpu.memory_space<vmem_shared>> -> memref<640x16xf32, #tpu.memory_space<vmem_shared>>
      tpu.enqueue_dma source(%dma_start3A_40 : memref<640x16xf32, #tpu.memory_space<vmem_shared>>) target(%dma_start3A_38 : memref<640x16xf32, #tpu.memory_space<hbm>>) target_semaphore(%run_scoped3A : memref<!tpu.dma_semaphore, #tpu.memory_space<semaphore_mem>>)
      %dma_wait3A = arith.constant 0 : i32
      %dma_wait3A_41 = tpu.memref_slice %arg3[%arg0, %mul3A_36, %dma_wait3A] : memref<2x10240x16xf32, #tpu.memory_space<hbm>> -> memref<1x640x16xf32, #tpu.memory_space<hbm>>
      %dma_wait3A_42 = tpu.memref_squeeze %dma_wait3A_41 : memref<1x640x16xf32, #tpu.memory_space<hbm>> -> memref<640x16xf32, #tpu.memory_space<hbm>>
      %dma_wait3A_43 = arith.constant 0 : i32
      %dma_wait3A_44 = tpu.memref_slice %arg7[%mul3A_36, %dma_wait3A_43] : memref<10240x16xf32, #tpu.memory_space<vmem_shared>> -> memref<640x16xf32, #tpu.memory_space<vmem_shared>>
      tpu.wait_dma2 semaphore(%run_scoped3A : memref<!tpu.dma_semaphore, #tpu.memory_space<semaphore_mem>>) src(%dma_wait3A_44 : memref<640x16xf32, #tpu.memory_space<vmem_shared>>) dst(%dma_wait3A_42 : memref<640x16xf32, #tpu.memory_space<hbm>>)
      tpu.yield
    }) : () -> ()
    return
  }
}

#map = affine_map<(d0, d1) -> (0, 0)>
#map1 = affine_map<(d0, d1) -> (0, 0, 0)>
module attributes {stable_mosaic.version = 14 : i64} {
  func.func @_agg_body(%arg0: i32, %arg1: i32, %arg2: memref<10000x128xf32, #tpu.memory_space<hbm>>, %arg3: memref<1280x125xi32, #tpu.memory_space<hbm>>, %arg4: memref<1280x125xi32, #tpu.memory_space<hbm>>, %arg5: memref<2x10240x128xf32, #tpu.memory_space<hbm>>, %arg6: memref<40x125xi32, #tpu.memory_space<vmem>>, %arg7: memref<40x125xi32, #tpu.memory_space<vmem>>, %arg8: memref<2x128x128xf32, #tpu.memory_space<vmem>>, %arg9: memref<!tpu.dma_semaphore, #tpu.memory_space<semaphore_mem>>, %arg10: memref<!tpu.dma_semaphore, #tpu.memory_space<semaphore_mem>>, %arg11: memref<!tpu.dma_semaphore, #tpu.memory_space<semaphore_mem>>, %arg12: memref<!tpu.dma_semaphore, #tpu.memory_space<semaphore_mem>>, %arg13: memref<10240x128xf32, #tpu.memory_space<vmem_shared>>) attributes {dimension_semantics = [#tpu.dimension_semantics<core_parallel>, #tpu.dimension_semantics<subcore_parallel>], iteration_bounds = array<i64: 2, 16>, scalar_prefetch = 0 : i64, scratch_operands = 8 : i64, tpu.core_type = #tpu.core_type<sc_vector_subcore>, window_params = [{transform_indices = #map}, {transform_indices = #map}, {transform_indices = #map}, {transform_indices = #map1}]} {
    %scan3A = arith.constant 0 : i32
    %scan3A_0 = arith.constant 0 : i32
    %scan3A_1 = arith.constant 128 : i32
    %scan3A_2 = arith.addi %scan3A_0, %scan3A_1 : i32
    %scan3A_3 = arith.constant 1 : i32
    scf.for %scan3A_67 = %scan3A_0 to %scan3A_2 step %scan3A_3  : i32 {
      %broadcast_in_dim3A = arith.constant 0.000000e+00 : f32
      %broadcast_in_dim3A_68 = vector.broadcast %broadcast_in_dim3A : f32 to vector<16xf32>
      %swap3A = arith.constant 0 : i32
      %swap3A_69 = arith.index_cast %swap3A : i32 to index
      %swap3A_70 = arith.index_cast %scan3A_67 : i32 to index
      %swap3A_71 = arith.constant 0 : index
      %swap3A_72 = tpu.vector_load %arg8[%swap3A_69, %swap3A_70, %swap3A_71] {strides = array<i32>} : memref<2x128x128xf32, #tpu.memory_space<vmem>>, vector<1x1x16xf32>,
      %swap3A_73 = vector.shape_cast %swap3A_72 : vector<1x1x16xf32> to vector<16xf32>
      %swap3A_74 = vector.shape_cast %broadcast_in_dim3A_68 : vector<16xf32> to vector<1x1x16xf32>
      tpu.vector_store %arg8[%swap3A_69, %swap3A_70, %swap3A_71], %swap3A_74 {strides = array<i32>} : memref<2x128x128xf32, #tpu.memory_space<vmem>>, vector<1x1x16xf32>,
      %broadcast_in_dim3A_75 = arith.constant 0.000000e+00 : f32
      %broadcast_in_dim3A_76 = vector.broadcast %broadcast_in_dim3A_75 : f32 to vector<16xf32>
      %swap3A_77 = arith.constant 0 : i32
      %swap3A_78 = arith.index_cast %swap3A_77 : i32 to index
      %swap3A_79 = arith.index_cast %scan3A_67 : i32 to index
      %swap3A_80 = arith.constant 16 : index
      %swap3A_81 = tpu.vector_load %arg8[%swap3A_78, %swap3A_79, %swap3A_80] {strides = array<i32>} : memref<2x128x128xf32, #tpu.memory_space<vmem>>, vector<1x1x16xf32>,
      %swap3A_82 = vector.shape_cast %swap3A_81 : vector<1x1x16xf32> to vector<16xf32>
      %swap3A_83 = vector.shape_cast %broadcast_in_dim3A_76 : vector<16xf32> to vector<1x1x16xf32>
      tpu.vector_store %arg8[%swap3A_78, %swap3A_79, %swap3A_80], %swap3A_83 {strides = array<i32>} : memref<2x128x128xf32, #tpu.memory_space<vmem>>, vector<1x1x16xf32>,
      %broadcast_in_dim3A_84 = arith.constant 0.000000e+00 : f32
      %broadcast_in_dim3A_85 = vector.broadcast %broadcast_in_dim3A_84 : f32 to vector<16xf32>
      %swap3A_86 = arith.constant 0 : i32
      %swap3A_87 = arith.index_cast %swap3A_86 : i32 to index
      %swap3A_88 = arith.index_cast %scan3A_67 : i32 to index
      %swap3A_89 = arith.constant 32 : index
      %swap3A_90 = tpu.vector_load %arg8[%swap3A_87, %swap3A_88, %swap3A_89] {strides = array<i32>} : memref<2x128x128xf32, #tpu.memory_space<vmem>>, vector<1x1x16xf32>,
      %swap3A_91 = vector.shape_cast %swap3A_90 : vector<1x1x16xf32> to vector<16xf32>
      %swap3A_92 = vector.shape_cast %broadcast_in_dim3A_85 : vector<16xf32> to vector<1x1x16xf32>
      tpu.vector_store %arg8[%swap3A_87, %swap3A_88, %swap3A_89], %swap3A_92 {strides = array<i32>} : memref<2x128x128xf32, #tpu.memory_space<vmem>>, vector<1x1x16xf32>,
      %broadcast_in_dim3A_93 = arith.constant 0.000000e+00 : f32
      %broadcast_in_dim3A_94 = vector.broadcast %broadcast_in_dim3A_93 : f32 to vector<16xf32>
      %swap3A_95 = arith.constant 0 : i32
      %swap3A_96 = arith.index_cast %swap3A_95 : i32 to index
      %swap3A_97 = arith.index_cast %scan3A_67 : i32 to index
      %swap3A_98 = arith.constant 48 : index
      %swap3A_99 = tpu.vector_load %arg8[%swap3A_96, %swap3A_97, %swap3A_98] {strides = array<i32>} : memref<2x128x128xf32, #tpu.memory_space<vmem>>, vector<1x1x16xf32>,
      %swap3A_100 = vector.shape_cast %swap3A_99 : vector<1x1x16xf32> to vector<16xf32>
      %swap3A_101 = vector.shape_cast %broadcast_in_dim3A_94 : vector<16xf32> to vector<1x1x16xf32>
      tpu.vector_store %arg8[%swap3A_96, %swap3A_97, %swap3A_98], %swap3A_101 {strides = array<i32>} : memref<2x128x128xf32, #tpu.memory_space<vmem>>, vector<1x1x16xf32>,
      %broadcast_in_dim3A_102 = arith.constant 0.000000e+00 : f32
      %broadcast_in_dim3A_103 = vector.broadcast %broadcast_in_dim3A_102 : f32 to vector<16xf32>
      %swap3A_104 = arith.constant 0 : i32
      %swap3A_105 = arith.index_cast %swap3A_104 : i32 to index
      %swap3A_106 = arith.index_cast %scan3A_67 : i32 to index
      %swap3A_107 = arith.constant 64 : index
      %swap3A_108 = tpu.vector_load %arg8[%swap3A_105, %swap3A_106, %swap3A_107] {strides = array<i32>} : memref<2x128x128xf32, #tpu.memory_space<vmem>>, vector<1x1x16xf32>,
      %swap3A_109 = vector.shape_cast %swap3A_108 : vector<1x1x16xf32> to vector<16xf32>
      %swap3A_110 = vector.shape_cast %broadcast_in_dim3A_103 : vector<16xf32> to vector<1x1x16xf32>
      tpu.vector_store %arg8[%swap3A_105, %swap3A_106, %swap3A_107], %swap3A_110 {strides = array<i32>} : memref<2x128x128xf32, #tpu.memory_space<vmem>>, vector<1x1x16xf32>,
      %broadcast_in_dim3A_111 = arith.constant 0.000000e+00 : f32
      %broadcast_in_dim3A_112 = vector.broadcast %broadcast_in_dim3A_111 : f32 to vector<16xf32>
      %swap3A_113 = arith.constant 0 : i32
      %swap3A_114 = arith.index_cast %swap3A_113 : i32 to index
      %swap3A_115 = arith.index_cast %scan3A_67 : i32 to index
      %swap3A_116 = arith.constant 80 : index
      %swap3A_117 = tpu.vector_load %arg8[%swap3A_114, %swap3A_115, %swap3A_116] {strides = array<i32>} : memref<2x128x128xf32, #tpu.memory_space<vmem>>, vector<1x1x16xf32>,
      %swap3A_118 = vector.shape_cast %swap3A_117 : vector<1x1x16xf32> to vector<16xf32>
      %swap3A_119 = vector.shape_cast %broadcast_in_dim3A_112 : vector<16xf32> to vector<1x1x16xf32>
      tpu.vector_store %arg8[%swap3A_114, %swap3A_115, %swap3A_116], %swap3A_119 {strides = array<i32>} : memref<2x128x128xf32, #tpu.memory_space<vmem>>, vector<1x1x16xf32>,
      %broadcast_in_dim3A_120 = arith.constant 0.000000e+00 : f32
      %broadcast_in_dim3A_121 = vector.broadcast %broadcast_in_dim3A_120 : f32 to vector<16xf32>
      %swap3A_122 = arith.constant 0 : i32
      %swap3A_123 = arith.index_cast %swap3A_122 : i32 to index
      %swap3A_124 = arith.index_cast %scan3A_67 : i32 to index
      %swap3A_125 = arith.constant 96 : index
      %swap3A_126 = tpu.vector_load %arg8[%swap3A_123, %swap3A_124, %swap3A_125] {strides = array<i32>} : memref<2x128x128xf32, #tpu.memory_space<vmem>>, vector<1x1x16xf32>,
      %swap3A_127 = vector.shape_cast %swap3A_126 : vector<1x1x16xf32> to vector<16xf32>
      %swap3A_128 = vector.shape_cast %broadcast_in_dim3A_121 : vector<16xf32> to vector<1x1x16xf32>
      tpu.vector_store %arg8[%swap3A_123, %swap3A_124, %swap3A_125], %swap3A_128 {strides = array<i32>} : memref<2x128x128xf32, #tpu.memory_space<vmem>>, vector<1x1x16xf32>,
      %broadcast_in_dim3A_129 = arith.constant 0.000000e+00 : f32
      %broadcast_in_dim3A_130 = vector.broadcast %broadcast_in_dim3A_129 : f32 to vector<16xf32>
      %swap3A_131 = arith.constant 0 : i32
      %swap3A_132 = arith.index_cast %swap3A_131 : i32 to index
      %swap3A_133 = arith.index_cast %scan3A_67 : i32 to index
      %swap3A_134 = arith.constant 112 : index
      %swap3A_135 = tpu.vector_load %arg8[%swap3A_132, %swap3A_133, %swap3A_134] {strides = array<i32>} : memref<2x128x128xf32, #tpu.memory_space<vmem>>, vector<1x1x16xf32>,
      %swap3A_136 = vector.shape_cast %swap3A_135 : vector<1x1x16xf32> to vector<16xf32>
      %swap3A_137 = vector.shape_cast %broadcast_in_dim3A_130 : vector<16xf32> to vector<1x1x16xf32>
      tpu.vector_store %arg8[%swap3A_132, %swap3A_133, %swap3A_134], %swap3A_137 {strides = array<i32>} : memref<2x128x128xf32, #tpu.memory_space<vmem>>, vector<1x1x16xf32>,
    }
    %scan3A_4 = arith.constant 128 : i32
    %mul3A = arith.constant 640 : i32
    %mul3A_5 = arith.muli %arg1, %mul3A : i32
    %add3A = arith.constant 0 : i32
    %add3A_6 = arith.addi %mul3A_5, %add3A : i32
    %run_scoped3A = arith.constant 0 : i32
    "tpu.region"() ({
      %run_scoped3A_67 = tpu.sem_alloc : memref<!tpu.dma_semaphore, #tpu.memory_space<semaphore_mem>>
      %dma_start3A_68 = arith.constant 0 : i32
      %dma_start3A_69 = arith.constant 0 : i32
      %dma_start3A_70 = tpu.memref_slice %arg8[%run_scoped3A, %dma_start3A_68, %dma_start3A_69] : memref<2x128x128xf32, #tpu.memory_space<vmem>> -> memref<1x128x128xf32, #tpu.memory_space<vmem>>
      %dma_start3A_71 = tpu.memref_squeeze %dma_start3A_70 : memref<1x128x128xf32, #tpu.memory_space<vmem>> -> memref<128x128xf32, #tpu.memory_space<vmem>>
      %dma_start3A_72 = arith.constant 0 : i32
      %dma_start3A_73 = tpu.memref_slice %arg13[%add3A_6, %dma_start3A_72] : memref<10240x128xf32, #tpu.memory_space<vmem_shared>> -> memref<128x128xf32, #tpu.memory_space<vmem_shared>>
      %dma_start3A_74 = arith.constant 0 : i32
      %dma_start3A_75 = tpu.memref_slice %arg13[%add3A_6, %dma_start3A_74] : memref<10240x128xf32, #tpu.memory_space<vmem_shared>> -> memref<128x128xf32, #tpu.memory_space<vmem_shared>>
      %dma_start3A_76 = arith.constant 0 : i32
      %dma_start3A_77 = arith.constant 0 : i32
      %dma_start3A_78 = tpu.memref_slice %arg8[%run_scoped3A, %dma_start3A_76, %dma_start3A_77] : memref<2x128x128xf32, #tpu.memory_space<vmem>> -> memref<1x128x128xf32, #tpu.memory_space<vmem>>
      %dma_start3A_79 = tpu.memref_squeeze %dma_start3A_78 : memref<1x128x128xf32, #tpu.memory_space<vmem>> -> memref<128x128xf32, #tpu.memory_space<vmem>>
      tpu.enqueue_dma source(%dma_start3A_79 : memref<128x128xf32, #tpu.memory_space<vmem>>) target(%dma_start3A_75 : memref<128x128xf32, #tpu.memory_space<vmem_shared>>) target_semaphore(%run_scoped3A_67 : memref<!tpu.dma_semaphore, #tpu.memory_space<semaphore_mem>>)
      %dma_wait3A_80 = arith.constant 0 : i32
      %dma_wait3A_81 = arith.constant 0 : i32
      %dma_wait3A_82 = tpu.memref_slice %arg8[%run_scoped3A, %dma_wait3A_80, %dma_wait3A_81] : memref<2x128x128xf32, #tpu.memory_space<vmem>> -> memref<1x128x128xf32, #tpu.memory_space<vmem>>
      %dma_wait3A_83 = tpu.memref_squeeze %dma_wait3A_82 : memref<1x128x128xf32, #tpu.memory_space<vmem>> -> memref<128x128xf32, #tpu.memory_space<vmem>>
      %dma_wait3A_84 = arith.constant 0 : i32
      %dma_wait3A_85 = tpu.memref_slice %arg13[%add3A_6, %dma_wait3A_84] : memref<10240x128xf32, #tpu.memory_space<vmem_shared>> -> memref<128x128xf32, #tpu.memory_space<vmem_shared>>
      %dma_wait3A_86 = arith.constant 0 : i32
      %dma_wait3A_87 = tpu.memref_slice %arg13[%add3A_6, %dma_wait3A_86] : memref<10240x128xf32, #tpu.memory_space<vmem_shared>> -> memref<128x128xf32, #tpu.memory_space<vmem_shared>>
      %dma_wait3A_88 = arith.constant 0 : i32
      %dma_wait3A_89 = arith.constant 0 : i32
      %dma_wait3A_90 = tpu.memref_slice %arg8[%run_scoped3A, %dma_wait3A_88, %dma_wait3A_89] : memref<2x128x128xf32, #tpu.memory_space<vmem>> -> memref<1x128x128xf32, #tpu.memory_space<vmem>>
      %dma_wait3A_91 = tpu.memref_squeeze %dma_wait3A_90 : memref<1x128x128xf32, #tpu.memory_space<vmem>> -> memref<128x128xf32, #tpu.memory_space<vmem>>
      tpu.wait_dma2 semaphore(%run_scoped3A_67 : memref<!tpu.dma_semaphore, #tpu.memory_space<semaphore_mem>>) src(%dma_wait3A_91 : memref<128x128xf32, #tpu.memory_space<vmem>>) dst(%dma_wait3A_87 : memref<128x128xf32, #tpu.memory_space<vmem_shared>>)
      tpu.yield
    }) : () -> ()
    %mul3A_7 = arith.constant 640 : i32
    %mul3A_8 = arith.muli %arg1, %mul3A_7 : i32
    %add3A_9 = arith.constant 128 : i32
    %add3A_10 = arith.addi %mul3A_8, %add3A_9 : i32
    %run_scoped3A_11 = arith.constant 0 : i32
    "tpu.region"() ({
      %run_scoped3A_67 = tpu.sem_alloc : memref<!tpu.dma_semaphore, #tpu.memory_space<semaphore_mem>>
      %dma_start3A_68 = arith.constant 0 : i32
      %dma_start3A_69 = arith.constant 0 : i32
      %dma_start3A_70 = tpu.memref_slice %arg8[%run_scoped3A_11, %dma_start3A_68, %dma_start3A_69] : memref<2x128x128xf32, #tpu.memory_space<vmem>> -> memref<1x128x128xf32, #tpu.memory_space<vmem>>
      %dma_start3A_71 = tpu.memref_squeeze %dma_start3A_70 : memref<1x128x128xf32, #tpu.memory_space<vmem>> -> memref<128x128xf32, #tpu.memory_space<vmem>>
      %dma_start3A_72 = arith.constant 0 : i32
      %dma_start3A_73 = tpu.memref_slice %arg13[%add3A_10, %dma_start3A_72] : memref<10240x128xf32, #tpu.memory_space<vmem_shared>> -> memref<128x128xf32, #tpu.memory_space<vmem_shared>>
      %dma_start3A_74 = arith.constant 0 : i32
      %dma_start3A_75 = tpu.memref_slice %arg13[%add3A_10, %dma_start3A_74] : memref<10240x128xf32, #tpu.memory_space<vmem_shared>> -> memref<128x128xf32, #tpu.memory_space<vmem_shared>>
      %dma_start3A_76 = arith.constant 0 : i32
      %dma_start3A_77 = arith.constant 0 : i32
      %dma_start3A_78 = tpu.memref_slice %arg8[%run_scoped3A_11, %dma_start3A_76, %dma_start3A_77] : memref<2x128x128xf32, #tpu.memory_space<vmem>> -> memref<1x128x128xf32, #tpu.memory_space<vmem>>
      %dma_start3A_79 = tpu.memref_squeeze %dma_start3A_78 : memref<1x128x128xf32, #tpu.memory_space<vmem>> -> memref<128x128xf32, #tpu.memory_space<vmem>>
      tpu.enqueue_dma source(%dma_start3A_79 : memref<128x128xf32, #tpu.memory_space<vmem>>) target(%dma_start3A_75 : memref<128x128xf32, #tpu.memory_space<vmem_shared>>) target_semaphore(%run_scoped3A_67 : memref<!tpu.dma_semaphore, #tpu.memory_space<semaphore_mem>>)
      %dma_wait3A_80 = arith.constant 0 : i32
      %dma_wait3A_81 = arith.constant 0 : i32
      %dma_wait3A_82 = tpu.memref_slice %arg8[%run_scoped3A_11, %dma_wait3A_80, %dma_wait3A_81] : memref<2x128x128xf32, #tpu.memory_space<vmem>> -> memref<1x128x128xf32, #tpu.memory_space<vmem>>
      %dma_wait3A_83 = tpu.memref_squeeze %dma_wait3A_82 : memref<1x128x128xf32, #tpu.memory_space<vmem>> -> memref<128x128xf32, #tpu.memory_space<vmem>>
      %dma_wait3A_84 = arith.constant 0 : i32
      %dma_wait3A_85 = tpu.memref_slice %arg13[%add3A_10, %dma_wait3A_84] : memref<10240x128xf32, #tpu.memory_space<vmem_shared>> -> memref<128x128xf32, #tpu.memory_space<vmem_shared>>
      %dma_wait3A_86 = arith.constant 0 : i32
      %dma_wait3A_87 = tpu.memref_slice %arg13[%add3A_10, %dma_wait3A_86] : memref<10240x128xf32, #tpu.memory_space<vmem_shared>> -> memref<128x128xf32, #tpu.memory_space<vmem_shared>>
      %dma_wait3A_88 = arith.constant 0 : i32
      %dma_wait3A_89 = arith.constant 0 : i32
      %dma_wait3A_90 = tpu.memref_slice %arg8[%run_scoped3A_11, %dma_wait3A_88, %dma_wait3A_89] : memref<2x128x128xf32, #tpu.memory_space<vmem>> -> memref<1x128x128xf32, #tpu.memory_space<vmem>>
      %dma_wait3A_91 = tpu.memref_squeeze %dma_wait3A_90 : memref<1x128x128xf32, #tpu.memory_space<vmem>> -> memref<128x128xf32, #tpu.memory_space<vmem>>
      tpu.wait_dma2 semaphore(%run_scoped3A_67 : memref<!tpu.dma_semaphore, #tpu.memory_space<semaphore_mem>>) src(%dma_wait3A_91 : memref<128x128xf32, #tpu.memory_space<vmem>>) dst(%dma_wait3A_87 : memref<128x128xf32, #tpu.memory_space<vmem_shared>>)
      tpu.yield
    }) : () -> ()
    %mul3A_12 = arith.constant 640 : i32
    %mul3A_13 = arith.muli %arg1, %mul3A_12 : i32
    %add3A_14 = arith.constant 256 : i32
    %add3A_15 = arith.addi %mul3A_13, %add3A_14 : i32
    %run_scoped3A_16 = arith.constant 0 : i32
    "tpu.region"() ({
      %run_scoped3A_67 = tpu.sem_alloc : memref<!tpu.dma_semaphore, #tpu.memory_space<semaphore_mem>>
      %dma_start3A_68 = arith.constant 0 : i32
      %dma_start3A_69 = arith.constant 0 : i32
      %dma_start3A_70 = tpu.memref_slice %arg8[%run_scoped3A_16, %dma_start3A_68, %dma_start3A_69] : memref<2x128x128xf32, #tpu.memory_space<vmem>> -> memref<1x128x128xf32, #tpu.memory_space<vmem>>
      %dma_start3A_71 = tpu.memref_squeeze %dma_start3A_70 : memref<1x128x128xf32, #tpu.memory_space<vmem>> -> memref<128x128xf32, #tpu.memory_space<vmem>>
      %dma_start3A_72 = arith.constant 0 : i32
      %dma_start3A_73 = tpu.memref_slice %arg13[%add3A_15, %dma_start3A_72] : memref<10240x128xf32, #tpu.memory_space<vmem_shared>> -> memref<128x128xf32, #tpu.memory_space<vmem_shared>>
      %dma_start3A_74 = arith.constant 0 : i32
      %dma_start3A_75 = tpu.memref_slice %arg13[%add3A_15, %dma_start3A_74] : memref<10240x128xf32, #tpu.memory_space<vmem_shared>> -> memref<128x128xf32, #tpu.memory_space<vmem_shared>>
      %dma_start3A_76 = arith.constant 0 : i32
      %dma_start3A_77 = arith.constant 0 : i32
      %dma_start3A_78 = tpu.memref_slice %arg8[%run_scoped3A_16, %dma_start3A_76, %dma_start3A_77] : memref<2x128x128xf32, #tpu.memory_space<vmem>> -> memref<1x128x128xf32, #tpu.memory_space<vmem>>
      %dma_start3A_79 = tpu.memref_squeeze %dma_start3A_78 : memref<1x128x128xf32, #tpu.memory_space<vmem>> -> memref<128x128xf32, #tpu.memory_space<vmem>>
      tpu.enqueue_dma source(%dma_start3A_79 : memref<128x128xf32, #tpu.memory_space<vmem>>) target(%dma_start3A_75 : memref<128x128xf32, #tpu.memory_space<vmem_shared>>) target_semaphore(%run_scoped3A_67 : memref<!tpu.dma_semaphore, #tpu.memory_space<semaphore_mem>>)
      %dma_wait3A_80 = arith.constant 0 : i32
      %dma_wait3A_81 = arith.constant 0 : i32
      %dma_wait3A_82 = tpu.memref_slice %arg8[%run_scoped3A_16, %dma_wait3A_80, %dma_wait3A_81] : memref<2x128x128xf32, #tpu.memory_space<vmem>> -> memref<1x128x128xf32, #tpu.memory_space<vmem>>
      %dma_wait3A_83 = tpu.memref_squeeze %dma_wait3A_82 : memref<1x128x128xf32, #tpu.memory_space<vmem>> -> memref<128x128xf32, #tpu.memory_space<vmem>>
      %dma_wait3A_84 = arith.constant 0 : i32
      %dma_wait3A_85 = tpu.memref_slice %arg13[%add3A_15, %dma_wait3A_84] : memref<10240x128xf32, #tpu.memory_space<vmem_shared>> -> memref<128x128xf32, #tpu.memory_space<vmem_shared>>
      %dma_wait3A_86 = arith.constant 0 : i32
      %dma_wait3A_87 = tpu.memref_slice %arg13[%add3A_15, %dma_wait3A_86] : memref<10240x128xf32, #tpu.memory_space<vmem_shared>> -> memref<128x128xf32, #tpu.memory_space<vmem_shared>>
      %dma_wait3A_88 = arith.constant 0 : i32
      %dma_wait3A_89 = arith.constant 0 : i32
      %dma_wait3A_90 = tpu.memref_slice %arg8[%run_scoped3A_16, %dma_wait3A_88, %dma_wait3A_89] : memref<2x128x128xf32, #tpu.memory_space<vmem>> -> memref<1x128x128xf32, #tpu.memory_space<vmem>>
      %dma_wait3A_91 = tpu.memref_squeeze %dma_wait3A_90 : memref<1x128x128xf32, #tpu.memory_space<vmem>> -> memref<128x128xf32, #tpu.memory_space<vmem>>
      tpu.wait_dma2 semaphore(%run_scoped3A_67 : memref<!tpu.dma_semaphore, #tpu.memory_space<semaphore_mem>>) src(%dma_wait3A_91 : memref<128x128xf32, #tpu.memory_space<vmem>>) dst(%dma_wait3A_87 : memref<128x128xf32, #tpu.memory_space<vmem_shared>>)
      tpu.yield
    }) : () -> ()
    %mul3A_17 = arith.constant 640 : i32
    %mul3A_18 = arith.muli %arg1, %mul3A_17 : i32
    %add3A_19 = arith.constant 384 : i32
    %add3A_20 = arith.addi %mul3A_18, %add3A_19 : i32
    %run_scoped3A_21 = arith.constant 0 : i32
    "tpu.region"() ({
      %run_scoped3A_67 = tpu.sem_alloc : memref<!tpu.dma_semaphore, #tpu.memory_space<semaphore_mem>>
      %dma_start3A_68 = arith.constant 0 : i32
      %dma_start3A_69 = arith.constant 0 : i32
      %dma_start3A_70 = tpu.memref_slice %arg8[%run_scoped3A_21, %dma_start3A_68, %dma_start3A_69] : memref<2x128x128xf32, #tpu.memory_space<vmem>> -> memref<1x128x128xf32, #tpu.memory_space<vmem>>
      %dma_start3A_71 = tpu.memref_squeeze %dma_start3A_70 : memref<1x128x128xf32, #tpu.memory_space<vmem>> -> memref<128x128xf32, #tpu.memory_space<vmem>>
      %dma_start3A_72 = arith.constant 0 : i32
      %dma_start3A_73 = tpu.memref_slice %arg13[%add3A_20, %dma_start3A_72] : memref<10240x128xf32, #tpu.memory_space<vmem_shared>> -> memref<128x128xf32, #tpu.memory_space<vmem_shared>>
      %dma_start3A_74 = arith.constant 0 : i32
      %dma_start3A_75 = tpu.memref_slice %arg13[%add3A_20, %dma_start3A_74] : memref<10240x128xf32, #tpu.memory_space<vmem_shared>> -> memref<128x128xf32, #tpu.memory_space<vmem_shared>>
      %dma_start3A_76 = arith.constant 0 : i32
      %dma_start3A_77 = arith.constant 0 : i32
      %dma_start3A_78 = tpu.memref_slice %arg8[%run_scoped3A_21, %dma_start3A_76, %dma_start3A_77] : memref<2x128x128xf32, #tpu.memory_space<vmem>> -> memref<1x128x128xf32, #tpu.memory_space<vmem>>
      %dma_start3A_79 = tpu.memref_squeeze %dma_start3A_78 : memref<1x128x128xf32, #tpu.memory_space<vmem>> -> memref<128x128xf32, #tpu.memory_space<vmem>>
      tpu.enqueue_dma source(%dma_start3A_79 : memref<128x128xf32, #tpu.memory_space<vmem>>) target(%dma_start3A_75 : memref<128x128xf32, #tpu.memory_space<vmem_shared>>) target_semaphore(%run_scoped3A_67 : memref<!tpu.dma_semaphore, #tpu.memory_space<semaphore_mem>>)
      %dma_wait3A_80 = arith.constant 0 : i32
      %dma_wait3A_81 = arith.constant 0 : i32
      %dma_wait3A_82 = tpu.memref_slice %arg8[%run_scoped3A_21, %dma_wait3A_80, %dma_wait3A_81] : memref<2x128x128xf32, #tpu.memory_space<vmem>> -> memref<1x128x128xf32, #tpu.memory_space<vmem>>
      %dma_wait3A_83 = tpu.memref_squeeze %dma_wait3A_82 : memref<1x128x128xf32, #tpu.memory_space<vmem>> -> memref<128x128xf32, #tpu.memory_space<vmem>>
      %dma_wait3A_84 = arith.constant 0 : i32
      %dma_wait3A_85 = tpu.memref_slice %arg13[%add3A_20, %dma_wait3A_84] : memref<10240x128xf32, #tpu.memory_space<vmem_shared>> -> memref<128x128xf32, #tpu.memory_space<vmem_shared>>
      %dma_wait3A_86 = arith.constant 0 : i32
      %dma_wait3A_87 = tpu.memref_slice %arg13[%add3A_20, %dma_wait3A_86] : memref<10240x128xf32, #tpu.memory_space<vmem_shared>> -> memref<128x128xf32, #tpu.memory_space<vmem_shared>>
      %dma_wait3A_88 = arith.constant 0 : i32
      %dma_wait3A_89 = arith.constant 0 : i32
      %dma_wait3A_90 = tpu.memref_slice %arg8[%run_scoped3A_21, %dma_wait3A_88, %dma_wait3A_89] : memref<2x128x128xf32, #tpu.memory_space<vmem>> -> memref<1x128x128xf32, #tpu.memory_space<vmem>>
      %dma_wait3A_91 = tpu.memref_squeeze %dma_wait3A_90 : memref<1x128x128xf32, #tpu.memory_space<vmem>> -> memref<128x128xf32, #tpu.memory_space<vmem>>
      tpu.wait_dma2 semaphore(%run_scoped3A_67 : memref<!tpu.dma_semaphore, #tpu.memory_space<semaphore_mem>>) src(%dma_wait3A_91 : memref<128x128xf32, #tpu.memory_space<vmem>>) dst(%dma_wait3A_87 : memref<128x128xf32, #tpu.memory_space<vmem_shared>>)
      tpu.yield
    }) : () -> ()
    %mul3A_22 = arith.constant 640 : i32
    %mul3A_23 = arith.muli %arg1, %mul3A_22 : i32
    %add3A_24 = arith.constant 512 : i32
    %add3A_25 = arith.addi %mul3A_23, %add3A_24 : i32
    %run_scoped3A_26 = arith.constant 0 : i32
    "tpu.region"() ({
      %run_scoped3A_67 = tpu.sem_alloc : memref<!tpu.dma_semaphore, #tpu.memory_space<semaphore_mem>>
      %dma_start3A_68 = arith.constant 0 : i32
      %dma_start3A_69 = arith.constant 0 : i32
      %dma_start3A_70 = tpu.memref_slice %arg8[%run_scoped3A_26, %dma_start3A_68, %dma_start3A_69] : memref<2x128x128xf32, #tpu.memory_space<vmem>> -> memref<1x128x128xf32, #tpu.memory_space<vmem>>
      %dma_start3A_71 = tpu.memref_squeeze %dma_start3A_70 : memref<1x128x128xf32, #tpu.memory_space<vmem>> -> memref<128x128xf32, #tpu.memory_space<vmem>>
      %dma_start3A_72 = arith.constant 0 : i32
      %dma_start3A_73 = tpu.memref_slice %arg13[%add3A_25, %dma_start3A_72] : memref<10240x128xf32, #tpu.memory_space<vmem_shared>> -> memref<128x128xf32, #tpu.memory_space<vmem_shared>>
      %dma_start3A_74 = arith.constant 0 : i32
      %dma_start3A_75 = tpu.memref_slice %arg13[%add3A_25, %dma_start3A_74] : memref<10240x128xf32, #tpu.memory_space<vmem_shared>> -> memref<128x128xf32, #tpu.memory_space<vmem_shared>>
      %dma_start3A_76 = arith.constant 0 : i32
      %dma_start3A_77 = arith.constant 0 : i32
      %dma_start3A_78 = tpu.memref_slice %arg8[%run_scoped3A_26, %dma_start3A_76, %dma_start3A_77] : memref<2x128x128xf32, #tpu.memory_space<vmem>> -> memref<1x128x128xf32, #tpu.memory_space<vmem>>
      %dma_start3A_79 = tpu.memref_squeeze %dma_start3A_78 : memref<1x128x128xf32, #tpu.memory_space<vmem>> -> memref<128x128xf32, #tpu.memory_space<vmem>>
      tpu.enqueue_dma source(%dma_start3A_79 : memref<128x128xf32, #tpu.memory_space<vmem>>) target(%dma_start3A_75 : memref<128x128xf32, #tpu.memory_space<vmem_shared>>) target_semaphore(%run_scoped3A_67 : memref<!tpu.dma_semaphore, #tpu.memory_space<semaphore_mem>>)
      %dma_wait3A_80 = arith.constant 0 : i32
      %dma_wait3A_81 = arith.constant 0 : i32
      %dma_wait3A_82 = tpu.memref_slice %arg8[%run_scoped3A_26, %dma_wait3A_80, %dma_wait3A_81] : memref<2x128x128xf32, #tpu.memory_space<vmem>> -> memref<1x128x128xf32, #tpu.memory_space<vmem>>
      %dma_wait3A_83 = tpu.memref_squeeze %dma_wait3A_82 : memref<1x128x128xf32, #tpu.memory_space<vmem>> -> memref<128x128xf32, #tpu.memory_space<vmem>>
      %dma_wait3A_84 = arith.constant 0 : i32
      %dma_wait3A_85 = tpu.memref_slice %arg13[%add3A_25, %dma_wait3A_84] : memref<10240x128xf32, #tpu.memory_space<vmem_shared>> -> memref<128x128xf32, #tpu.memory_space<vmem_shared>>
      %dma_wait3A_86 = arith.constant 0 : i32
      %dma_wait3A_87 = tpu.memref_slice %arg13[%add3A_25, %dma_wait3A_86] : memref<10240x128xf32, #tpu.memory_space<vmem_shared>> -> memref<128x128xf32, #tpu.memory_space<vmem_shared>>
      %dma_wait3A_88 = arith.constant 0 : i32
      %dma_wait3A_89 = arith.constant 0 : i32
      %dma_wait3A_90 = tpu.memref_slice %arg8[%run_scoped3A_26, %dma_wait3A_88, %dma_wait3A_89] : memref<2x128x128xf32, #tpu.memory_space<vmem>> -> memref<1x128x128xf32, #tpu.memory_space<vmem>>
      %dma_wait3A_91 = tpu.memref_squeeze %dma_wait3A_90 : memref<1x128x128xf32, #tpu.memory_space<vmem>> -> memref<128x128xf32, #tpu.memory_space<vmem>>
      tpu.wait_dma2 semaphore(%run_scoped3A_67 : memref<!tpu.dma_semaphore, #tpu.memory_space<semaphore_mem>>) src(%dma_wait3A_91 : memref<128x128xf32, #tpu.memory_space<vmem>>) dst(%dma_wait3A_87 : memref<128x128xf32, #tpu.memory_space<vmem_shared>>)
      tpu.yield
    }) : () -> ()
    %barrier3A = arith.constant 0 : index
    tpu.barrier barrier_id(%barrier3A)
    %mul3A_27 = arith.constant 16 : i32
    %mul3A_28 = arith.muli %arg0, %mul3A_27 : i32
    %add3A_29 = arith.addi %mul3A_28, %arg1 : i32
    %mul3A_30 = arith.constant 40 : i32
    %mul3A_31 = arith.muli %add3A_29, %mul3A_30 : i32
    "tpu.region"() ({
      %run_scoped3A_67 = tpu.sem_alloc : memref<!tpu.dma_semaphore, #tpu.memory_space<semaphore_mem>>
      %dma_start3A_68 = arith.constant 0 : i32
      %dma_start3A_69 = tpu.memref_slice %arg3[%mul3A_31, %dma_start3A_68] : memref<1280x125xi32, #tpu.memory_space<hbm>> -> memref<40x125xi32, #tpu.memory_space<hbm>>
      %dma_start3A_70 = arith.constant 0 : i32
      %dma_start3A_71 = tpu.memref_slice %arg3[%mul3A_31, %dma_start3A_70] : memref<1280x125xi32, #tpu.memory_space<hbm>> -> memref<40x125xi32, #tpu.memory_space<hbm>>
      tpu.enqueue_dma source(%dma_start3A_71 : memref<40x125xi32, #tpu.memory_space<hbm>>) target(%arg6 : memref<40x125xi32, #tpu.memory_space<vmem>>) target_semaphore(%run_scoped3A_67 : memref<!tpu.dma_semaphore, #tpu.memory_space<semaphore_mem>>)
      %dma_wait3A_72 = arith.constant 0 : i32
      %dma_wait3A_73 = tpu.memref_slice %arg3[%mul3A_31, %dma_wait3A_72] : memref<1280x125xi32, #tpu.memory_space<hbm>> -> memref<40x125xi32, #tpu.memory_space<hbm>>
      %dma_wait3A_74 = arith.constant 0 : i32
      %dma_wait3A_75 = tpu.memref_slice %arg3[%mul3A_31, %dma_wait3A_74] : memref<1280x125xi32, #tpu.memory_space<hbm>> -> memref<40x125xi32, #tpu.memory_space<hbm>>
      tpu.wait_dma2 semaphore(%run_scoped3A_67 : memref<!tpu.dma_semaphore, #tpu.memory_space<semaphore_mem>>) src(%dma_wait3A_75 : memref<40x125xi32, #tpu.memory_space<hbm>>) dst(%arg6 : memref<40x125xi32, #tpu.memory_space<vmem>>)
      tpu.yield
    }) : () -> ()
    "tpu.region"() ({
      %run_scoped3A_67 = tpu.sem_alloc : memref<!tpu.dma_semaphore, #tpu.memory_space<semaphore_mem>>
      %dma_start3A_68 = arith.constant 0 : i32
      %dma_start3A_69 = tpu.memref_slice %arg4[%mul3A_31, %dma_start3A_68] : memref<1280x125xi32, #tpu.memory_space<hbm>> -> memref<40x125xi32, #tpu.memory_space<hbm>>
      %dma_start3A_70 = arith.constant 0 : i32
      %dma_start3A_71 = tpu.memref_slice %arg4[%mul3A_31, %dma_start3A_70] : memref<1280x125xi32, #tpu.memory_space<hbm>> -> memref<40x125xi32, #tpu.memory_space<hbm>>
      tpu.enqueue_dma source(%dma_start3A_71 : memref<40x125xi32, #tpu.memory_space<hbm>>) target(%arg7 : memref<40x125xi32, #tpu.memory_space<vmem>>) target_semaphore(%run_scoped3A_67 : memref<!tpu.dma_semaphore, #tpu.memory_space<semaphore_mem>>)
      %dma_wait3A_72 = arith.constant 0 : i32
      %dma_wait3A_73 = tpu.memref_slice %arg4[%mul3A_31, %dma_wait3A_72] : memref<1280x125xi32, #tpu.memory_space<hbm>> -> memref<40x125xi32, #tpu.memory_space<hbm>>
      %dma_wait3A_74 = arith.constant 0 : i32
      %dma_wait3A_75 = tpu.memref_slice %arg4[%mul3A_31, %dma_wait3A_74] : memref<1280x125xi32, #tpu.memory_space<hbm>> -> memref<40x125xi32, #tpu.memory_space<hbm>>
      tpu.wait_dma2 semaphore(%run_scoped3A_67 : memref<!tpu.dma_semaphore, #tpu.memory_space<semaphore_mem>>) src(%dma_wait3A_75 : memref<40x125xi32, #tpu.memory_space<hbm>>) dst(%arg7 : memref<40x125xi32, #tpu.memory_space<vmem>>)
      tpu.yield
    }) : () -> ()
    %dma_start3A = arith.constant 0 : i32
    %dma_start3A_32 = arith.constant 0 : i32
    %dma_start3A_33 = arith.constant 0 : i32
    %dma_start3A_34 = arith.constant 0 : i32
    %dma_start3A_35 = tpu.memref_slice %arg8[%dma_start3A_32, %dma_start3A_33, %dma_start3A_34] : memref<2x128x128xf32, #tpu.memory_space<vmem>> -> memref<1x125x128xf32, #tpu.memory_space<vmem>>
    %dma_start3A_36 = tpu.memref_squeeze %dma_start3A_35 : memref<1x125x128xf32, #tpu.memory_space<vmem>> -> memref<125x128xf32, #tpu.memory_space<vmem>>
    %dma_start3A_37 = arith.constant 0 : i32
    %dma_start3A_38 = tpu.memref_slice %arg6[%dma_start3A, %dma_start3A_37] : memref<40x125xi32, #tpu.memory_space<vmem>> -> memref<1x125xi32, #tpu.memory_space<vmem>>
    %dma_start3A_39 = tpu.memref_squeeze %dma_start3A_38 : memref<1x125xi32, #tpu.memory_space<vmem>> -> memref<125xi32, #tpu.memory_space<vmem>>
    %dma_start3A_40 = arith.constant 0 : i32
    %dma_start3A_41 = arith.constant 0 : i32
    %dma_start3A_42 = tpu.memref_slice %arg2[%dma_start3A_40, %dma_start3A_41] : memref<10000x128xf32, #tpu.memory_space<hbm>> -> memref<10000x128xf32, #tpu.memory_space<hbm>>
    tpu.enqueue_indirect_dma source(%dma_start3A_42 : memref<10000x128xf32, #tpu.memory_space<hbm>>) target(%dma_start3A_36 : memref<125x128xf32, #tpu.memory_space<vmem>>) offsets(%dma_start3A_39 : memref<125xi32, #tpu.memory_space<vmem>>) semaphore(%arg9 : memref<!tpu.dma_semaphore, #tpu.memory_space<semaphore_mem>>)
    %dma_wait3A = arith.constant 0 : i32
    %dma_wait3A_43 = arith.constant 0 : i32
    %dma_wait3A_44 = arith.constant 0 : i32
    %dma_wait3A_45 = arith.constant 0 : i32
    %dma_wait3A_46 = tpu.memref_slice %arg8[%dma_wait3A_43, %dma_wait3A_44, %dma_wait3A_45] : memref<2x128x128xf32, #tpu.memory_space<vmem>> -> memref<1x125x128xf32, #tpu.memory_space<vmem>>
    %dma_wait3A_47 = tpu.memref_squeeze %dma_wait3A_46 : memref<1x125x128xf32, #tpu.memory_space<vmem>> -> memref<125x128xf32, #tpu.memory_space<vmem>>
    %dma_wait3A_48 = arith.constant 0 : i32
    %dma_wait3A_49 = tpu.memref_slice %arg6[%dma_wait3A, %dma_wait3A_48] : memref<40x125xi32, #tpu.memory_space<vmem>> -> memref<1x125xi32, #tpu.memory_space<vmem>>
    %dma_wait3A_50 = tpu.memref_squeeze %dma_wait3A_49 : memref<1x125xi32, #tpu.memory_space<vmem>> -> memref<125xi32, #tpu.memory_space<vmem>>
    %dma_wait3A_51 = arith.constant 0 : i32
    %dma_wait3A_52 = arith.constant 0 : i32
    %dma_wait3A_53 = tpu.memref_slice %arg2[%dma_wait3A_51, %dma_wait3A_52] : memref<10000x128xf32, #tpu.memory_space<hbm>> -> memref<10000x128xf32, #tpu.memory_space<hbm>>
    tpu.wait_indirect_dma semaphore(%arg9 : memref<!tpu.dma_semaphore, #tpu.memory_space<semaphore_mem>>) src(%dma_wait3A_53 : memref<10000x128xf32, #tpu.memory_space<hbm>>) dst(%dma_wait3A_47 : memref<125x128xf32, #tpu.memory_space<vmem>>)
    %scan3A_54 = arith.constant 0 : i32
    %scan3A_55 = arith.constant 1 : i32
    %scan3A_56 = arith.constant 0 : i32
    %scan3A_57 = arith.constant 0 : i32
    %scan3A_58 = arith.constant 20 : i32
    %scan3A_59 = arith.addi %scan3A_57, %scan3A_58 : i32
    %scan3A_60 = arith.constant 1 : i32
    scf.for %scan3A_67 = %scan3A_57 to %scan3A_59 step %scan3A_60  : i32 {
      %mul3A_68 = arith.constant 2 : i32
      %mul3A_69 = arith.muli %mul3A_68, %scan3A_67 : i32
      %add3A_70 = arith.constant 1 : i32
      %add3A_71 = arith.addi %mul3A_69, %add3A_70 : i32
      %dma_start3A_72 = arith.constant 0 : i32
      %dma_start3A_73 = arith.constant 0 : i32
      %dma_start3A_74 = tpu.memref_slice %arg8[%scan3A_55, %dma_start3A_72, %dma_start3A_73] : memref<2x128x128xf32, #tpu.memory_space<vmem>> -> memref<1x125x128xf32, #tpu.memory_space<vmem>>
      %dma_start3A_75 = tpu.memref_squeeze %dma_start3A_74 : memref<1x125x128xf32, #tpu.memory_space<vmem>> -> memref<125x128xf32, #tpu.memory_space<vmem>>
      %dma_start3A_76 = arith.constant 0 : i32
      %dma_start3A_77 = tpu.memref_slice %arg6[%add3A_71, %dma_start3A_76] : memref<40x125xi32, #tpu.memory_space<vmem>> -> memref<1x125xi32, #tpu.memory_space<vmem>>
      %dma_start3A_78 = tpu.memref_squeeze %dma_start3A_77 : memref<1x125xi32, #tpu.memory_space<vmem>> -> memref<125xi32, #tpu.memory_space<vmem>>
      %dma_start3A_79 = arith.constant 0 : i32
      %dma_start3A_80 = arith.constant 0 : i32
      %dma_start3A_81 = tpu.memref_slice %arg2[%dma_start3A_79, %dma_start3A_80] : memref<10000x128xf32, #tpu.memory_space<hbm>> -> memref<10000x128xf32, #tpu.memory_space<hbm>>
      tpu.enqueue_indirect_dma source(%dma_start3A_81 : memref<10000x128xf32, #tpu.memory_space<hbm>>) target(%dma_start3A_75 : memref<125x128xf32, #tpu.memory_space<vmem>>) offsets(%dma_start3A_78 : memref<125xi32, #tpu.memory_space<vmem>>) semaphore(%arg10 : memref<!tpu.dma_semaphore, #tpu.memory_space<semaphore_mem>>)
      %dma_start3A_82 = arith.constant 0 : i32
      %dma_start3A_83 = arith.constant 0 : i32
      %dma_start3A_84 = tpu.memref_slice %arg8[%scan3A_56, %dma_start3A_82, %dma_start3A_83] : memref<2x128x128xf32, #tpu.memory_space<vmem>> -> memref<1x125x128xf32, #tpu.memory_space<vmem>>
      %dma_start3A_85 = tpu.memref_squeeze %dma_start3A_84 : memref<1x125x128xf32, #tpu.memory_space<vmem>> -> memref<125x128xf32, #tpu.memory_space<vmem>>
      %dma_start3A_86 = arith.constant 0 : i32
      %dma_start3A_87 = tpu.memref_slice %arg7[%mul3A_69, %dma_start3A_86] : memref<40x125xi32, #tpu.memory_space<vmem>> -> memref<1x125xi32, #tpu.memory_space<vmem>>
      %dma_start3A_88 = tpu.memref_squeeze %dma_start3A_87 : memref<1x125xi32, #tpu.memory_space<vmem>> -> memref<125xi32, #tpu.memory_space<vmem>>
      %dma_start3A_89 = arith.constant 0 : i32
      %dma_start3A_90 = arith.constant 0 : i32
      %dma_start3A_91 = tpu.memref_slice %arg13[%dma_start3A_89, %dma_start3A_90] : memref<10240x128xf32, #tpu.memory_space<vmem_shared>> -> memref<10240x128xf32, #tpu.memory_space<vmem_shared>>
      tpu.enqueue_indirect_dma source(%dma_start3A_85 : memref<125x128xf32, #tpu.memory_space<vmem>>) target(%dma_start3A_91 : memref<10240x128xf32, #tpu.memory_space<vmem_shared>>) offsets(%dma_start3A_88 : memref<125xi32, #tpu.memory_space<vmem>>) semaphore(%arg11 : memref<!tpu.dma_semaphore, #tpu.memory_space<semaphore_mem>>) {add = true}
      %dma_wait3A_92 = arith.constant 0 : i32
      %dma_wait3A_93 = arith.constant 0 : i32
      %dma_wait3A_94 = tpu.memref_slice %arg8[%scan3A_55, %dma_wait3A_92, %dma_wait3A_93] : memref<2x128x128xf32, #tpu.memory_space<vmem>> -> memref<1x125x128xf32, #tpu.memory_space<vmem>>
      %dma_wait3A_95 = tpu.memref_squeeze %dma_wait3A_94 : memref<1x125x128xf32, #tpu.memory_space<vmem>> -> memref<125x128xf32, #tpu.memory_space<vmem>>
      %dma_wait3A_96 = arith.constant 0 : i32
      %dma_wait3A_97 = tpu.memref_slice %arg6[%add3A_71, %dma_wait3A_96] : memref<40x125xi32, #tpu.memory_space<vmem>> -> memref<1x125xi32, #tpu.memory_space<vmem>>
      %dma_wait3A_98 = tpu.memref_squeeze %dma_wait3A_97 : memref<1x125xi32, #tpu.memory_space<vmem>> -> memref<125xi32, #tpu.memory_space<vmem>>
      %dma_wait3A_99 = arith.constant 0 : i32
      %dma_wait3A_100 = arith.constant 0 : i32
      %dma_wait3A_101 = tpu.memref_slice %arg2[%dma_wait3A_99, %dma_wait3A_100] : memref<10000x128xf32, #tpu.memory_space<hbm>> -> memref<10000x128xf32, #tpu.memory_space<hbm>>
      tpu.wait_indirect_dma semaphore(%arg10 : memref<!tpu.dma_semaphore, #tpu.memory_space<semaphore_mem>>) src(%dma_wait3A_101 : memref<10000x128xf32, #tpu.memory_space<hbm>>) dst(%dma_wait3A_95 : memref<125x128xf32, #tpu.memory_space<vmem>>)
      %dma_wait3A_102 = arith.constant 0 : i32
      %dma_wait3A_103 = arith.constant 0 : i32
      %dma_wait3A_104 = tpu.memref_slice %arg8[%scan3A_56, %dma_wait3A_102, %dma_wait3A_103] : memref<2x128x128xf32, #tpu.memory_space<vmem>> -> memref<1x125x128xf32, #tpu.memory_space<vmem>>
      %dma_wait3A_105 = tpu.memref_squeeze %dma_wait3A_104 : memref<1x125x128xf32, #tpu.memory_space<vmem>> -> memref<125x128xf32, #tpu.memory_space<vmem>>
      %dma_wait3A_106 = arith.constant 0 : i32
      %dma_wait3A_107 = tpu.memref_slice %arg7[%mul3A_69, %dma_wait3A_106] : memref<40x125xi32, #tpu.memory_space<vmem>> -> memref<1x125xi32, #tpu.memory_space<vmem>>
      %dma_wait3A_108 = tpu.memref_squeeze %dma_wait3A_107 : memref<1x125xi32, #tpu.memory_space<vmem>> -> memref<125xi32, #tpu.memory_space<vmem>>
      %dma_wait3A_109 = arith.constant 0 : i32
      %dma_wait3A_110 = arith.constant 0 : i32
      %dma_wait3A_111 = tpu.memref_slice %arg13[%dma_wait3A_109, %dma_wait3A_110] : memref<10240x128xf32, #tpu.memory_space<vmem_shared>> -> memref<10240x128xf32, #tpu.memory_space<vmem_shared>>
      tpu.wait_indirect_dma semaphore(%arg11 : memref<!tpu.dma_semaphore, #tpu.memory_space<semaphore_mem>>) src(%dma_wait3A_105 : memref<125x128xf32, #tpu.memory_space<vmem>>) dst(%dma_wait3A_111 : memref<10240x128xf32, #tpu.memory_space<vmem_shared>>)
      %lt3A = arith.constant 19 : i32
      %lt3A_112 = arith.cmpi slt, %scan3A_67, %lt3A : i32
      %convert_element_type3A = arith.extui %lt3A_112 : i1 to i32
      %cond3A = arith.constant 0 : i32
      %cond3A_113 = arith.cmpi ne, %convert_element_type3A, %cond3A : i32
      scf.if %cond3A_113 {
        %add3A_118 = arith.constant 2 : i32
        %add3A_119 = arith.addi %mul3A_69, %add3A_118 : i32
        %dma_start3A_120 = arith.constant 0 : i32
        %dma_start3A_121 = arith.constant 0 : i32
        %dma_start3A_122 = tpu.memref_slice %arg8[%scan3A_56, %dma_start3A_120, %dma_start3A_121] : memref<2x128x128xf32, #tpu.memory_space<vmem>> -> memref<1x125x128xf32, #tpu.memory_space<vmem>>
        %dma_start3A_123 = tpu.memref_squeeze %dma_start3A_122 : memref<1x125x128xf32, #tpu.memory_space<vmem>> -> memref<125x128xf32, #tpu.memory_space<vmem>>
        %dma_start3A_124 = arith.constant 0 : i32
        %dma_start3A_125 = tpu.memref_slice %arg6[%add3A_119, %dma_start3A_124] : memref<40x125xi32, #tpu.memory_space<vmem>> -> memref<1x125xi32, #tpu.memory_space<vmem>>
        %dma_start3A_126 = tpu.memref_squeeze %dma_start3A_125 : memref<1x125xi32, #tpu.memory_space<vmem>> -> memref<125xi32, #tpu.memory_space<vmem>>
        %dma_start3A_127 = arith.constant 0 : i32
        %dma_start3A_128 = arith.constant 0 : i32
        %dma_start3A_129 = tpu.memref_slice %arg2[%dma_start3A_127, %dma_start3A_128] : memref<10000x128xf32, #tpu.memory_space<hbm>> -> memref<10000x128xf32, #tpu.memory_space<hbm>>
        tpu.enqueue_indirect_dma source(%dma_start3A_129 : memref<10000x128xf32, #tpu.memory_space<hbm>>) target(%dma_start3A_123 : memref<125x128xf32, #tpu.memory_space<vmem>>) offsets(%dma_start3A_126 : memref<125xi32, #tpu.memory_space<vmem>>) semaphore(%arg9 : memref<!tpu.dma_semaphore, #tpu.memory_space<semaphore_mem>>)
        %add3A_130 = arith.constant 1 : i32
        %add3A_131 = arith.addi %mul3A_69, %add3A_130 : i32
        %dma_start3A_132 = arith.constant 0 : i32
        %dma_start3A_133 = arith.constant 0 : i32
        %dma_start3A_134 = tpu.memref_slice %arg8[%scan3A_55, %dma_start3A_132, %dma_start3A_133] : memref<2x128x128xf32, #tpu.memory_space<vmem>> -> memref<1x125x128xf32, #tpu.memory_space<vmem>>
        %dma_start3A_135 = tpu.memref_squeeze %dma_start3A_134 : memref<1x125x128xf32, #tpu.memory_space<vmem>> -> memref<125x128xf32, #tpu.memory_space<vmem>>
        %dma_start3A_136 = arith.constant 0 : i32
        %dma_start3A_137 = tpu.memref_slice %arg7[%add3A_131, %dma_start3A_136] : memref<40x125xi32, #tpu.memory_space<vmem>> -> memref<1x125xi32, #tpu.memory_space<vmem>>
        %dma_start3A_138 = tpu.memref_squeeze %dma_start3A_137 : memref<1x125xi32, #tpu.memory_space<vmem>> -> memref<125xi32, #tpu.memory_space<vmem>>
        %dma_start3A_139 = arith.constant 0 : i32
        %dma_start3A_140 = arith.constant 0 : i32
        %dma_start3A_141 = tpu.memref_slice %arg13[%dma_start3A_139, %dma_start3A_140] : memref<10240x128xf32, #tpu.memory_space<vmem_shared>> -> memref<10240x128xf32, #tpu.memory_space<vmem_shared>>
        tpu.enqueue_indirect_dma source(%dma_start3A_135 : memref<125x128xf32, #tpu.memory_space<vmem>>) target(%dma_start3A_141 : memref<10240x128xf32, #tpu.memory_space<vmem_shared>>) offsets(%dma_start3A_138 : memref<125xi32, #tpu.memory_space<vmem>>) semaphore(%arg12 : memref<!tpu.dma_semaphore, #tpu.memory_space<semaphore_mem>>) {add = true}
        %dma_wait3A_142 = arith.constant 0 : i32
        %dma_wait3A_143 = arith.constant 0 : i32
        %dma_wait3A_144 = tpu.memref_slice %arg8[%scan3A_56, %dma_wait3A_142, %dma_wait3A_143] : memref<2x128x128xf32, #tpu.memory_space<vmem>> -> memref<1x125x128xf32, #tpu.memory_space<vmem>>
        %dma_wait3A_145 = tpu.memref_squeeze %dma_wait3A_144 : memref<1x125x128xf32, #tpu.memory_space<vmem>> -> memref<125x128xf32, #tpu.memory_space<vmem>>
        %dma_wait3A_146 = arith.constant 0 : i32
        %dma_wait3A_147 = tpu.memref_slice %arg6[%add3A_119, %dma_wait3A_146] : memref<40x125xi32, #tpu.memory_space<vmem>> -> memref<1x125xi32, #tpu.memory_space<vmem>>
        %dma_wait3A_148 = tpu.memref_squeeze %dma_wait3A_147 : memref<1x125xi32, #tpu.memory_space<vmem>> -> memref<125xi32, #tpu.memory_space<vmem>>
        %dma_wait3A_149 = arith.constant 0 : i32
        %dma_wait3A_150 = arith.constant 0 : i32
        %dma_wait3A_151 = tpu.memref_slice %arg2[%dma_wait3A_149, %dma_wait3A_150] : memref<10000x128xf32, #tpu.memory_space<hbm>> -> memref<10000x128xf32, #tpu.memory_space<hbm>>
        tpu.wait_indirect_dma semaphore(%arg9 : memref<!tpu.dma_semaphore, #tpu.memory_space<semaphore_mem>>) src(%dma_wait3A_151 : memref<10000x128xf32, #tpu.memory_space<hbm>>) dst(%dma_wait3A_145 : memref<125x128xf32, #tpu.memory_space<vmem>>)
        %dma_wait3A_152 = arith.constant 0 : i32
        %dma_wait3A_153 = arith.constant 0 : i32
        %dma_wait3A_154 = tpu.memref_slice %arg8[%scan3A_55, %dma_wait3A_152, %dma_wait3A_153] : memref<2x128x128xf32, #tpu.memory_space<vmem>> -> memref<1x125x128xf32, #tpu.memory_space<vmem>>
        %dma_wait3A_155 = tpu.memref_squeeze %dma_wait3A_154 : memref<1x125x128xf32, #tpu.memory_space<vmem>> -> memref<125x128xf32, #tpu.memory_space<vmem>>
        %dma_wait3A_156 = arith.constant 0 : i32
        %dma_wait3A_157 = tpu.memref_slice %arg7[%add3A_131, %dma_wait3A_156] : memref<40x125xi32, #tpu.memory_space<vmem>> -> memref<1x125xi32, #tpu.memory_space<vmem>>
        %dma_wait3A_158 = tpu.memref_squeeze %dma_wait3A_157 : memref<1x125xi32, #tpu.memory_space<vmem>> -> memref<125xi32, #tpu.memory_space<vmem>>
        %dma_wait3A_159 = arith.constant 0 : i32
        %dma_wait3A_160 = arith.constant 0 : i32
        %dma_wait3A_161 = tpu.memref_slice %arg13[%dma_wait3A_159, %dma_wait3A_160] : memref<10240x128xf32, #tpu.memory_space<vmem_shared>> -> memref<10240x128xf32, #tpu.memory_space<vmem_shared>>
        tpu.wait_indirect_dma semaphore(%arg12 : memref<!tpu.dma_semaphore, #tpu.memory_space<semaphore_mem>>) src(%dma_wait3A_155 : memref<125x128xf32, #tpu.memory_space<vmem>>) dst(%dma_wait3A_161 : memref<10240x128xf32, #tpu.memory_space<vmem_shared>>)
      } else {
      }
      %eq3A = arith.constant 19 : i32
      %eq3A_114 = arith.cmpi eq, %scan3A_67, %eq3A : i32
      %convert_element_type3A_115 = arith.extui %eq3A_114 : i1 to i32
      %cond3A_116 = arith.constant 0 : i32
      %cond3A_117 = arith.cmpi ne, %convert_element_type3A_115, %cond3A_116 : i32
      scf.if %cond3A_117 {
        %add3A_118 = arith.constant 1 : i32
        %add3A_119 = arith.addi %mul3A_69, %add3A_118 : i32
        %dma_start3A_120 = arith.constant 0 : i32
        %dma_start3A_121 = arith.constant 0 : i32
        %dma_start3A_122 = tpu.memref_slice %arg8[%scan3A_55, %dma_start3A_120, %dma_start3A_121] : memref<2x128x128xf32, #tpu.memory_space<vmem>> -> memref<1x125x128xf32, #tpu.memory_space<vmem>>
        %dma_start3A_123 = tpu.memref_squeeze %dma_start3A_122 : memref<1x125x128xf32, #tpu.memory_space<vmem>> -> memref<125x128xf32, #tpu.memory_space<vmem>>
        %dma_start3A_124 = arith.constant 0 : i32
        %dma_start3A_125 = tpu.memref_slice %arg7[%add3A_119, %dma_start3A_124] : memref<40x125xi32, #tpu.memory_space<vmem>> -> memref<1x125xi32, #tpu.memory_space<vmem>>
        %dma_start3A_126 = tpu.memref_squeeze %dma_start3A_125 : memref<1x125xi32, #tpu.memory_space<vmem>> -> memref<125xi32, #tpu.memory_space<vmem>>
        %dma_start3A_127 = arith.constant 0 : i32
        %dma_start3A_128 = arith.constant 0 : i32
        %dma_start3A_129 = tpu.memref_slice %arg13[%dma_start3A_127, %dma_start3A_128] : memref<10240x128xf32, #tpu.memory_space<vmem_shared>> -> memref<10240x128xf32, #tpu.memory_space<vmem_shared>>
        tpu.enqueue_indirect_dma source(%dma_start3A_123 : memref<125x128xf32, #tpu.memory_space<vmem>>) target(%dma_start3A_129 : memref<10240x128xf32, #tpu.memory_space<vmem_shared>>) offsets(%dma_start3A_126 : memref<125xi32, #tpu.memory_space<vmem>>) semaphore(%arg12 : memref<!tpu.dma_semaphore, #tpu.memory_space<semaphore_mem>>) {add = true}
        %dma_wait3A_130 = arith.constant 0 : i32
        %dma_wait3A_131 = arith.constant 0 : i32
        %dma_wait3A_132 = tpu.memref_slice %arg8[%scan3A_55, %dma_wait3A_130, %dma_wait3A_131] : memref<2x128x128xf32, #tpu.memory_space<vmem>> -> memref<1x125x128xf32, #tpu.memory_space<vmem>>
        %dma_wait3A_133 = tpu.memref_squeeze %dma_wait3A_132 : memref<1x125x128xf32, #tpu.memory_space<vmem>> -> memref<125x128xf32, #tpu.memory_space<vmem>>
        %dma_wait3A_134 = arith.constant 0 : i32
        %dma_wait3A_135 = tpu.memref_slice %arg7[%add3A_119, %dma_wait3A_134] : memref<40x125xi32, #tpu.memory_space<vmem>> -> memref<1x125xi32, #tpu.memory_space<vmem>>
        %dma_wait3A_136 = tpu.memref_squeeze %dma_wait3A_135 : memref<1x125xi32, #tpu.memory_space<vmem>> -> memref<125xi32, #tpu.memory_space<vmem>>
        %dma_wait3A_137 = arith.constant 0 : i32
        %dma_wait3A_138 = arith.constant 0 : i32
        %dma_wait3A_139 = tpu.memref_slice %arg13[%dma_wait3A_137, %dma_wait3A_138] : memref<10240x128xf32, #tpu.memory_space<vmem_shared>> -> memref<10240x128xf32, #tpu.memory_space<vmem_shared>>
        tpu.wait_indirect_dma semaphore(%arg12 : memref<!tpu.dma_semaphore, #tpu.memory_space<semaphore_mem>>) src(%dma_wait3A_133 : memref<125x128xf32, #tpu.memory_space<vmem>>) dst(%dma_wait3A_139 : memref<10240x128xf32, #tpu.memory_space<vmem_shared>>)
      } else {
      }
    }
    %scan3A_61 = arith.constant 20 : i32
    %barrier3A_62 = arith.constant 0 : index
    tpu.barrier barrier_id(%barrier3A_62)
    %mul3A_63 = arith.constant 640 : i32
    %mul3A_64 = arith.muli %arg1, %mul3A_63 : i32
    %mul3A_65 = arith.constant 640 : i32
    %mul3A_66 = arith.muli %arg1, %mul3A_65 : i32
    "tpu.region"() ({
      %run_scoped3A_67 = tpu.sem_alloc : memref<!tpu.dma_semaphore, #tpu.memory_space<semaphore_mem>>
      %dma_start3A_68 = arith.constant 0 : i32
      %dma_start3A_69 = tpu.memref_slice %arg5[%arg0, %mul3A_66, %dma_start3A_68] : memref<2x10240x128xf32, #tpu.memory_space<hbm>> -> memref<1x640x128xf32, #tpu.memory_space<hbm>>
      %dma_start3A_70 = tpu.memref_squeeze %dma_start3A_69 : memref<1x640x128xf32, #tpu.memory_space<hbm>> -> memref<640x128xf32, #tpu.memory_space<hbm>>
      %dma_start3A_71 = arith.constant 0 : i32
      %dma_start3A_72 = tpu.memref_slice %arg13[%mul3A_64, %dma_start3A_71] : memref<10240x128xf32, #tpu.memory_space<vmem_shared>> -> memref<640x128xf32, #tpu.memory_space<vmem_shared>>
      tpu.enqueue_dma source(%dma_start3A_72 : memref<640x128xf32, #tpu.memory_space<vmem_shared>>) target(%dma_start3A_70 : memref<640x128xf32, #tpu.memory_space<hbm>>) target_semaphore(%run_scoped3A_67 : memref<!tpu.dma_semaphore, #tpu.memory_space<semaphore_mem>>)
      %dma_wait3A_73 = arith.constant 0 : i32
      %dma_wait3A_74 = tpu.memref_slice %arg5[%arg0, %mul3A_66, %dma_wait3A_73] : memref<2x10240x128xf32, #tpu.memory_space<hbm>> -> memref<1x640x128xf32, #tpu.memory_space<hbm>>
      %dma_wait3A_75 = tpu.memref_squeeze %dma_wait3A_74 : memref<1x640x128xf32, #tpu.memory_space<hbm>> -> memref<640x128xf32, #tpu.memory_space<hbm>>
      %dma_wait3A_76 = arith.constant 0 : i32
      %dma_wait3A_77 = tpu.memref_slice %arg13[%mul3A_64, %dma_wait3A_76] : memref<10240x128xf32, #tpu.memory_space<vmem_shared>> -> memref<640x128xf32, #tpu.memory_space<vmem_shared>>
      tpu.wait_dma2 semaphore(%run_scoped3A_67 : memref<!tpu.dma_semaphore, #tpu.memory_space<semaphore_mem>>) src(%dma_wait3A_77 : memref<640x128xf32, #tpu.memory_space<vmem_shared>>) dst(%dma_wait3A_75 : memref<640x128xf32, #tpu.memory_space<hbm>>)
      tpu.yield
    }) : () -> ()
    return
  }
}

#map = affine_map<(d0, d1) -> (0, 0)>
#map1 = affine_map<(d0, d1) -> (0, 0, 0)>
module attributes {stable_mosaic.version = 14 : i64} {
  func.func @_agg_body(%arg0: i32, %arg1: i32, %arg2: memref<10000x16xf32, #tpu.memory_space<hbm>>, %arg3: memref<1280x125xi32, #tpu.memory_space<hbm>>, %arg4: memref<1280x125xi32, #tpu.memory_space<hbm>>, %arg5: memref<2x10240x16xf32, #tpu.memory_space<hbm>>, %arg6: memref<40x125xi32, #tpu.memory_space<vmem>>, %arg7: memref<40x125xi32, #tpu.memory_space<vmem>>, %arg8: memref<8x128x16xf32, #tpu.memory_space<vmem>>, %arg9: memref<!tpu.dma_semaphore, #tpu.memory_space<semaphore_mem>>, %arg10: memref<!tpu.dma_semaphore, #tpu.memory_space<semaphore_mem>>, %arg11: memref<!tpu.dma_semaphore, #tpu.memory_space<semaphore_mem>>, %arg12: memref<!tpu.dma_semaphore, #tpu.memory_space<semaphore_mem>>, %arg13: memref<!tpu.dma_semaphore, #tpu.memory_space<semaphore_mem>>, %arg14: memref<!tpu.dma_semaphore, #tpu.memory_space<semaphore_mem>>, %arg15: memref<!tpu.dma_semaphore, #tpu.memory_space<semaphore_mem>>, %arg16: memref<!tpu.dma_semaphore, #tpu.memory_space<semaphore_mem>>, %arg17: memref<!tpu.dma_semaphore, #tpu.memory_space<semaphore_mem>>, %arg18: memref<!tpu.dma_semaphore, #tpu.memory_space<semaphore_mem>>, %arg19: memref<!tpu.dma_semaphore, #tpu.memory_space<semaphore_mem>>, %arg20: memref<!tpu.dma_semaphore, #tpu.memory_space<semaphore_mem>>, %arg21: memref<!tpu.dma_semaphore, #tpu.memory_space<semaphore_mem>>, %arg22: memref<!tpu.dma_semaphore, #tpu.memory_space<semaphore_mem>>, %arg23: memref<!tpu.dma_semaphore, #tpu.memory_space<semaphore_mem>>, %arg24: memref<!tpu.dma_semaphore, #tpu.memory_space<semaphore_mem>>, %arg25: memref<10240x16xf32, #tpu.memory_space<vmem_shared>>) attributes {dimension_semantics = [#tpu.dimension_semantics<core_parallel>, #tpu.dimension_semantics<subcore_parallel>], iteration_bounds = array<i64: 2, 16>, scalar_prefetch = 0 : i64, scratch_operands = 20 : i64, tpu.core_type = #tpu.core_type<sc_vector_subcore>, window_params = [{transform_indices = #map}, {transform_indices = #map}, {transform_indices = #map}, {transform_indices = #map1}]} {
    %scan3A = arith.constant 0 : i32
    %scan3A_0 = arith.constant 0 : i32
    %scan3A_1 = arith.constant 128 : i32
    %scan3A_2 = arith.addi %scan3A_0, %scan3A_1 : i32
    %scan3A_3 = arith.constant 1 : i32
    scf.for %scan3A_43 = %scan3A_0 to %scan3A_2 step %scan3A_3  : i32 {
      %broadcast_in_dim3A = arith.constant 0.000000e+00 : f32
      %broadcast_in_dim3A_44 = vector.broadcast %broadcast_in_dim3A : f32 to vector<16xf32>
      %swap3A = arith.constant 0 : i32
      %swap3A_45 = arith.index_cast %swap3A : i32 to index
      %swap3A_46 = arith.index_cast %scan3A_43 : i32 to index
      %swap3A_47 = arith.constant 0 : index
      %swap3A_48 = tpu.vector_load %arg8[%swap3A_45, %swap3A_46, %swap3A_47] {strides = array<i32>} : memref<8x128x16xf32, #tpu.memory_space<vmem>>, vector<1x1x16xf32>,
      %swap3A_49 = vector.shape_cast %swap3A_48 : vector<1x1x16xf32> to vector<16xf32>
      %swap3A_50 = vector.shape_cast %broadcast_in_dim3A_44 : vector<16xf32> to vector<1x1x16xf32>
      tpu.vector_store %arg8[%swap3A_45, %swap3A_46, %swap3A_47], %swap3A_50 {strides = array<i32>} : memref<8x128x16xf32, #tpu.memory_space<vmem>>, vector<1x1x16xf32>,
    }
    %scan3A_4 = arith.constant 128 : i32
    %mul3A = arith.constant 640 : i32
    %mul3A_5 = arith.muli %arg1, %mul3A : i32
    %add3A = arith.constant 0 : i32
    %add3A_6 = arith.addi %mul3A_5, %add3A : i32
    %run_scoped3A = arith.constant 0 : i32
    "tpu.region"() ({
      %run_scoped3A_43 = tpu.sem_alloc : memref<!tpu.dma_semaphore, #tpu.memory_space<semaphore_mem>>
      %dma_start3A = arith.constant 0 : i32
      %dma_start3A_44 = arith.constant 0 : i32
      %dma_start3A_45 = tpu.memref_slice %arg8[%run_scoped3A, %dma_start3A, %dma_start3A_44] : memref<8x128x16xf32, #tpu.memory_space<vmem>> -> memref<1x128x16xf32, #tpu.memory_space<vmem>>
      %dma_start3A_46 = tpu.memref_squeeze %dma_start3A_45 : memref<1x128x16xf32, #tpu.memory_space<vmem>> -> memref<128x16xf32, #tpu.memory_space<vmem>>
      %dma_start3A_47 = arith.constant 0 : i32
      %dma_start3A_48 = tpu.memref_slice %arg25[%add3A_6, %dma_start3A_47] : memref<10240x16xf32, #tpu.memory_space<vmem_shared>> -> memref<128x16xf32, #tpu.memory_space<vmem_shared>>
      %dma_start3A_49 = arith.constant 0 : i32
      %dma_start3A_50 = tpu.memref_slice %arg25[%add3A_6, %dma_start3A_49] : memref<10240x16xf32, #tpu.memory_space<vmem_shared>> -> memref<128x16xf32, #tpu.memory_space<vmem_shared>>
      %dma_start3A_51 = arith.constant 0 : i32
      %dma_start3A_52 = arith.constant 0 : i32
      %dma_start3A_53 = tpu.memref_slice %arg8[%run_scoped3A, %dma_start3A_51, %dma_start3A_52] : memref<8x128x16xf32, #tpu.memory_space<vmem>> -> memref<1x128x16xf32, #tpu.memory_space<vmem>>
      %dma_start3A_54 = tpu.memref_squeeze %dma_start3A_53 : memref<1x128x16xf32, #tpu.memory_space<vmem>> -> memref<128x16xf32, #tpu.memory_space<vmem>>
      tpu.enqueue_dma source(%dma_start3A_54 : memref<128x16xf32, #tpu.memory_space<vmem>>) target(%dma_start3A_50 : memref<128x16xf32, #tpu.memory_space<vmem_shared>>) target_semaphore(%run_scoped3A_43 : memref<!tpu.dma_semaphore, #tpu.memory_space<semaphore_mem>>)
      %dma_wait3A = arith.constant 0 : i32
      %dma_wait3A_55 = arith.constant 0 : i32
      %dma_wait3A_56 = tpu.memref_slice %arg8[%run_scoped3A, %dma_wait3A, %dma_wait3A_55] : memref<8x128x16xf32, #tpu.memory_space<vmem>> -> memref<1x128x16xf32, #tpu.memory_space<vmem>>
      %dma_wait3A_57 = tpu.memref_squeeze %dma_wait3A_56 : memref<1x128x16xf32, #tpu.memory_space<vmem>> -> memref<128x16xf32, #tpu.memory_space<vmem>>
      %dma_wait3A_58 = arith.constant 0 : i32
      %dma_wait3A_59 = tpu.memref_slice %arg25[%add3A_6, %dma_wait3A_58] : memref<10240x16xf32, #tpu.memory_space<vmem_shared>> -> memref<128x16xf32, #tpu.memory_space<vmem_shared>>
      %dma_wait3A_60 = arith.constant 0 : i32
      %dma_wait3A_61 = tpu.memref_slice %arg25[%add3A_6, %dma_wait3A_60] : memref<10240x16xf32, #tpu.memory_space<vmem_shared>> -> memref<128x16xf32, #tpu.memory_space<vmem_shared>>
      %dma_wait3A_62 = arith.constant 0 : i32
      %dma_wait3A_63 = arith.constant 0 : i32
      %dma_wait3A_64 = tpu.memref_slice %arg8[%run_scoped3A, %dma_wait3A_62, %dma_wait3A_63] : memref<8x128x16xf32, #tpu.memory_space<vmem>> -> memref<1x128x16xf32, #tpu.memory_space<vmem>>
      %dma_wait3A_65 = tpu.memref_squeeze %dma_wait3A_64 : memref<1x128x16xf32, #tpu.memory_space<vmem>> -> memref<128x16xf32, #tpu.memory_space<vmem>>
      tpu.wait_dma2 semaphore(%run_scoped3A_43 : memref<!tpu.dma_semaphore, #tpu.memory_space<semaphore_mem>>) src(%dma_wait3A_65 : memref<128x16xf32, #tpu.memory_space<vmem>>) dst(%dma_wait3A_61 : memref<128x16xf32, #tpu.memory_space<vmem_shared>>)
      tpu.yield
    }) : () -> ()
    %mul3A_7 = arith.constant 640 : i32
    %mul3A_8 = arith.muli %arg1, %mul3A_7 : i32
    %add3A_9 = arith.constant 128 : i32
    %add3A_10 = arith.addi %mul3A_8, %add3A_9 : i32
    %run_scoped3A_11 = arith.constant 0 : i32
    "tpu.region"() ({
      %run_scoped3A_43 = tpu.sem_alloc : memref<!tpu.dma_semaphore, #tpu.memory_space<semaphore_mem>>
      %dma_start3A = arith.constant 0 : i32
      %dma_start3A_44 = arith.constant 0 : i32
      %dma_start3A_45 = tpu.memref_slice %arg8[%run_scoped3A_11, %dma_start3A, %dma_start3A_44] : memref<8x128x16xf32, #tpu.memory_space<vmem>> -> memref<1x128x16xf32, #tpu.memory_space<vmem>>
      %dma_start3A_46 = tpu.memref_squeeze %dma_start3A_45 : memref<1x128x16xf32, #tpu.memory_space<vmem>> -> memref<128x16xf32, #tpu.memory_space<vmem>>
      %dma_start3A_47 = arith.constant 0 : i32
      %dma_start3A_48 = tpu.memref_slice %arg25[%add3A_10, %dma_start3A_47] : memref<10240x16xf32, #tpu.memory_space<vmem_shared>> -> memref<128x16xf32, #tpu.memory_space<vmem_shared>>
      %dma_start3A_49 = arith.constant 0 : i32
      %dma_start3A_50 = tpu.memref_slice %arg25[%add3A_10, %dma_start3A_49] : memref<10240x16xf32, #tpu.memory_space<vmem_shared>> -> memref<128x16xf32, #tpu.memory_space<vmem_shared>>
      %dma_start3A_51 = arith.constant 0 : i32
      %dma_start3A_52 = arith.constant 0 : i32
      %dma_start3A_53 = tpu.memref_slice %arg8[%run_scoped3A_11, %dma_start3A_51, %dma_start3A_52] : memref<8x128x16xf32, #tpu.memory_space<vmem>> -> memref<1x128x16xf32, #tpu.memory_space<vmem>>
      %dma_start3A_54 = tpu.memref_squeeze %dma_start3A_53 : memref<1x128x16xf32, #tpu.memory_space<vmem>> -> memref<128x16xf32, #tpu.memory_space<vmem>>
      tpu.enqueue_dma source(%dma_start3A_54 : memref<128x16xf32, #tpu.memory_space<vmem>>) target(%dma_start3A_50 : memref<128x16xf32, #tpu.memory_space<vmem_shared>>) target_semaphore(%run_scoped3A_43 : memref<!tpu.dma_semaphore, #tpu.memory_space<semaphore_mem>>)
      %dma_wait3A = arith.constant 0 : i32
      %dma_wait3A_55 = arith.constant 0 : i32
      %dma_wait3A_56 = tpu.memref_slice %arg8[%run_scoped3A_11, %dma_wait3A, %dma_wait3A_55] : memref<8x128x16xf32, #tpu.memory_space<vmem>> -> memref<1x128x16xf32, #tpu.memory_space<vmem>>
      %dma_wait3A_57 = tpu.memref_squeeze %dma_wait3A_56 : memref<1x128x16xf32, #tpu.memory_space<vmem>> -> memref<128x16xf32, #tpu.memory_space<vmem>>
      %dma_wait3A_58 = arith.constant 0 : i32
      %dma_wait3A_59 = tpu.memref_slice %arg25[%add3A_10, %dma_wait3A_58] : memref<10240x16xf32, #tpu.memory_space<vmem_shared>> -> memref<128x16xf32, #tpu.memory_space<vmem_shared>>
      %dma_wait3A_60 = arith.constant 0 : i32
      %dma_wait3A_61 = tpu.memref_slice %arg25[%add3A_10, %dma_wait3A_60] : memref<10240x16xf32, #tpu.memory_space<vmem_shared>> -> memref<128x16xf32, #tpu.memory_space<vmem_shared>>
      %dma_wait3A_62 = arith.constant 0 : i32
      %dma_wait3A_63 = arith.constant 0 : i32
      %dma_wait3A_64 = tpu.memref_slice %arg8[%run_scoped3A_11, %dma_wait3A_62, %dma_wait3A_63] : memref<8x128x16xf32, #tpu.memory_space<vmem>> -> memref<1x128x16xf32, #tpu.memory_space<vmem>>
      %dma_wait3A_65 = tpu.memref_squeeze %dma_wait3A_64 : memref<1x128x16xf32, #tpu.memory_space<vmem>> -> memref<128x16xf32, #tpu.memory_space<vmem>>
      tpu.wait_dma2 semaphore(%run_scoped3A_43 : memref<!tpu.dma_semaphore, #tpu.memory_space<semaphore_mem>>) src(%dma_wait3A_65 : memref<128x16xf32, #tpu.memory_space<vmem>>) dst(%dma_wait3A_61 : memref<128x16xf32, #tpu.memory_space<vmem_shared>>)
      tpu.yield
    }) : () -> ()
    %mul3A_12 = arith.constant 640 : i32
    %mul3A_13 = arith.muli %arg1, %mul3A_12 : i32
    %add3A_14 = arith.constant 256 : i32
    %add3A_15 = arith.addi %mul3A_13, %add3A_14 : i32
    %run_scoped3A_16 = arith.constant 0 : i32
    "tpu.region"() ({
      %run_scoped3A_43 = tpu.sem_alloc : memref<!tpu.dma_semaphore, #tpu.memory_space<semaphore_mem>>
      %dma_start3A = arith.constant 0 : i32
      %dma_start3A_44 = arith.constant 0 : i32
      %dma_start3A_45 = tpu.memref_slice %arg8[%run_scoped3A_16, %dma_start3A, %dma_start3A_44] : memref<8x128x16xf32, #tpu.memory_space<vmem>> -> memref<1x128x16xf32, #tpu.memory_space<vmem>>
      %dma_start3A_46 = tpu.memref_squeeze %dma_start3A_45 : memref<1x128x16xf32, #tpu.memory_space<vmem>> -> memref<128x16xf32, #tpu.memory_space<vmem>>
      %dma_start3A_47 = arith.constant 0 : i32
      %dma_start3A_48 = tpu.memref_slice %arg25[%add3A_15, %dma_start3A_47] : memref<10240x16xf32, #tpu.memory_space<vmem_shared>> -> memref<128x16xf32, #tpu.memory_space<vmem_shared>>
      %dma_start3A_49 = arith.constant 0 : i32
      %dma_start3A_50 = tpu.memref_slice %arg25[%add3A_15, %dma_start3A_49] : memref<10240x16xf32, #tpu.memory_space<vmem_shared>> -> memref<128x16xf32, #tpu.memory_space<vmem_shared>>
      %dma_start3A_51 = arith.constant 0 : i32
      %dma_start3A_52 = arith.constant 0 : i32
      %dma_start3A_53 = tpu.memref_slice %arg8[%run_scoped3A_16, %dma_start3A_51, %dma_start3A_52] : memref<8x128x16xf32, #tpu.memory_space<vmem>> -> memref<1x128x16xf32, #tpu.memory_space<vmem>>
      %dma_start3A_54 = tpu.memref_squeeze %dma_start3A_53 : memref<1x128x16xf32, #tpu.memory_space<vmem>> -> memref<128x16xf32, #tpu.memory_space<vmem>>
      tpu.enqueue_dma source(%dma_start3A_54 : memref<128x16xf32, #tpu.memory_space<vmem>>) target(%dma_start3A_50 : memref<128x16xf32, #tpu.memory_space<vmem_shared>>) target_semaphore(%run_scoped3A_43 : memref<!tpu.dma_semaphore, #tpu.memory_space<semaphore_mem>>)
      %dma_wait3A = arith.constant 0 : i32
      %dma_wait3A_55 = arith.constant 0 : i32
      %dma_wait3A_56 = tpu.memref_slice %arg8[%run_scoped3A_16, %dma_wait3A, %dma_wait3A_55] : memref<8x128x16xf32, #tpu.memory_space<vmem>> -> memref<1x128x16xf32, #tpu.memory_space<vmem>>
      %dma_wait3A_57 = tpu.memref_squeeze %dma_wait3A_56 : memref<1x128x16xf32, #tpu.memory_space<vmem>> -> memref<128x16xf32, #tpu.memory_space<vmem>>
      %dma_wait3A_58 = arith.constant 0 : i32
      %dma_wait3A_59 = tpu.memref_slice %arg25[%add3A_15, %dma_wait3A_58] : memref<10240x16xf32, #tpu.memory_space<vmem_shared>> -> memref<128x16xf32, #tpu.memory_space<vmem_shared>>
      %dma_wait3A_60 = arith.constant 0 : i32
      %dma_wait3A_61 = tpu.memref_slice %arg25[%add3A_15, %dma_wait3A_60] : memref<10240x16xf32, #tpu.memory_space<vmem_shared>> -> memref<128x16xf32, #tpu.memory_space<vmem_shared>>
      %dma_wait3A_62 = arith.constant 0 : i32
      %dma_wait3A_63 = arith.constant 0 : i32
      %dma_wait3A_64 = tpu.memref_slice %arg8[%run_scoped3A_16, %dma_wait3A_62, %dma_wait3A_63] : memref<8x128x16xf32, #tpu.memory_space<vmem>> -> memref<1x128x16xf32, #tpu.memory_space<vmem>>
      %dma_wait3A_65 = tpu.memref_squeeze %dma_wait3A_64 : memref<1x128x16xf32, #tpu.memory_space<vmem>> -> memref<128x16xf32, #tpu.memory_space<vmem>>
      tpu.wait_dma2 semaphore(%run_scoped3A_43 : memref<!tpu.dma_semaphore, #tpu.memory_space<semaphore_mem>>) src(%dma_wait3A_65 : memref<128x16xf32, #tpu.memory_space<vmem>>) dst(%dma_wait3A_61 : memref<128x16xf32, #tpu.memory_space<vmem_shared>>)
      tpu.yield
    }) : () -> ()
    %mul3A_17 = arith.constant 640 : i32
    %mul3A_18 = arith.muli %arg1, %mul3A_17 : i32
    %add3A_19 = arith.constant 384 : i32
    %add3A_20 = arith.addi %mul3A_18, %add3A_19 : i32
    %run_scoped3A_21 = arith.constant 0 : i32
    "tpu.region"() ({
      %run_scoped3A_43 = tpu.sem_alloc : memref<!tpu.dma_semaphore, #tpu.memory_space<semaphore_mem>>
      %dma_start3A = arith.constant 0 : i32
      %dma_start3A_44 = arith.constant 0 : i32
      %dma_start3A_45 = tpu.memref_slice %arg8[%run_scoped3A_21, %dma_start3A, %dma_start3A_44] : memref<8x128x16xf32, #tpu.memory_space<vmem>> -> memref<1x128x16xf32, #tpu.memory_space<vmem>>
      %dma_start3A_46 = tpu.memref_squeeze %dma_start3A_45 : memref<1x128x16xf32, #tpu.memory_space<vmem>> -> memref<128x16xf32, #tpu.memory_space<vmem>>
      %dma_start3A_47 = arith.constant 0 : i32
      %dma_start3A_48 = tpu.memref_slice %arg25[%add3A_20, %dma_start3A_47] : memref<10240x16xf32, #tpu.memory_space<vmem_shared>> -> memref<128x16xf32, #tpu.memory_space<vmem_shared>>
      %dma_start3A_49 = arith.constant 0 : i32
      %dma_start3A_50 = tpu.memref_slice %arg25[%add3A_20, %dma_start3A_49] : memref<10240x16xf32, #tpu.memory_space<vmem_shared>> -> memref<128x16xf32, #tpu.memory_space<vmem_shared>>
      %dma_start3A_51 = arith.constant 0 : i32
      %dma_start3A_52 = arith.constant 0 : i32
      %dma_start3A_53 = tpu.memref_slice %arg8[%run_scoped3A_21, %dma_start3A_51, %dma_start3A_52] : memref<8x128x16xf32, #tpu.memory_space<vmem>> -> memref<1x128x16xf32, #tpu.memory_space<vmem>>
      %dma_start3A_54 = tpu.memref_squeeze %dma_start3A_53 : memref<1x128x16xf32, #tpu.memory_space<vmem>> -> memref<128x16xf32, #tpu.memory_space<vmem>>
      tpu.enqueue_dma source(%dma_start3A_54 : memref<128x16xf32, #tpu.memory_space<vmem>>) target(%dma_start3A_50 : memref<128x16xf32, #tpu.memory_space<vmem_shared>>) target_semaphore(%run_scoped3A_43 : memref<!tpu.dma_semaphore, #tpu.memory_space<semaphore_mem>>)
      %dma_wait3A = arith.constant 0 : i32
      %dma_wait3A_55 = arith.constant 0 : i32
      %dma_wait3A_56 = tpu.memref_slice %arg8[%run_scoped3A_21, %dma_wait3A, %dma_wait3A_55] : memref<8x128x16xf32, #tpu.memory_space<vmem>> -> memref<1x128x16xf32, #tpu.memory_space<vmem>>
      %dma_wait3A_57 = tpu.memref_squeeze %dma_wait3A_56 : memref<1x128x16xf32, #tpu.memory_space<vmem>> -> memref<128x16xf32, #tpu.memory_space<vmem>>
      %dma_wait3A_58 = arith.constant 0 : i32
      %dma_wait3A_59 = tpu.memref_slice %arg25[%add3A_20, %dma_wait3A_58] : memref<10240x16xf32, #tpu.memory_space<vmem_shared>> -> memref<128x16xf32, #tpu.memory_space<vmem_shared>>
      %dma_wait3A_60 = arith.constant 0 : i32
      %dma_wait3A_61 = tpu.memref_slice %arg25[%add3A_20, %dma_wait3A_60] : memref<10240x16xf32, #tpu.memory_space<vmem_shared>> -> memref<128x16xf32, #tpu.memory_space<vmem_shared>>
      %dma_wait3A_62 = arith.constant 0 : i32
      %dma_wait3A_63 = arith.constant 0 : i32
      %dma_wait3A_64 = tpu.memref_slice %arg8[%run_scoped3A_21, %dma_wait3A_62, %dma_wait3A_63] : memref<8x128x16xf32, #tpu.memory_space<vmem>> -> memref<1x128x16xf32, #tpu.memory_space<vmem>>
      %dma_wait3A_65 = tpu.memref_squeeze %dma_wait3A_64 : memref<1x128x16xf32, #tpu.memory_space<vmem>> -> memref<128x16xf32, #tpu.memory_space<vmem>>
      tpu.wait_dma2 semaphore(%run_scoped3A_43 : memref<!tpu.dma_semaphore, #tpu.memory_space<semaphore_mem>>) src(%dma_wait3A_65 : memref<128x16xf32, #tpu.memory_space<vmem>>) dst(%dma_wait3A_61 : memref<128x16xf32, #tpu.memory_space<vmem_shared>>)
      tpu.yield
    }) : () -> ()
    %mul3A_22 = arith.constant 640 : i32
    %mul3A_23 = arith.muli %arg1, %mul3A_22 : i32
    %add3A_24 = arith.constant 512 : i32
    %add3A_25 = arith.addi %mul3A_23, %add3A_24 : i32
    %run_scoped3A_26 = arith.constant 0 : i32
    "tpu.region"() ({
      %run_scoped3A_43 = tpu.sem_alloc : memref<!tpu.dma_semaphore, #tpu.memory_space<semaphore_mem>>
      %dma_start3A = arith.constant 0 : i32
      %dma_start3A_44 = arith.constant 0 : i32
      %dma_start3A_45 = tpu.memref_slice %arg8[%run_scoped3A_26, %dma_start3A, %dma_start3A_44] : memref<8x128x16xf32, #tpu.memory_space<vmem>> -> memref<1x128x16xf32, #tpu.memory_space<vmem>>
      %dma_start3A_46 = tpu.memref_squeeze %dma_start3A_45 : memref<1x128x16xf32, #tpu.memory_space<vmem>> -> memref<128x16xf32, #tpu.memory_space<vmem>>
      %dma_start3A_47 = arith.constant 0 : i32
      %dma_start3A_48 = tpu.memref_slice %arg25[%add3A_25, %dma_start3A_47] : memref<10240x16xf32, #tpu.memory_space<vmem_shared>> -> memref<128x16xf32, #tpu.memory_space<vmem_shared>>
      %dma_start3A_49 = arith.constant 0 : i32
      %dma_start3A_50 = tpu.memref_slice %arg25[%add3A_25, %dma_start3A_49] : memref<10240x16xf32, #tpu.memory_space<vmem_shared>> -> memref<128x16xf32, #tpu.memory_space<vmem_shared>>
      %dma_start3A_51 = arith.constant 0 : i32
      %dma_start3A_52 = arith.constant 0 : i32
      %dma_start3A_53 = tpu.memref_slice %arg8[%run_scoped3A_26, %dma_start3A_51, %dma_start3A_52] : memref<8x128x16xf32, #tpu.memory_space<vmem>> -> memref<1x128x16xf32, #tpu.memory_space<vmem>>
      %dma_start3A_54 = tpu.memref_squeeze %dma_start3A_53 : memref<1x128x16xf32, #tpu.memory_space<vmem>> -> memref<128x16xf32, #tpu.memory_space<vmem>>
      tpu.enqueue_dma source(%dma_start3A_54 : memref<128x16xf32, #tpu.memory_space<vmem>>) target(%dma_start3A_50 : memref<128x16xf32, #tpu.memory_space<vmem_shared>>) target_semaphore(%run_scoped3A_43 : memref<!tpu.dma_semaphore, #tpu.memory_space<semaphore_mem>>)
      %dma_wait3A = arith.constant 0 : i32
      %dma_wait3A_55 = arith.constant 0 : i32
      %dma_wait3A_56 = tpu.memref_slice %arg8[%run_scoped3A_26, %dma_wait3A, %dma_wait3A_55] : memref<8x128x16xf32, #tpu.memory_space<vmem>> -> memref<1x128x16xf32, #tpu.memory_space<vmem>>
      %dma_wait3A_57 = tpu.memref_squeeze %dma_wait3A_56 : memref<1x128x16xf32, #tpu.memory_space<vmem>> -> memref<128x16xf32, #tpu.memory_space<vmem>>
      %dma_wait3A_58 = arith.constant 0 : i32
      %dma_wait3A_59 = tpu.memref_slice %arg25[%add3A_25, %dma_wait3A_58] : memref<10240x16xf32, #tpu.memory_space<vmem_shared>> -> memref<128x16xf32, #tpu.memory_space<vmem_shared>>
      %dma_wait3A_60 = arith.constant 0 : i32
      %dma_wait3A_61 = tpu.memref_slice %arg25[%add3A_25, %dma_wait3A_60] : memref<10240x16xf32, #tpu.memory_space<vmem_shared>> -> memref<128x16xf32, #tpu.memory_space<vmem_shared>>
      %dma_wait3A_62 = arith.constant 0 : i32
      %dma_wait3A_63 = arith.constant 0 : i32
      %dma_wait3A_64 = tpu.memref_slice %arg8[%run_scoped3A_26, %dma_wait3A_62, %dma_wait3A_63] : memref<8x128x16xf32, #tpu.memory_space<vmem>> -> memref<1x128x16xf32, #tpu.memory_space<vmem>>
      %dma_wait3A_65 = tpu.memref_squeeze %dma_wait3A_64 : memref<1x128x16xf32, #tpu.memory_space<vmem>> -> memref<128x16xf32, #tpu.memory_space<vmem>>
      tpu.wait_dma2 semaphore(%run_scoped3A_43 : memref<!tpu.dma_semaphore, #tpu.memory_space<semaphore_mem>>) src(%dma_wait3A_65 : memref<128x16xf32, #tpu.memory_space<vmem>>) dst(%dma_wait3A_61 : memref<128x16xf32, #tpu.memory_space<vmem_shared>>)
      tpu.yield
    }) : () -> ()
    %barrier3A = arith.constant 0 : index
    tpu.barrier barrier_id(%barrier3A)
    %mul3A_27 = arith.constant 16 : i32
    %mul3A_28 = arith.muli %arg0, %mul3A_27 : i32
    %add3A_29 = arith.addi %mul3A_28, %arg1 : i32
    %mul3A_30 = arith.constant 40 : i32
    %mul3A_31 = arith.muli %add3A_29, %mul3A_30 : i32
    "tpu.region"() ({
      %run_scoped3A_43 = tpu.sem_alloc : memref<!tpu.dma_semaphore, #tpu.memory_space<semaphore_mem>>
      %dma_start3A = arith.constant 0 : i32
      %dma_start3A_44 = tpu.memref_slice %arg3[%mul3A_31, %dma_start3A] : memref<1280x125xi32, #tpu.memory_space<hbm>> -> memref<40x125xi32, #tpu.memory_space<hbm>>
      %dma_start3A_45 = arith.constant 0 : i32
      %dma_start3A_46 = tpu.memref_slice %arg3[%mul3A_31, %dma_start3A_45] : memref<1280x125xi32, #tpu.memory_space<hbm>> -> memref<40x125xi32, #tpu.memory_space<hbm>>
      tpu.enqueue_dma source(%dma_start3A_46 : memref<40x125xi32, #tpu.memory_space<hbm>>) target(%arg6 : memref<40x125xi32, #tpu.memory_space<vmem>>) target_semaphore(%run_scoped3A_43 : memref<!tpu.dma_semaphore, #tpu.memory_space<semaphore_mem>>)
      %dma_wait3A = arith.constant 0 : i32
      %dma_wait3A_47 = tpu.memref_slice %arg3[%mul3A_31, %dma_wait3A] : memref<1280x125xi32, #tpu.memory_space<hbm>> -> memref<40x125xi32, #tpu.memory_space<hbm>>
      %dma_wait3A_48 = arith.constant 0 : i32
      %dma_wait3A_49 = tpu.memref_slice %arg3[%mul3A_31, %dma_wait3A_48] : memref<1280x125xi32, #tpu.memory_space<hbm>> -> memref<40x125xi32, #tpu.memory_space<hbm>>
      tpu.wait_dma2 semaphore(%run_scoped3A_43 : memref<!tpu.dma_semaphore, #tpu.memory_space<semaphore_mem>>) src(%dma_wait3A_49 : memref<40x125xi32, #tpu.memory_space<hbm>>) dst(%arg6 : memref<40x125xi32, #tpu.memory_space<vmem>>)
      tpu.yield
    }) : () -> ()
    "tpu.region"() ({
      %run_scoped3A_43 = tpu.sem_alloc : memref<!tpu.dma_semaphore, #tpu.memory_space<semaphore_mem>>
      %dma_start3A = arith.constant 0 : i32
      %dma_start3A_44 = tpu.memref_slice %arg4[%mul3A_31, %dma_start3A] : memref<1280x125xi32, #tpu.memory_space<hbm>> -> memref<40x125xi32, #tpu.memory_space<hbm>>
      %dma_start3A_45 = arith.constant 0 : i32
      %dma_start3A_46 = tpu.memref_slice %arg4[%mul3A_31, %dma_start3A_45] : memref<1280x125xi32, #tpu.memory_space<hbm>> -> memref<40x125xi32, #tpu.memory_space<hbm>>
      tpu.enqueue_dma source(%dma_start3A_46 : memref<40x125xi32, #tpu.memory_space<hbm>>) target(%arg7 : memref<40x125xi32, #tpu.memory_space<vmem>>) target_semaphore(%run_scoped3A_43 : memref<!tpu.dma_semaphore, #tpu.memory_space<semaphore_mem>>)
      %dma_wait3A = arith.constant 0 : i32
      %dma_wait3A_47 = tpu.memref_slice %arg4[%mul3A_31, %dma_wait3A] : memref<1280x125xi32, #tpu.memory_space<hbm>> -> memref<40x125xi32, #tpu.memory_space<hbm>>
      %dma_wait3A_48 = arith.constant 0 : i32
      %dma_wait3A_49 = tpu.memref_slice %arg4[%mul3A_31, %dma_wait3A_48] : memref<1280x125xi32, #tpu.memory_space<hbm>> -> memref<40x125xi32, #tpu.memory_space<hbm>>
      tpu.wait_dma2 semaphore(%run_scoped3A_43 : memref<!tpu.dma_semaphore, #tpu.memory_space<semaphore_mem>>) src(%dma_wait3A_49 : memref<40x125xi32, #tpu.memory_space<hbm>>) dst(%arg7 : memref<40x125xi32, #tpu.memory_space<vmem>>)
      tpu.yield
    }) : () -> ()
    %scan3A_32 = arith.constant 0 : i32
    %scan3A_33 = arith.constant 0 : i32
    %scan3A_34 = arith.constant 5 : i32
    %scan3A_35 = arith.addi %scan3A_33, %scan3A_34 : i32
    %scan3A_36 = arith.constant 1 : i32
    scf.for %scan3A_43 = %scan3A_33 to %scan3A_35 step %scan3A_36  : i32 {
      %mul3A_44 = arith.constant 8 : i32
      %mul3A_45 = arith.muli %mul3A_44, %scan3A_43 : i32
      %add3A_46 = arith.constant 0 : i32
      %add3A_47 = arith.addi %mul3A_45, %add3A_46 : i32
      %dma_start3A = arith.constant 0 : i32
      %dma_start3A_48 = arith.constant 0 : i32
      %dma_start3A_49 = arith.constant 0 : i32
      %dma_start3A_50 = tpu.memref_slice %arg8[%dma_start3A, %dma_start3A_48, %dma_start3A_49] : memref<8x128x16xf32, #tpu.memory_space<vmem>> -> memref<1x125x16xf32, #tpu.memory_space<vmem>>
      %dma_start3A_51 = tpu.memref_squeeze %dma_start3A_50 : memref<1x125x16xf32, #tpu.memory_space<vmem>> -> memref<125x16xf32, #tpu.memory_space<vmem>>
      %dma_start3A_52 = arith.constant 0 : i32
      %dma_start3A_53 = tpu.memref_slice %arg6[%add3A_47, %dma_start3A_52] : memref<40x125xi32, #tpu.memory_space<vmem>> -> memref<1x125xi32, #tpu.memory_space<vmem>>
      %dma_start3A_54 = tpu.memref_squeeze %dma_start3A_53 : memref<1x125xi32, #tpu.memory_space<vmem>> -> memref<125xi32, #tpu.memory_space<vmem>>
      %dma_start3A_55 = arith.constant 0 : i32
      %dma_start3A_56 = arith.constant 0 : i32
      %dma_start3A_57 = tpu.memref_slice %arg2[%dma_start3A_55, %dma_start3A_56] : memref<10000x16xf32, #tpu.memory_space<hbm>> -> memref<10000x16xf32, #tpu.memory_space<hbm>>
      tpu.enqueue_indirect_dma source(%dma_start3A_57 : memref<10000x16xf32, #tpu.memory_space<hbm>>) target(%dma_start3A_51 : memref<125x16xf32, #tpu.memory_space<vmem>>) offsets(%dma_start3A_54 : memref<125xi32, #tpu.memory_space<vmem>>) semaphore(%arg9 : memref<!tpu.dma_semaphore, #tpu.memory_space<semaphore_mem>>)
      %add3A_58 = arith.constant 1 : i32
      %add3A_59 = arith.addi %mul3A_45, %add3A_58 : i32
      %dma_start3A_60 = arith.constant 1 : i32
      %dma_start3A_61 = arith.constant 0 : i32
      %dma_start3A_62 = arith.constant 0 : i32
      %dma_start3A_63 = tpu.memref_slice %arg8[%dma_start3A_60, %dma_start3A_61, %dma_start3A_62] : memref<8x128x16xf32, #tpu.memory_space<vmem>> -> memref<1x125x16xf32, #tpu.memory_space<vmem>>
      %dma_start3A_64 = tpu.memref_squeeze %dma_start3A_63 : memref<1x125x16xf32, #tpu.memory_space<vmem>> -> memref<125x16xf32, #tpu.memory_space<vmem>>
      %dma_start3A_65 = arith.constant 0 : i32
      %dma_start3A_66 = tpu.memref_slice %arg6[%add3A_59, %dma_start3A_65] : memref<40x125xi32, #tpu.memory_space<vmem>> -> memref<1x125xi32, #tpu.memory_space<vmem>>
      %dma_start3A_67 = tpu.memref_squeeze %dma_start3A_66 : memref<1x125xi32, #tpu.memory_space<vmem>> -> memref<125xi32, #tpu.memory_space<vmem>>
      %dma_start3A_68 = arith.constant 0 : i32
      %dma_start3A_69 = arith.constant 0 : i32
      %dma_start3A_70 = tpu.memref_slice %arg2[%dma_start3A_68, %dma_start3A_69] : memref<10000x16xf32, #tpu.memory_space<hbm>> -> memref<10000x16xf32, #tpu.memory_space<hbm>>
      tpu.enqueue_indirect_dma source(%dma_start3A_70 : memref<10000x16xf32, #tpu.memory_space<hbm>>) target(%dma_start3A_64 : memref<125x16xf32, #tpu.memory_space<vmem>>) offsets(%dma_start3A_67 : memref<125xi32, #tpu.memory_space<vmem>>) semaphore(%arg10 : memref<!tpu.dma_semaphore, #tpu.memory_space<semaphore_mem>>)
      %add3A_71 = arith.constant 2 : i32
      %add3A_72 = arith.addi %mul3A_45, %add3A_71 : i32
      %dma_start3A_73 = arith.constant 2 : i32
      %dma_start3A_74 = arith.constant 0 : i32
      %dma_start3A_75 = arith.constant 0 : i32
      %dma_start3A_76 = tpu.memref_slice %arg8[%dma_start3A_73, %dma_start3A_74, %dma_start3A_75] : memref<8x128x16xf32, #tpu.memory_space<vmem>> -> memref<1x125x16xf32, #tpu.memory_space<vmem>>
      %dma_start3A_77 = tpu.memref_squeeze %dma_start3A_76 : memref<1x125x16xf32, #tpu.memory_space<vmem>> -> memref<125x16xf32, #tpu.memory_space<vmem>>
      %dma_start3A_78 = arith.constant 0 : i32
      %dma_start3A_79 = tpu.memref_slice %arg6[%add3A_72, %dma_start3A_78] : memref<40x125xi32, #tpu.memory_space<vmem>> -> memref<1x125xi32, #tpu.memory_space<vmem>>
      %dma_start3A_80 = tpu.memref_squeeze %dma_start3A_79 : memref<1x125xi32, #tpu.memory_space<vmem>> -> memref<125xi32, #tpu.memory_space<vmem>>
      %dma_start3A_81 = arith.constant 0 : i32
      %dma_start3A_82 = arith.constant 0 : i32
      %dma_start3A_83 = tpu.memref_slice %arg2[%dma_start3A_81, %dma_start3A_82] : memref<10000x16xf32, #tpu.memory_space<hbm>> -> memref<10000x16xf32, #tpu.memory_space<hbm>>
      tpu.enqueue_indirect_dma source(%dma_start3A_83 : memref<10000x16xf32, #tpu.memory_space<hbm>>) target(%dma_start3A_77 : memref<125x16xf32, #tpu.memory_space<vmem>>) offsets(%dma_start3A_80 : memref<125xi32, #tpu.memory_space<vmem>>) semaphore(%arg11 : memref<!tpu.dma_semaphore, #tpu.memory_space<semaphore_mem>>)
      %add3A_84 = arith.constant 3 : i32
      %add3A_85 = arith.addi %mul3A_45, %add3A_84 : i32
      %dma_start3A_86 = arith.constant 3 : i32
      %dma_start3A_87 = arith.constant 0 : i32
      %dma_start3A_88 = arith.constant 0 : i32
      %dma_start3A_89 = tpu.memref_slice %arg8[%dma_start3A_86, %dma_start3A_87, %dma_start3A_88] : memref<8x128x16xf32, #tpu.memory_space<vmem>> -> memref<1x125x16xf32, #tpu.memory_space<vmem>>
      %dma_start3A_90 = tpu.memref_squeeze %dma_start3A_89 : memref<1x125x16xf32, #tpu.memory_space<vmem>> -> memref<125x16xf32, #tpu.memory_space<vmem>>
      %dma_start3A_91 = arith.constant 0 : i32
      %dma_start3A_92 = tpu.memref_slice %arg6[%add3A_85, %dma_start3A_91] : memref<40x125xi32, #tpu.memory_space<vmem>> -> memref<1x125xi32, #tpu.memory_space<vmem>>
      %dma_start3A_93 = tpu.memref_squeeze %dma_start3A_92 : memref<1x125xi32, #tpu.memory_space<vmem>> -> memref<125xi32, #tpu.memory_space<vmem>>
      %dma_start3A_94 = arith.constant 0 : i32
      %dma_start3A_95 = arith.constant 0 : i32
      %dma_start3A_96 = tpu.memref_slice %arg2[%dma_start3A_94, %dma_start3A_95] : memref<10000x16xf32, #tpu.memory_space<hbm>> -> memref<10000x16xf32, #tpu.memory_space<hbm>>
      tpu.enqueue_indirect_dma source(%dma_start3A_96 : memref<10000x16xf32, #tpu.memory_space<hbm>>) target(%dma_start3A_90 : memref<125x16xf32, #tpu.memory_space<vmem>>) offsets(%dma_start3A_93 : memref<125xi32, #tpu.memory_space<vmem>>) semaphore(%arg12 : memref<!tpu.dma_semaphore, #tpu.memory_space<semaphore_mem>>)
      %add3A_97 = arith.constant 4 : i32
      %add3A_98 = arith.addi %mul3A_45, %add3A_97 : i32
      %dma_start3A_99 = arith.constant 4 : i32
      %dma_start3A_100 = arith.constant 0 : i32
      %dma_start3A_101 = arith.constant 0 : i32
      %dma_start3A_102 = tpu.memref_slice %arg8[%dma_start3A_99, %dma_start3A_100, %dma_start3A_101] : memref<8x128x16xf32, #tpu.memory_space<vmem>> -> memref<1x125x16xf32, #tpu.memory_space<vmem>>
      %dma_start3A_103 = tpu.memref_squeeze %dma_start3A_102 : memref<1x125x16xf32, #tpu.memory_space<vmem>> -> memref<125x16xf32, #tpu.memory_space<vmem>>
      %dma_start3A_104 = arith.constant 0 : i32
      %dma_start3A_105 = tpu.memref_slice %arg6[%add3A_98, %dma_start3A_104] : memref<40x125xi32, #tpu.memory_space<vmem>> -> memref<1x125xi32, #tpu.memory_space<vmem>>
      %dma_start3A_106 = tpu.memref_squeeze %dma_start3A_105 : memref<1x125xi32, #tpu.memory_space<vmem>> -> memref<125xi32, #tpu.memory_space<vmem>>
      %dma_start3A_107 = arith.constant 0 : i32
      %dma_start3A_108 = arith.constant 0 : i32
      %dma_start3A_109 = tpu.memref_slice %arg2[%dma_start3A_107, %dma_start3A_108] : memref<10000x16xf32, #tpu.memory_space<hbm>> -> memref<10000x16xf32, #tpu.memory_space<hbm>>
      tpu.enqueue_indirect_dma source(%dma_start3A_109 : memref<10000x16xf32, #tpu.memory_space<hbm>>) target(%dma_start3A_103 : memref<125x16xf32, #tpu.memory_space<vmem>>) offsets(%dma_start3A_106 : memref<125xi32, #tpu.memory_space<vmem>>) semaphore(%arg13 : memref<!tpu.dma_semaphore, #tpu.memory_space<semaphore_mem>>)
      %add3A_110 = arith.constant 5 : i32
      %add3A_111 = arith.addi %mul3A_45, %add3A_110 : i32
      %dma_start3A_112 = arith.constant 5 : i32
      %dma_start3A_113 = arith.constant 0 : i32
      %dma_start3A_114 = arith.constant 0 : i32
      %dma_start3A_115 = tpu.memref_slice %arg8[%dma_start3A_112, %dma_start3A_113, %dma_start3A_114] : memref<8x128x16xf32, #tpu.memory_space<vmem>> -> memref<1x125x16xf32, #tpu.memory_space<vmem>>
      %dma_start3A_116 = tpu.memref_squeeze %dma_start3A_115 : memref<1x125x16xf32, #tpu.memory_space<vmem>> -> memref<125x16xf32, #tpu.memory_space<vmem>>
      %dma_start3A_117 = arith.constant 0 : i32
      %dma_start3A_118 = tpu.memref_slice %arg6[%add3A_111, %dma_start3A_117] : memref<40x125xi32, #tpu.memory_space<vmem>> -> memref<1x125xi32, #tpu.memory_space<vmem>>
      %dma_start3A_119 = tpu.memref_squeeze %dma_start3A_118 : memref<1x125xi32, #tpu.memory_space<vmem>> -> memref<125xi32, #tpu.memory_space<vmem>>
      %dma_start3A_120 = arith.constant 0 : i32
      %dma_start3A_121 = arith.constant 0 : i32
      %dma_start3A_122 = tpu.memref_slice %arg2[%dma_start3A_120, %dma_start3A_121] : memref<10000x16xf32, #tpu.memory_space<hbm>> -> memref<10000x16xf32, #tpu.memory_space<hbm>>
      tpu.enqueue_indirect_dma source(%dma_start3A_122 : memref<10000x16xf32, #tpu.memory_space<hbm>>) target(%dma_start3A_116 : memref<125x16xf32, #tpu.memory_space<vmem>>) offsets(%dma_start3A_119 : memref<125xi32, #tpu.memory_space<vmem>>) semaphore(%arg14 : memref<!tpu.dma_semaphore, #tpu.memory_space<semaphore_mem>>)
      %add3A_123 = arith.constant 6 : i32
      %add3A_124 = arith.addi %mul3A_45, %add3A_123 : i32
      %dma_start3A_125 = arith.constant 6 : i32
      %dma_start3A_126 = arith.constant 0 : i32
      %dma_start3A_127 = arith.constant 0 : i32
      %dma_start3A_128 = tpu.memref_slice %arg8[%dma_start3A_125, %dma_start3A_126, %dma_start3A_127] : memref<8x128x16xf32, #tpu.memory_space<vmem>> -> memref<1x125x16xf32, #tpu.memory_space<vmem>>
      %dma_start3A_129 = tpu.memref_squeeze %dma_start3A_128 : memref<1x125x16xf32, #tpu.memory_space<vmem>> -> memref<125x16xf32, #tpu.memory_space<vmem>>
      %dma_start3A_130 = arith.constant 0 : i32
      %dma_start3A_131 = tpu.memref_slice %arg6[%add3A_124, %dma_start3A_130] : memref<40x125xi32, #tpu.memory_space<vmem>> -> memref<1x125xi32, #tpu.memory_space<vmem>>
      %dma_start3A_132 = tpu.memref_squeeze %dma_start3A_131 : memref<1x125xi32, #tpu.memory_space<vmem>> -> memref<125xi32, #tpu.memory_space<vmem>>
      %dma_start3A_133 = arith.constant 0 : i32
      %dma_start3A_134 = arith.constant 0 : i32
      %dma_start3A_135 = tpu.memref_slice %arg2[%dma_start3A_133, %dma_start3A_134] : memref<10000x16xf32, #tpu.memory_space<hbm>> -> memref<10000x16xf32, #tpu.memory_space<hbm>>
      tpu.enqueue_indirect_dma source(%dma_start3A_135 : memref<10000x16xf32, #tpu.memory_space<hbm>>) target(%dma_start3A_129 : memref<125x16xf32, #tpu.memory_space<vmem>>) offsets(%dma_start3A_132 : memref<125xi32, #tpu.memory_space<vmem>>) semaphore(%arg15 : memref<!tpu.dma_semaphore, #tpu.memory_space<semaphore_mem>>)
      %add3A_136 = arith.constant 7 : i32
      %add3A_137 = arith.addi %mul3A_45, %add3A_136 : i32
      %dma_start3A_138 = arith.constant 7 : i32
      %dma_start3A_139 = arith.constant 0 : i32
      %dma_start3A_140 = arith.constant 0 : i32
      %dma_start3A_141 = tpu.memref_slice %arg8[%dma_start3A_138, %dma_start3A_139, %dma_start3A_140] : memref<8x128x16xf32, #tpu.memory_space<vmem>> -> memref<1x125x16xf32, #tpu.memory_space<vmem>>
      %dma_start3A_142 = tpu.memref_squeeze %dma_start3A_141 : memref<1x125x16xf32, #tpu.memory_space<vmem>> -> memref<125x16xf32, #tpu.memory_space<vmem>>
      %dma_start3A_143 = arith.constant 0 : i32
      %dma_start3A_144 = tpu.memref_slice %arg6[%add3A_137, %dma_start3A_143] : memref<40x125xi32, #tpu.memory_space<vmem>> -> memref<1x125xi32, #tpu.memory_space<vmem>>
      %dma_start3A_145 = tpu.memref_squeeze %dma_start3A_144 : memref<1x125xi32, #tpu.memory_space<vmem>> -> memref<125xi32, #tpu.memory_space<vmem>>
      %dma_start3A_146 = arith.constant 0 : i32
      %dma_start3A_147 = arith.constant 0 : i32
      %dma_start3A_148 = tpu.memref_slice %arg2[%dma_start3A_146, %dma_start3A_147] : memref<10000x16xf32, #tpu.memory_space<hbm>> -> memref<10000x16xf32, #tpu.memory_space<hbm>>
      tpu.enqueue_indirect_dma source(%dma_start3A_148 : memref<10000x16xf32, #tpu.memory_space<hbm>>) target(%dma_start3A_142 : memref<125x16xf32, #tpu.memory_space<vmem>>) offsets(%dma_start3A_145 : memref<125xi32, #tpu.memory_space<vmem>>) semaphore(%arg16 : memref<!tpu.dma_semaphore, #tpu.memory_space<semaphore_mem>>)
      %dma_wait3A = arith.constant 0 : i32
      %dma_wait3A_149 = arith.constant 0 : i32
      %dma_wait3A_150 = arith.constant 0 : i32
      %dma_wait3A_151 = tpu.memref_slice %arg8[%dma_wait3A, %dma_wait3A_149, %dma_wait3A_150] : memref<8x128x16xf32, #tpu.memory_space<vmem>> -> memref<1x125x16xf32, #tpu.memory_space<vmem>>
      %dma_wait3A_152 = tpu.memref_squeeze %dma_wait3A_151 : memref<1x125x16xf32, #tpu.memory_space<vmem>> -> memref<125x16xf32, #tpu.memory_space<vmem>>
      %dma_wait3A_153 = arith.constant 0 : i32
      %dma_wait3A_154 = tpu.memref_slice %arg6[%add3A_47, %dma_wait3A_153] : memref<40x125xi32, #tpu.memory_space<vmem>> -> memref<1x125xi32, #tpu.memory_space<vmem>>
      %dma_wait3A_155 = tpu.memref_squeeze %dma_wait3A_154 : memref<1x125xi32, #tpu.memory_space<vmem>> -> memref<125xi32, #tpu.memory_space<vmem>>
      %dma_wait3A_156 = arith.constant 0 : i32
      %dma_wait3A_157 = arith.constant 0 : i32
      %dma_wait3A_158 = tpu.memref_slice %arg2[%dma_wait3A_156, %dma_wait3A_157] : memref<10000x16xf32, #tpu.memory_space<hbm>> -> memref<10000x16xf32, #tpu.memory_space<hbm>>
      tpu.wait_indirect_dma semaphore(%arg9 : memref<!tpu.dma_semaphore, #tpu.memory_space<semaphore_mem>>) src(%dma_wait3A_158 : memref<10000x16xf32, #tpu.memory_space<hbm>>) dst(%dma_wait3A_152 : memref<125x16xf32, #tpu.memory_space<vmem>>)
      %add3A_159 = arith.constant 0 : i32
      %add3A_160 = arith.addi %mul3A_45, %add3A_159 : i32
      %dma_start3A_161 = arith.constant 0 : i32
      %dma_start3A_162 = arith.constant 0 : i32
      %dma_start3A_163 = arith.constant 0 : i32
      %dma_start3A_164 = tpu.memref_slice %arg8[%dma_start3A_161, %dma_start3A_162, %dma_start3A_163] : memref<8x128x16xf32, #tpu.memory_space<vmem>> -> memref<1x125x16xf32, #tpu.memory_space<vmem>>
      %dma_start3A_165 = tpu.memref_squeeze %dma_start3A_164 : memref<1x125x16xf32, #tpu.memory_space<vmem>> -> memref<125x16xf32, #tpu.memory_space<vmem>>
      %dma_start3A_166 = arith.constant 0 : i32
      %dma_start3A_167 = tpu.memref_slice %arg7[%add3A_160, %dma_start3A_166] : memref<40x125xi32, #tpu.memory_space<vmem>> -> memref<1x125xi32, #tpu.memory_space<vmem>>
      %dma_start3A_168 = tpu.memref_squeeze %dma_start3A_167 : memref<1x125xi32, #tpu.memory_space<vmem>> -> memref<125xi32, #tpu.memory_space<vmem>>
      %dma_start3A_169 = arith.constant 0 : i32
      %dma_start3A_170 = arith.constant 0 : i32
      %dma_start3A_171 = tpu.memref_slice %arg25[%dma_start3A_169, %dma_start3A_170] : memref<10240x16xf32, #tpu.memory_space<vmem_shared>> -> memref<10240x16xf32, #tpu.memory_space<vmem_shared>>
      tpu.enqueue_indirect_dma source(%dma_start3A_165 : memref<125x16xf32, #tpu.memory_space<vmem>>) target(%dma_start3A_171 : memref<10240x16xf32, #tpu.memory_space<vmem_shared>>) offsets(%dma_start3A_168 : memref<125xi32, #tpu.memory_space<vmem>>) semaphore(%arg17 : memref<!tpu.dma_semaphore, #tpu.memory_space<semaphore_mem>>) {add = true}
      %dma_wait3A_172 = arith.constant 1 : i32
      %dma_wait3A_173 = arith.constant 0 : i32
      %dma_wait3A_174 = arith.constant 0 : i32
      %dma_wait3A_175 = tpu.memref_slice %arg8[%dma_wait3A_172, %dma_wait3A_173, %dma_wait3A_174] : memref<8x128x16xf32, #tpu.memory_space<vmem>> -> memref<1x125x16xf32, #tpu.memory_space<vmem>>
      %dma_wait3A_176 = tpu.memref_squeeze %dma_wait3A_175 : memref<1x125x16xf32, #tpu.memory_space<vmem>> -> memref<125x16xf32, #tpu.memory_space<vmem>>
      %dma_wait3A_177 = arith.constant 0 : i32
      %dma_wait3A_178 = tpu.memref_slice %arg6[%add3A_59, %dma_wait3A_177] : memref<40x125xi32, #tpu.memory_space<vmem>> -> memref<1x125xi32, #tpu.memory_space<vmem>>
      %dma_wait3A_179 = tpu.memref_squeeze %dma_wait3A_178 : memref<1x125xi32, #tpu.memory_space<vmem>> -> memref<125xi32, #tpu.memory_space<vmem>>
      %dma_wait3A_180 = arith.constant 0 : i32
      %dma_wait3A_181 = arith.constant 0 : i32
      %dma_wait3A_182 = tpu.memref_slice %arg2[%dma_wait3A_180, %dma_wait3A_181] : memref<10000x16xf32, #tpu.memory_space<hbm>> -> memref<10000x16xf32, #tpu.memory_space<hbm>>
      tpu.wait_indirect_dma semaphore(%arg10 : memref<!tpu.dma_semaphore, #tpu.memory_space<semaphore_mem>>) src(%dma_wait3A_182 : memref<10000x16xf32, #tpu.memory_space<hbm>>) dst(%dma_wait3A_176 : memref<125x16xf32, #tpu.memory_space<vmem>>)
      %add3A_183 = arith.constant 1 : i32
      %add3A_184 = arith.addi %mul3A_45, %add3A_183 : i32
      %dma_start3A_185 = arith.constant 1 : i32
      %dma_start3A_186 = arith.constant 0 : i32
      %dma_start3A_187 = arith.constant 0 : i32
      %dma_start3A_188 = tpu.memref_slice %arg8[%dma_start3A_185, %dma_start3A_186, %dma_start3A_187] : memref<8x128x16xf32, #tpu.memory_space<vmem>> -> memref<1x125x16xf32, #tpu.memory_space<vmem>>
      %dma_start3A_189 = tpu.memref_squeeze %dma_start3A_188 : memref<1x125x16xf32, #tpu.memory_space<vmem>> -> memref<125x16xf32, #tpu.memory_space<vmem>>
      %dma_start3A_190 = arith.constant 0 : i32
      %dma_start3A_191 = tpu.memref_slice %arg7[%add3A_184, %dma_start3A_190] : memref<40x125xi32, #tpu.memory_space<vmem>> -> memref<1x125xi32, #tpu.memory_space<vmem>>
      %dma_start3A_192 = tpu.memref_squeeze %dma_start3A_191 : memref<1x125xi32, #tpu.memory_space<vmem>> -> memref<125xi32, #tpu.memory_space<vmem>>
      %dma_start3A_193 = arith.constant 0 : i32
      %dma_start3A_194 = arith.constant 0 : i32
      %dma_start3A_195 = tpu.memref_slice %arg25[%dma_start3A_193, %dma_start3A_194] : memref<10240x16xf32, #tpu.memory_space<vmem_shared>> -> memref<10240x16xf32, #tpu.memory_space<vmem_shared>>
      tpu.enqueue_indirect_dma source(%dma_start3A_189 : memref<125x16xf32, #tpu.memory_space<vmem>>) target(%dma_start3A_195 : memref<10240x16xf32, #tpu.memory_space<vmem_shared>>) offsets(%dma_start3A_192 : memref<125xi32, #tpu.memory_space<vmem>>) semaphore(%arg18 : memref<!tpu.dma_semaphore, #tpu.memory_space<semaphore_mem>>) {add = true}
      %dma_wait3A_196 = arith.constant 2 : i32
      %dma_wait3A_197 = arith.constant 0 : i32
      %dma_wait3A_198 = arith.constant 0 : i32
      %dma_wait3A_199 = tpu.memref_slice %arg8[%dma_wait3A_196, %dma_wait3A_197, %dma_wait3A_198] : memref<8x128x16xf32, #tpu.memory_space<vmem>> -> memref<1x125x16xf32, #tpu.memory_space<vmem>>
      %dma_wait3A_200 = tpu.memref_squeeze %dma_wait3A_199 : memref<1x125x16xf32, #tpu.memory_space<vmem>> -> memref<125x16xf32, #tpu.memory_space<vmem>>
      %dma_wait3A_201 = arith.constant 0 : i32
      %dma_wait3A_202 = tpu.memref_slice %arg6[%add3A_72, %dma_wait3A_201] : memref<40x125xi32, #tpu.memory_space<vmem>> -> memref<1x125xi32, #tpu.memory_space<vmem>>
      %dma_wait3A_203 = tpu.memref_squeeze %dma_wait3A_202 : memref<1x125xi32, #tpu.memory_space<vmem>> -> memref<125xi32, #tpu.memory_space<vmem>>
      %dma_wait3A_204 = arith.constant 0 : i32
      %dma_wait3A_205 = arith.constant 0 : i32
      %dma_wait3A_206 = tpu.memref_slice %arg2[%dma_wait3A_204, %dma_wait3A_205] : memref<10000x16xf32, #tpu.memory_space<hbm>> -> memref<10000x16xf32, #tpu.memory_space<hbm>>
      tpu.wait_indirect_dma semaphore(%arg11 : memref<!tpu.dma_semaphore, #tpu.memory_space<semaphore_mem>>) src(%dma_wait3A_206 : memref<10000x16xf32, #tpu.memory_space<hbm>>) dst(%dma_wait3A_200 : memref<125x16xf32, #tpu.memory_space<vmem>>)
      %add3A_207 = arith.constant 2 : i32
      %add3A_208 = arith.addi %mul3A_45, %add3A_207 : i32
      %dma_start3A_209 = arith.constant 2 : i32
      %dma_start3A_210 = arith.constant 0 : i32
      %dma_start3A_211 = arith.constant 0 : i32
      %dma_start3A_212 = tpu.memref_slice %arg8[%dma_start3A_209, %dma_start3A_210, %dma_start3A_211] : memref<8x128x16xf32, #tpu.memory_space<vmem>> -> memref<1x125x16xf32, #tpu.memory_space<vmem>>
      %dma_start3A_213 = tpu.memref_squeeze %dma_start3A_212 : memref<1x125x16xf32, #tpu.memory_space<vmem>> -> memref<125x16xf32, #tpu.memory_space<vmem>>
      %dma_start3A_214 = arith.constant 0 : i32
      %dma_start3A_215 = tpu.memref_slice %arg7[%add3A_208, %dma_start3A_214] : memref<40x125xi32, #tpu.memory_space<vmem>> -> memref<1x125xi32, #tpu.memory_space<vmem>>
      %dma_start3A_216 = tpu.memref_squeeze %dma_start3A_215 : memref<1x125xi32, #tpu.memory_space<vmem>> -> memref<125xi32, #tpu.memory_space<vmem>>
      %dma_start3A_217 = arith.constant 0 : i32
      %dma_start3A_218 = arith.constant 0 : i32
      %dma_start3A_219 = tpu.memref_slice %arg25[%dma_start3A_217, %dma_start3A_218] : memref<10240x16xf32, #tpu.memory_space<vmem_shared>> -> memref<10240x16xf32, #tpu.memory_space<vmem_shared>>
      tpu.enqueue_indirect_dma source(%dma_start3A_213 : memref<125x16xf32, #tpu.memory_space<vmem>>) target(%dma_start3A_219 : memref<10240x16xf32, #tpu.memory_space<vmem_shared>>) offsets(%dma_start3A_216 : memref<125xi32, #tpu.memory_space<vmem>>) semaphore(%arg19 : memref<!tpu.dma_semaphore, #tpu.memory_space<semaphore_mem>>) {add = true}
      %dma_wait3A_220 = arith.constant 3 : i32
      %dma_wait3A_221 = arith.constant 0 : i32
      %dma_wait3A_222 = arith.constant 0 : i32
      %dma_wait3A_223 = tpu.memref_slice %arg8[%dma_wait3A_220, %dma_wait3A_221, %dma_wait3A_222] : memref<8x128x16xf32, #tpu.memory_space<vmem>> -> memref<1x125x16xf32, #tpu.memory_space<vmem>>
      %dma_wait3A_224 = tpu.memref_squeeze %dma_wait3A_223 : memref<1x125x16xf32, #tpu.memory_space<vmem>> -> memref<125x16xf32, #tpu.memory_space<vmem>>
      %dma_wait3A_225 = arith.constant 0 : i32
      %dma_wait3A_226 = tpu.memref_slice %arg6[%add3A_85, %dma_wait3A_225] : memref<40x125xi32, #tpu.memory_space<vmem>> -> memref<1x125xi32, #tpu.memory_space<vmem>>
      %dma_wait3A_227 = tpu.memref_squeeze %dma_wait3A_226 : memref<1x125xi32, #tpu.memory_space<vmem>> -> memref<125xi32, #tpu.memory_space<vmem>>
      %dma_wait3A_228 = arith.constant 0 : i32
      %dma_wait3A_229 = arith.constant 0 : i32
      %dma_wait3A_230 = tpu.memref_slice %arg2[%dma_wait3A_228, %dma_wait3A_229] : memref<10000x16xf32, #tpu.memory_space<hbm>> -> memref<10000x16xf32, #tpu.memory_space<hbm>>
      tpu.wait_indirect_dma semaphore(%arg12 : memref<!tpu.dma_semaphore, #tpu.memory_space<semaphore_mem>>) src(%dma_wait3A_230 : memref<10000x16xf32, #tpu.memory_space<hbm>>) dst(%dma_wait3A_224 : memref<125x16xf32, #tpu.memory_space<vmem>>)
      %add3A_231 = arith.constant 3 : i32
      %add3A_232 = arith.addi %mul3A_45, %add3A_231 : i32
      %dma_start3A_233 = arith.constant 3 : i32
      %dma_start3A_234 = arith.constant 0 : i32
      %dma_start3A_235 = arith.constant 0 : i32
      %dma_start3A_236 = tpu.memref_slice %arg8[%dma_start3A_233, %dma_start3A_234, %dma_start3A_235] : memref<8x128x16xf32, #tpu.memory_space<vmem>> -> memref<1x125x16xf32, #tpu.memory_space<vmem>>
      %dma_start3A_237 = tpu.memref_squeeze %dma_start3A_236 : memref<1x125x16xf32, #tpu.memory_space<vmem>> -> memref<125x16xf32, #tpu.memory_space<vmem>>
      %dma_start3A_238 = arith.constant 0 : i32
      %dma_start3A_239 = tpu.memref_slice %arg7[%add3A_232, %dma_start3A_238] : memref<40x125xi32, #tpu.memory_space<vmem>> -> memref<1x125xi32, #tpu.memory_space<vmem>>
      %dma_start3A_240 = tpu.memref_squeeze %dma_start3A_239 : memref<1x125xi32, #tpu.memory_space<vmem>> -> memref<125xi32, #tpu.memory_space<vmem>>
      %dma_start3A_241 = arith.constant 0 : i32
      %dma_start3A_242 = arith.constant 0 : i32
      %dma_start3A_243 = tpu.memref_slice %arg25[%dma_start3A_241, %dma_start3A_242] : memref<10240x16xf32, #tpu.memory_space<vmem_shared>> -> memref<10240x16xf32, #tpu.memory_space<vmem_shared>>
      tpu.enqueue_indirect_dma source(%dma_start3A_237 : memref<125x16xf32, #tpu.memory_space<vmem>>) target(%dma_start3A_243 : memref<10240x16xf32, #tpu.memory_space<vmem_shared>>) offsets(%dma_start3A_240 : memref<125xi32, #tpu.memory_space<vmem>>) semaphore(%arg20 : memref<!tpu.dma_semaphore, #tpu.memory_space<semaphore_mem>>) {add = true}
      %dma_wait3A_244 = arith.constant 4 : i32
      %dma_wait3A_245 = arith.constant 0 : i32
      %dma_wait3A_246 = arith.constant 0 : i32
      %dma_wait3A_247 = tpu.memref_slice %arg8[%dma_wait3A_244, %dma_wait3A_245, %dma_wait3A_246] : memref<8x128x16xf32, #tpu.memory_space<vmem>> -> memref<1x125x16xf32, #tpu.memory_space<vmem>>
      %dma_wait3A_248 = tpu.memref_squeeze %dma_wait3A_247 : memref<1x125x16xf32, #tpu.memory_space<vmem>> -> memref<125x16xf32, #tpu.memory_space<vmem>>
      %dma_wait3A_249 = arith.constant 0 : i32
      %dma_wait3A_250 = tpu.memref_slice %arg6[%add3A_98, %dma_wait3A_249] : memref<40x125xi32, #tpu.memory_space<vmem>> -> memref<1x125xi32, #tpu.memory_space<vmem>>
      %dma_wait3A_251 = tpu.memref_squeeze %dma_wait3A_250 : memref<1x125xi32, #tpu.memory_space<vmem>> -> memref<125xi32, #tpu.memory_space<vmem>>
      %dma_wait3A_252 = arith.constant 0 : i32
      %dma_wait3A_253 = arith.constant 0 : i32
      %dma_wait3A_254 = tpu.memref_slice %arg2[%dma_wait3A_252, %dma_wait3A_253] : memref<10000x16xf32, #tpu.memory_space<hbm>> -> memref<10000x16xf32, #tpu.memory_space<hbm>>
      tpu.wait_indirect_dma semaphore(%arg13 : memref<!tpu.dma_semaphore, #tpu.memory_space<semaphore_mem>>) src(%dma_wait3A_254 : memref<10000x16xf32, #tpu.memory_space<hbm>>) dst(%dma_wait3A_248 : memref<125x16xf32, #tpu.memory_space<vmem>>)
      %add3A_255 = arith.constant 4 : i32
      %add3A_256 = arith.addi %mul3A_45, %add3A_255 : i32
      %dma_start3A_257 = arith.constant 4 : i32
      %dma_start3A_258 = arith.constant 0 : i32
      %dma_start3A_259 = arith.constant 0 : i32
      %dma_start3A_260 = tpu.memref_slice %arg8[%dma_start3A_257, %dma_start3A_258, %dma_start3A_259] : memref<8x128x16xf32, #tpu.memory_space<vmem>> -> memref<1x125x16xf32, #tpu.memory_space<vmem>>
      %dma_start3A_261 = tpu.memref_squeeze %dma_start3A_260 : memref<1x125x16xf32, #tpu.memory_space<vmem>> -> memref<125x16xf32, #tpu.memory_space<vmem>>
      %dma_start3A_262 = arith.constant 0 : i32
      %dma_start3A_263 = tpu.memref_slice %arg7[%add3A_256, %dma_start3A_262] : memref<40x125xi32, #tpu.memory_space<vmem>> -> memref<1x125xi32, #tpu.memory_space<vmem>>
      %dma_start3A_264 = tpu.memref_squeeze %dma_start3A_263 : memref<1x125xi32, #tpu.memory_space<vmem>> -> memref<125xi32, #tpu.memory_space<vmem>>
      %dma_start3A_265 = arith.constant 0 : i32
      %dma_start3A_266 = arith.constant 0 : i32
      %dma_start3A_267 = tpu.memref_slice %arg25[%dma_start3A_265, %dma_start3A_266] : memref<10240x16xf32, #tpu.memory_space<vmem_shared>> -> memref<10240x16xf32, #tpu.memory_space<vmem_shared>>
      tpu.enqueue_indirect_dma source(%dma_start3A_261 : memref<125x16xf32, #tpu.memory_space<vmem>>) target(%dma_start3A_267 : memref<10240x16xf32, #tpu.memory_space<vmem_shared>>) offsets(%dma_start3A_264 : memref<125xi32, #tpu.memory_space<vmem>>) semaphore(%arg21 : memref<!tpu.dma_semaphore, #tpu.memory_space<semaphore_mem>>) {add = true}
      %dma_wait3A_268 = arith.constant 5 : i32
      %dma_wait3A_269 = arith.constant 0 : i32
      %dma_wait3A_270 = arith.constant 0 : i32
      %dma_wait3A_271 = tpu.memref_slice %arg8[%dma_wait3A_268, %dma_wait3A_269, %dma_wait3A_270] : memref<8x128x16xf32, #tpu.memory_space<vmem>> -> memref<1x125x16xf32, #tpu.memory_space<vmem>>
      %dma_wait3A_272 = tpu.memref_squeeze %dma_wait3A_271 : memref<1x125x16xf32, #tpu.memory_space<vmem>> -> memref<125x16xf32, #tpu.memory_space<vmem>>
      %dma_wait3A_273 = arith.constant 0 : i32
      %dma_wait3A_274 = tpu.memref_slice %arg6[%add3A_111, %dma_wait3A_273] : memref<40x125xi32, #tpu.memory_space<vmem>> -> memref<1x125xi32, #tpu.memory_space<vmem>>
      %dma_wait3A_275 = tpu.memref_squeeze %dma_wait3A_274 : memref<1x125xi32, #tpu.memory_space<vmem>> -> memref<125xi32, #tpu.memory_space<vmem>>
      %dma_wait3A_276 = arith.constant 0 : i32
      %dma_wait3A_277 = arith.constant 0 : i32
      %dma_wait3A_278 = tpu.memref_slice %arg2[%dma_wait3A_276, %dma_wait3A_277] : memref<10000x16xf32, #tpu.memory_space<hbm>> -> memref<10000x16xf32, #tpu.memory_space<hbm>>
      tpu.wait_indirect_dma semaphore(%arg14 : memref<!tpu.dma_semaphore, #tpu.memory_space<semaphore_mem>>) src(%dma_wait3A_278 : memref<10000x16xf32, #tpu.memory_space<hbm>>) dst(%dma_wait3A_272 : memref<125x16xf32, #tpu.memory_space<vmem>>)
      %add3A_279 = arith.constant 5 : i32
      %add3A_280 = arith.addi %mul3A_45, %add3A_279 : i32
      %dma_start3A_281 = arith.constant 5 : i32
      %dma_start3A_282 = arith.constant 0 : i32
      %dma_start3A_283 = arith.constant 0 : i32
      %dma_start3A_284 = tpu.memref_slice %arg8[%dma_start3A_281, %dma_start3A_282, %dma_start3A_283] : memref<8x128x16xf32, #tpu.memory_space<vmem>> -> memref<1x125x16xf32, #tpu.memory_space<vmem>>
      %dma_start3A_285 = tpu.memref_squeeze %dma_start3A_284 : memref<1x125x16xf32, #tpu.memory_space<vmem>> -> memref<125x16xf32, #tpu.memory_space<vmem>>
      %dma_start3A_286 = arith.constant 0 : i32
      %dma_start3A_287 = tpu.memref_slice %arg7[%add3A_280, %dma_start3A_286] : memref<40x125xi32, #tpu.memory_space<vmem>> -> memref<1x125xi32, #tpu.memory_space<vmem>>
      %dma_start3A_288 = tpu.memref_squeeze %dma_start3A_287 : memref<1x125xi32, #tpu.memory_space<vmem>> -> memref<125xi32, #tpu.memory_space<vmem>>
      %dma_start3A_289 = arith.constant 0 : i32
      %dma_start3A_290 = arith.constant 0 : i32
      %dma_start3A_291 = tpu.memref_slice %arg25[%dma_start3A_289, %dma_start3A_290] : memref<10240x16xf32, #tpu.memory_space<vmem_shared>> -> memref<10240x16xf32, #tpu.memory_space<vmem_shared>>
      tpu.enqueue_indirect_dma source(%dma_start3A_285 : memref<125x16xf32, #tpu.memory_space<vmem>>) target(%dma_start3A_291 : memref<10240x16xf32, #tpu.memory_space<vmem_shared>>) offsets(%dma_start3A_288 : memref<125xi32, #tpu.memory_space<vmem>>) semaphore(%arg22 : memref<!tpu.dma_semaphore, #tpu.memory_space<semaphore_mem>>) {add = true}
      %dma_wait3A_292 = arith.constant 6 : i32
      %dma_wait3A_293 = arith.constant 0 : i32
      %dma_wait3A_294 = arith.constant 0 : i32
      %dma_wait3A_295 = tpu.memref_slice %arg8[%dma_wait3A_292, %dma_wait3A_293, %dma_wait3A_294] : memref<8x128x16xf32, #tpu.memory_space<vmem>> -> memref<1x125x16xf32, #tpu.memory_space<vmem>>
      %dma_wait3A_296 = tpu.memref_squeeze %dma_wait3A_295 : memref<1x125x16xf32, #tpu.memory_space<vmem>> -> memref<125x16xf32, #tpu.memory_space<vmem>>
      %dma_wait3A_297 = arith.constant 0 : i32
      %dma_wait3A_298 = tpu.memref_slice %arg6[%add3A_124, %dma_wait3A_297] : memref<40x125xi32, #tpu.memory_space<vmem>> -> memref<1x125xi32, #tpu.memory_space<vmem>>
      %dma_wait3A_299 = tpu.memref_squeeze %dma_wait3A_298 : memref<1x125xi32, #tpu.memory_space<vmem>> -> memref<125xi32, #tpu.memory_space<vmem>>
      %dma_wait3A_300 = arith.constant 0 : i32
      %dma_wait3A_301 = arith.constant 0 : i32
      %dma_wait3A_302 = tpu.memref_slice %arg2[%dma_wait3A_300, %dma_wait3A_301] : memref<10000x16xf32, #tpu.memory_space<hbm>> -> memref<10000x16xf32, #tpu.memory_space<hbm>>
      tpu.wait_indirect_dma semaphore(%arg15 : memref<!tpu.dma_semaphore, #tpu.memory_space<semaphore_mem>>) src(%dma_wait3A_302 : memref<10000x16xf32, #tpu.memory_space<hbm>>) dst(%dma_wait3A_296 : memref<125x16xf32, #tpu.memory_space<vmem>>)
      %add3A_303 = arith.constant 6 : i32
      %add3A_304 = arith.addi %mul3A_45, %add3A_303 : i32
      %dma_start3A_305 = arith.constant 6 : i32
      %dma_start3A_306 = arith.constant 0 : i32
      %dma_start3A_307 = arith.constant 0 : i32
      %dma_start3A_308 = tpu.memref_slice %arg8[%dma_start3A_305, %dma_start3A_306, %dma_start3A_307] : memref<8x128x16xf32, #tpu.memory_space<vmem>> -> memref<1x125x16xf32, #tpu.memory_space<vmem>>
      %dma_start3A_309 = tpu.memref_squeeze %dma_start3A_308 : memref<1x125x16xf32, #tpu.memory_space<vmem>> -> memref<125x16xf32, #tpu.memory_space<vmem>>
      %dma_start3A_310 = arith.constant 0 : i32
      %dma_start3A_311 = tpu.memref_slice %arg7[%add3A_304, %dma_start3A_310] : memref<40x125xi32, #tpu.memory_space<vmem>> -> memref<1x125xi32, #tpu.memory_space<vmem>>
      %dma_start3A_312 = tpu.memref_squeeze %dma_start3A_311 : memref<1x125xi32, #tpu.memory_space<vmem>> -> memref<125xi32, #tpu.memory_space<vmem>>
      %dma_start3A_313 = arith.constant 0 : i32
      %dma_start3A_314 = arith.constant 0 : i32
      %dma_start3A_315 = tpu.memref_slice %arg25[%dma_start3A_313, %dma_start3A_314] : memref<10240x16xf32, #tpu.memory_space<vmem_shared>> -> memref<10240x16xf32, #tpu.memory_space<vmem_shared>>
      tpu.enqueue_indirect_dma source(%dma_start3A_309 : memref<125x16xf32, #tpu.memory_space<vmem>>) target(%dma_start3A_315 : memref<10240x16xf32, #tpu.memory_space<vmem_shared>>) offsets(%dma_start3A_312 : memref<125xi32, #tpu.memory_space<vmem>>) semaphore(%arg23 : memref<!tpu.dma_semaphore, #tpu.memory_space<semaphore_mem>>) {add = true}
      %dma_wait3A_316 = arith.constant 7 : i32
      %dma_wait3A_317 = arith.constant 0 : i32
      %dma_wait3A_318 = arith.constant 0 : i32
      %dma_wait3A_319 = tpu.memref_slice %arg8[%dma_wait3A_316, %dma_wait3A_317, %dma_wait3A_318] : memref<8x128x16xf32, #tpu.memory_space<vmem>> -> memref<1x125x16xf32, #tpu.memory_space<vmem>>
      %dma_wait3A_320 = tpu.memref_squeeze %dma_wait3A_319 : memref<1x125x16xf32, #tpu.memory_space<vmem>> -> memref<125x16xf32, #tpu.memory_space<vmem>>
      %dma_wait3A_321 = arith.constant 0 : i32
      %dma_wait3A_322 = tpu.memref_slice %arg6[%add3A_137, %dma_wait3A_321] : memref<40x125xi32, #tpu.memory_space<vmem>> -> memref<1x125xi32, #tpu.memory_space<vmem>>
      %dma_wait3A_323 = tpu.memref_squeeze %dma_wait3A_322 : memref<1x125xi32, #tpu.memory_space<vmem>> -> memref<125xi32, #tpu.memory_space<vmem>>
      %dma_wait3A_324 = arith.constant 0 : i32
      %dma_wait3A_325 = arith.constant 0 : i32
      %dma_wait3A_326 = tpu.memref_slice %arg2[%dma_wait3A_324, %dma_wait3A_325] : memref<10000x16xf32, #tpu.memory_space<hbm>> -> memref<10000x16xf32, #tpu.memory_space<hbm>>
      tpu.wait_indirect_dma semaphore(%arg16 : memref<!tpu.dma_semaphore, #tpu.memory_space<semaphore_mem>>) src(%dma_wait3A_326 : memref<10000x16xf32, #tpu.memory_space<hbm>>) dst(%dma_wait3A_320 : memref<125x16xf32, #tpu.memory_space<vmem>>)
      %add3A_327 = arith.constant 7 : i32
      %add3A_328 = arith.addi %mul3A_45, %add3A_327 : i32
      %dma_start3A_329 = arith.constant 7 : i32
      %dma_start3A_330 = arith.constant 0 : i32
      %dma_start3A_331 = arith.constant 0 : i32
      %dma_start3A_332 = tpu.memref_slice %arg8[%dma_start3A_329, %dma_start3A_330, %dma_start3A_331] : memref<8x128x16xf32, #tpu.memory_space<vmem>> -> memref<1x125x16xf32, #tpu.memory_space<vmem>>
      %dma_start3A_333 = tpu.memref_squeeze %dma_start3A_332 : memref<1x125x16xf32, #tpu.memory_space<vmem>> -> memref<125x16xf32, #tpu.memory_space<vmem>>
      %dma_start3A_334 = arith.constant 0 : i32
      %dma_start3A_335 = tpu.memref_slice %arg7[%add3A_328, %dma_start3A_334] : memref<40x125xi32, #tpu.memory_space<vmem>> -> memref<1x125xi32, #tpu.memory_space<vmem>>
      %dma_start3A_336 = tpu.memref_squeeze %dma_start3A_335 : memref<1x125xi32, #tpu.memory_space<vmem>> -> memref<125xi32, #tpu.memory_space<vmem>>
      %dma_start3A_337 = arith.constant 0 : i32
      %dma_start3A_338 = arith.constant 0 : i32
      %dma_start3A_339 = tpu.memref_slice %arg25[%dma_start3A_337, %dma_start3A_338] : memref<10240x16xf32, #tpu.memory_space<vmem_shared>> -> memref<10240x16xf32, #tpu.memory_space<vmem_shared>>
      tpu.enqueue_indirect_dma source(%dma_start3A_333 : memref<125x16xf32, #tpu.memory_space<vmem>>) target(%dma_start3A_339 : memref<10240x16xf32, #tpu.memory_space<vmem_shared>>) offsets(%dma_start3A_336 : memref<125xi32, #tpu.memory_space<vmem>>) semaphore(%arg24 : memref<!tpu.dma_semaphore, #tpu.memory_space<semaphore_mem>>) {add = true}
      %dma_wait3A_340 = arith.constant 0 : i32
      %dma_wait3A_341 = arith.constant 0 : i32
      %dma_wait3A_342 = arith.constant 0 : i32
      %dma_wait3A_343 = tpu.memref_slice %arg8[%dma_wait3A_340, %dma_wait3A_341, %dma_wait3A_342] : memref<8x128x16xf32, #tpu.memory_space<vmem>> -> memref<1x125x16xf32, #tpu.memory_space<vmem>>
      %dma_wait3A_344 = tpu.memref_squeeze %dma_wait3A_343 : memref<1x125x16xf32, #tpu.memory_space<vmem>> -> memref<125x16xf32, #tpu.memory_space<vmem>>
      %dma_wait3A_345 = arith.constant 0 : i32
      %dma_wait3A_346 = tpu.memref_slice %arg7[%add3A_160, %dma_wait3A_345] : memref<40x125xi32, #tpu.memory_space<vmem>> -> memref<1x125xi32, #tpu.memory_space<vmem>>
      %dma_wait3A_347 = tpu.memref_squeeze %dma_wait3A_346 : memref<1x125xi32, #tpu.memory_space<vmem>> -> memref<125xi32, #tpu.memory_space<vmem>>
      %dma_wait3A_348 = arith.constant 0 : i32
      %dma_wait3A_349 = arith.constant 0 : i32
      %dma_wait3A_350 = tpu.memref_slice %arg25[%dma_wait3A_348, %dma_wait3A_349] : memref<10240x16xf32, #tpu.memory_space<vmem_shared>> -> memref<10240x16xf32, #tpu.memory_space<vmem_shared>>
      tpu.wait_indirect_dma semaphore(%arg17 : memref<!tpu.dma_semaphore, #tpu.memory_space<semaphore_mem>>) src(%dma_wait3A_344 : memref<125x16xf32, #tpu.memory_space<vmem>>) dst(%dma_wait3A_350 : memref<10240x16xf32, #tpu.memory_space<vmem_shared>>)
      %dma_wait3A_351 = arith.constant 1 : i32
      %dma_wait3A_352 = arith.constant 0 : i32
      %dma_wait3A_353 = arith.constant 0 : i32
      %dma_wait3A_354 = tpu.memref_slice %arg8[%dma_wait3A_351, %dma_wait3A_352, %dma_wait3A_353] : memref<8x128x16xf32, #tpu.memory_space<vmem>> -> memref<1x125x16xf32, #tpu.memory_space<vmem>>
      %dma_wait3A_355 = tpu.memref_squeeze %dma_wait3A_354 : memref<1x125x16xf32, #tpu.memory_space<vmem>> -> memref<125x16xf32, #tpu.memory_space<vmem>>
      %dma_wait3A_356 = arith.constant 0 : i32
      %dma_wait3A_357 = tpu.memref_slice %arg7[%add3A_184, %dma_wait3A_356] : memref<40x125xi32, #tpu.memory_space<vmem>> -> memref<1x125xi32, #tpu.memory_space<vmem>>
      %dma_wait3A_358 = tpu.memref_squeeze %dma_wait3A_357 : memref<1x125xi32, #tpu.memory_space<vmem>> -> memref<125xi32, #tpu.memory_space<vmem>>
      %dma_wait3A_359 = arith.constant 0 : i32
      %dma_wait3A_360 = arith.constant 0 : i32
      %dma_wait3A_361 = tpu.memref_slice %arg25[%dma_wait3A_359, %dma_wait3A_360] : memref<10240x16xf32, #tpu.memory_space<vmem_shared>> -> memref<10240x16xf32, #tpu.memory_space<vmem_shared>>
      tpu.wait_indirect_dma semaphore(%arg18 : memref<!tpu.dma_semaphore, #tpu.memory_space<semaphore_mem>>) src(%dma_wait3A_355 : memref<125x16xf32, #tpu.memory_space<vmem>>) dst(%dma_wait3A_361 : memref<10240x16xf32, #tpu.memory_space<vmem_shared>>)
      %dma_wait3A_362 = arith.constant 2 : i32
      %dma_wait3A_363 = arith.constant 0 : i32
      %dma_wait3A_364 = arith.constant 0 : i32
      %dma_wait3A_365 = tpu.memref_slice %arg8[%dma_wait3A_362, %dma_wait3A_363, %dma_wait3A_364] : memref<8x128x16xf32, #tpu.memory_space<vmem>> -> memref<1x125x16xf32, #tpu.memory_space<vmem>>
      %dma_wait3A_366 = tpu.memref_squeeze %dma_wait3A_365 : memref<1x125x16xf32, #tpu.memory_space<vmem>> -> memref<125x16xf32, #tpu.memory_space<vmem>>
      %dma_wait3A_367 = arith.constant 0 : i32
      %dma_wait3A_368 = tpu.memref_slice %arg7[%add3A_208, %dma_wait3A_367] : memref<40x125xi32, #tpu.memory_space<vmem>> -> memref<1x125xi32, #tpu.memory_space<vmem>>
      %dma_wait3A_369 = tpu.memref_squeeze %dma_wait3A_368 : memref<1x125xi32, #tpu.memory_space<vmem>> -> memref<125xi32, #tpu.memory_space<vmem>>
      %dma_wait3A_370 = arith.constant 0 : i32
      %dma_wait3A_371 = arith.constant 0 : i32
      %dma_wait3A_372 = tpu.memref_slice %arg25[%dma_wait3A_370, %dma_wait3A_371] : memref<10240x16xf32, #tpu.memory_space<vmem_shared>> -> memref<10240x16xf32, #tpu.memory_space<vmem_shared>>
      tpu.wait_indirect_dma semaphore(%arg19 : memref<!tpu.dma_semaphore, #tpu.memory_space<semaphore_mem>>) src(%dma_wait3A_366 : memref<125x16xf32, #tpu.memory_space<vmem>>) dst(%dma_wait3A_372 : memref<10240x16xf32, #tpu.memory_space<vmem_shared>>)
      %dma_wait3A_373 = arith.constant 3 : i32
      %dma_wait3A_374 = arith.constant 0 : i32
      %dma_wait3A_375 = arith.constant 0 : i32
      %dma_wait3A_376 = tpu.memref_slice %arg8[%dma_wait3A_373, %dma_wait3A_374, %dma_wait3A_375] : memref<8x128x16xf32, #tpu.memory_space<vmem>> -> memref<1x125x16xf32, #tpu.memory_space<vmem>>
      %dma_wait3A_377 = tpu.memref_squeeze %dma_wait3A_376 : memref<1x125x16xf32, #tpu.memory_space<vmem>> -> memref<125x16xf32, #tpu.memory_space<vmem>>
      %dma_wait3A_378 = arith.constant 0 : i32
      %dma_wait3A_379 = tpu.memref_slice %arg7[%add3A_232, %dma_wait3A_378] : memref<40x125xi32, #tpu.memory_space<vmem>> -> memref<1x125xi32, #tpu.memory_space<vmem>>
      %dma_wait3A_380 = tpu.memref_squeeze %dma_wait3A_379 : memref<1x125xi32, #tpu.memory_space<vmem>> -> memref<125xi32, #tpu.memory_space<vmem>>
      %dma_wait3A_381 = arith.constant 0 : i32
      %dma_wait3A_382 = arith.constant 0 : i32
      %dma_wait3A_383 = tpu.memref_slice %arg25[%dma_wait3A_381, %dma_wait3A_382] : memref<10240x16xf32, #tpu.memory_space<vmem_shared>> -> memref<10240x16xf32, #tpu.memory_space<vmem_shared>>
      tpu.wait_indirect_dma semaphore(%arg20 : memref<!tpu.dma_semaphore, #tpu.memory_space<semaphore_mem>>) src(%dma_wait3A_377 : memref<125x16xf32, #tpu.memory_space<vmem>>) dst(%dma_wait3A_383 : memref<10240x16xf32, #tpu.memory_space<vmem_shared>>)
      %dma_wait3A_384 = arith.constant 4 : i32
      %dma_wait3A_385 = arith.constant 0 : i32
      %dma_wait3A_386 = arith.constant 0 : i32
      %dma_wait3A_387 = tpu.memref_slice %arg8[%dma_wait3A_384, %dma_wait3A_385, %dma_wait3A_386] : memref<8x128x16xf32, #tpu.memory_space<vmem>> -> memref<1x125x16xf32, #tpu.memory_space<vmem>>
      %dma_wait3A_388 = tpu.memref_squeeze %dma_wait3A_387 : memref<1x125x16xf32, #tpu.memory_space<vmem>> -> memref<125x16xf32, #tpu.memory_space<vmem>>
      %dma_wait3A_389 = arith.constant 0 : i32
      %dma_wait3A_390 = tpu.memref_slice %arg7[%add3A_256, %dma_wait3A_389] : memref<40x125xi32, #tpu.memory_space<vmem>> -> memref<1x125xi32, #tpu.memory_space<vmem>>
      %dma_wait3A_391 = tpu.memref_squeeze %dma_wait3A_390 : memref<1x125xi32, #tpu.memory_space<vmem>> -> memref<125xi32, #tpu.memory_space<vmem>>
      %dma_wait3A_392 = arith.constant 0 : i32
      %dma_wait3A_393 = arith.constant 0 : i32
      %dma_wait3A_394 = tpu.memref_slice %arg25[%dma_wait3A_392, %dma_wait3A_393] : memref<10240x16xf32, #tpu.memory_space<vmem_shared>> -> memref<10240x16xf32, #tpu.memory_space<vmem_shared>>
      tpu.wait_indirect_dma semaphore(%arg21 : memref<!tpu.dma_semaphore, #tpu.memory_space<semaphore_mem>>) src(%dma_wait3A_388 : memref<125x16xf32, #tpu.memory_space<vmem>>) dst(%dma_wait3A_394 : memref<10240x16xf32, #tpu.memory_space<vmem_shared>>)
      %dma_wait3A_395 = arith.constant 5 : i32
      %dma_wait3A_396 = arith.constant 0 : i32
      %dma_wait3A_397 = arith.constant 0 : i32
      %dma_wait3A_398 = tpu.memref_slice %arg8[%dma_wait3A_395, %dma_wait3A_396, %dma_wait3A_397] : memref<8x128x16xf32, #tpu.memory_space<vmem>> -> memref<1x125x16xf32, #tpu.memory_space<vmem>>
      %dma_wait3A_399 = tpu.memref_squeeze %dma_wait3A_398 : memref<1x125x16xf32, #tpu.memory_space<vmem>> -> memref<125x16xf32, #tpu.memory_space<vmem>>
      %dma_wait3A_400 = arith.constant 0 : i32
      %dma_wait3A_401 = tpu.memref_slice %arg7[%add3A_280, %dma_wait3A_400] : memref<40x125xi32, #tpu.memory_space<vmem>> -> memref<1x125xi32, #tpu.memory_space<vmem>>
      %dma_wait3A_402 = tpu.memref_squeeze %dma_wait3A_401 : memref<1x125xi32, #tpu.memory_space<vmem>> -> memref<125xi32, #tpu.memory_space<vmem>>
      %dma_wait3A_403 = arith.constant 0 : i32
      %dma_wait3A_404 = arith.constant 0 : i32
      %dma_wait3A_405 = tpu.memref_slice %arg25[%dma_wait3A_403, %dma_wait3A_404] : memref<10240x16xf32, #tpu.memory_space<vmem_shared>> -> memref<10240x16xf32, #tpu.memory_space<vmem_shared>>
      tpu.wait_indirect_dma semaphore(%arg22 : memref<!tpu.dma_semaphore, #tpu.memory_space<semaphore_mem>>) src(%dma_wait3A_399 : memref<125x16xf32, #tpu.memory_space<vmem>>) dst(%dma_wait3A_405 : memref<10240x16xf32, #tpu.memory_space<vmem_shared>>)
      %dma_wait3A_406 = arith.constant 6 : i32
      %dma_wait3A_407 = arith.constant 0 : i32
      %dma_wait3A_408 = arith.constant 0 : i32
      %dma_wait3A_409 = tpu.memref_slice %arg8[%dma_wait3A_406, %dma_wait3A_407, %dma_wait3A_408] : memref<8x128x16xf32, #tpu.memory_space<vmem>> -> memref<1x125x16xf32, #tpu.memory_space<vmem>>
      %dma_wait3A_410 = tpu.memref_squeeze %dma_wait3A_409 : memref<1x125x16xf32, #tpu.memory_space<vmem>> -> memref<125x16xf32, #tpu.memory_space<vmem>>
      %dma_wait3A_411 = arith.constant 0 : i32
      %dma_wait3A_412 = tpu.memref_slice %arg7[%add3A_304, %dma_wait3A_411] : memref<40x125xi32, #tpu.memory_space<vmem>> -> memref<1x125xi32, #tpu.memory_space<vmem>>
      %dma_wait3A_413 = tpu.memref_squeeze %dma_wait3A_412 : memref<1x125xi32, #tpu.memory_space<vmem>> -> memref<125xi32, #tpu.memory_space<vmem>>
      %dma_wait3A_414 = arith.constant 0 : i32
      %dma_wait3A_415 = arith.constant 0 : i32
      %dma_wait3A_416 = tpu.memref_slice %arg25[%dma_wait3A_414, %dma_wait3A_415] : memref<10240x16xf32, #tpu.memory_space<vmem_shared>> -> memref<10240x16xf32, #tpu.memory_space<vmem_shared>>
      tpu.wait_indirect_dma semaphore(%arg23 : memref<!tpu.dma_semaphore, #tpu.memory_space<semaphore_mem>>) src(%dma_wait3A_410 : memref<125x16xf32, #tpu.memory_space<vmem>>) dst(%dma_wait3A_416 : memref<10240x16xf32, #tpu.memory_space<vmem_shared>>)
      %dma_wait3A_417 = arith.constant 7 : i32
      %dma_wait3A_418 = arith.constant 0 : i32
      %dma_wait3A_419 = arith.constant 0 : i32
      %dma_wait3A_420 = tpu.memref_slice %arg8[%dma_wait3A_417, %dma_wait3A_418, %dma_wait3A_419] : memref<8x128x16xf32, #tpu.memory_space<vmem>> -> memref<1x125x16xf32, #tpu.memory_space<vmem>>
      %dma_wait3A_421 = tpu.memref_squeeze %dma_wait3A_420 : memref<1x125x16xf32, #tpu.memory_space<vmem>> -> memref<125x16xf32, #tpu.memory_space<vmem>>
      %dma_wait3A_422 = arith.constant 0 : i32
      %dma_wait3A_423 = tpu.memref_slice %arg7[%add3A_328, %dma_wait3A_422] : memref<40x125xi32, #tpu.memory_space<vmem>> -> memref<1x125xi32, #tpu.memory_space<vmem>>
      %dma_wait3A_424 = tpu.memref_squeeze %dma_wait3A_423 : memref<1x125xi32, #tpu.memory_space<vmem>> -> memref<125xi32, #tpu.memory_space<vmem>>
      %dma_wait3A_425 = arith.constant 0 : i32
      %dma_wait3A_426 = arith.constant 0 : i32
      %dma_wait3A_427 = tpu.memref_slice %arg25[%dma_wait3A_425, %dma_wait3A_426] : memref<10240x16xf32, #tpu.memory_space<vmem_shared>> -> memref<10240x16xf32, #tpu.memory_space<vmem_shared>>
      tpu.wait_indirect_dma semaphore(%arg24 : memref<!tpu.dma_semaphore, #tpu.memory_space<semaphore_mem>>) src(%dma_wait3A_421 : memref<125x16xf32, #tpu.memory_space<vmem>>) dst(%dma_wait3A_427 : memref<10240x16xf32, #tpu.memory_space<vmem_shared>>)
    }
    %scan3A_37 = arith.constant 5 : i32
    %barrier3A_38 = arith.constant 0 : index
    tpu.barrier barrier_id(%barrier3A_38)
    %mul3A_39 = arith.constant 640 : i32
    %mul3A_40 = arith.muli %arg1, %mul3A_39 : i32
    %mul3A_41 = arith.constant 640 : i32
    %mul3A_42 = arith.muli %arg1, %mul3A_41 : i32
    "tpu.region"() ({
      %run_scoped3A_43 = tpu.sem_alloc : memref<!tpu.dma_semaphore, #tpu.memory_space<semaphore_mem>>
      %dma_start3A = arith.constant 0 : i32
      %dma_start3A_44 = tpu.memref_slice %arg5[%arg0, %mul3A_42, %dma_start3A] : memref<2x10240x16xf32, #tpu.memory_space<hbm>> -> memref<1x640x16xf32, #tpu.memory_space<hbm>>
      %dma_start3A_45 = tpu.memref_squeeze %dma_start3A_44 : memref<1x640x16xf32, #tpu.memory_space<hbm>> -> memref<640x16xf32, #tpu.memory_space<hbm>>
      %dma_start3A_46 = arith.constant 0 : i32
      %dma_start3A_47 = tpu.memref_slice %arg25[%mul3A_40, %dma_start3A_46] : memref<10240x16xf32, #tpu.memory_space<vmem_shared>> -> memref<640x16xf32, #tpu.memory_space<vmem_shared>>
      tpu.enqueue_dma source(%dma_start3A_47 : memref<640x16xf32, #tpu.memory_space<vmem_shared>>) target(%dma_start3A_45 : memref<640x16xf32, #tpu.memory_space<hbm>>) target_semaphore(%run_scoped3A_43 : memref<!tpu.dma_semaphore, #tpu.memory_space<semaphore_mem>>)
      %dma_wait3A = arith.constant 0 : i32
      %dma_wait3A_48 = tpu.memref_slice %arg5[%arg0, %mul3A_42, %dma_wait3A] : memref<2x10240x16xf32, #tpu.memory_space<hbm>> -> memref<1x640x16xf32, #tpu.memory_space<hbm>>
      %dma_wait3A_49 = tpu.memref_squeeze %dma_wait3A_48 : memref<1x640x16xf32, #tpu.memory_space<hbm>> -> memref<640x16xf32, #tpu.memory_space<hbm>>
      %dma_wait3A_50 = arith.constant 0 : i32
      %dma_wait3A_51 = tpu.memref_slice %arg25[%mul3A_40, %dma_wait3A_50] : memref<10240x16xf32, #tpu.memory_space<vmem_shared>> -> memref<640x16xf32, #tpu.memory_space<vmem_shared>>
      tpu.wait_dma2 semaphore(%run_scoped3A_43 : memref<!tpu.dma_semaphore, #tpu.memory_space<semaphore_mem>>) src(%dma_wait3A_51 : memref<640x16xf32, #tpu.memory_space<vmem_shared>>) dst(%dma_wait3A_49 : memref<640x16xf32, #tpu.memory_space<hbm>>)
      tpu.yield
    }) : () -> ()
    return
  }
}

module attributes {stable_mosaic.version = 14 : i64} {
  func.func @_mm1_body(%arg0: i32, %arg1: memref<2000x256xf32, #tpu.memory_space<vmem>>, %arg2: memref<256x128xf32, #tpu.memory_space<vmem>>, %arg3: memref<2000x128xf32, #tpu.memory_space<vmem>>) attributes {dimension_semantics = [#tpu.dimension_semantics<arbitrary>], iteration_bounds = array<i64: 5>, scalar_prefetch = 0 : i64, scratch_operands = 0 : i64, tpu.core_type = #tpu.core_type<tc>, window_params = [{transform_indices = @transform_0, window_bounds = array<i64: 2000, 256>}, {pipeline_mode = #tpu.pipeline_mode<synchronous>, transform_indices = @transform_1, window_bounds = array<i64: 256, 128>}, {transform_indices = @transform_2, window_bounds = array<i64: 2000, 128>}]} {
    %get3A = arith.constant 0 : index
    %get3A_0 = arith.constant 0 : index
    %get3A_1 = vector.load %arg1[%get3A, %get3A_0] : memref<2000x256xf32, #tpu.memory_space<vmem>>, vector<2000x256xf32>
    %get3A_2 = arith.constant 0 : index
    %get3A_3 = arith.constant 0 : index
    %get3A_4 = vector.load %arg2[%get3A_2, %get3A_3] : memref<256x128xf32, #tpu.memory_space<vmem>>, vector<256x128xf32>
    %dot_general3A = arith.constant dense<0.000000e+00> : vector<2000x128xf32>
    %dot_general3A_5 = tpu.matmul %get3A_1, %get3A_4, %dot_general3A {dimension_numbers = #tpu.dot_dimension_numbers<[1], [0], [0], [1], [0, 0, 1, 1], [], []>, transpose_lhs_hint = false} : vector<2000x256xf32>, vector<256x128xf32>, vector<2000x128xf32> -> vector<2000x128xf32>
    %swap3A = arith.constant 0 : index
    %swap3A_6 = arith.constant 0 : index
    %swap3A_7 = vector.load %arg3[%swap3A, %swap3A_6] : memref<2000x128xf32, #tpu.memory_space<vmem>>, vector<2000x128xf32>
    tpu.vector_store %arg3[%swap3A, %swap3A_6], %dot_general3A_5 {strides = array<i32>} : memref<2000x128xf32, #tpu.memory_space<vmem>>, vector<2000x128xf32>,
    return
  }
  func.func @transform_0(%arg0: i32) -> (i32, i32) {
    %c0_i32 = arith.constant 0 : i32
    %c0_i32_0 = arith.constant 0 : i32
    return %arg0, %c0_i32 : i32, i32
  }
  func.func @transform_1(%arg0: i32) -> (i32, i32) {
    %c0_i32 = arith.constant 0 : i32
    %c0_i32_0 = arith.constant 0 : i32
    %c0_i32_1 = arith.constant 0 : i32
    return %c0_i32, %c0_i32_0 : i32, i32
  }
  func.func @transform_2(%arg0: i32) -> (i32, i32) {
    %c0_i32 = arith.constant 0 : i32
    %c0_i32_0 = arith.constant 0 : i32
    return %arg0, %c0_i32 : i32, i32
  }
}

module attributes {stable_mosaic.version = 14 : i64} {
  func.func @_scale1_body(%arg0: i32, %arg1: memref<2x2000x16xf32, #tpu.memory_space<vmem>>, %arg2: memref<2000x128xf32, #tpu.memory_space<vmem>>, %arg3: memref<2000x128xf32, #tpu.memory_space<vmem>>, %arg4: memref<2000x1xf32, #tpu.memory_space<vmem>>) attributes {dimension_semantics = [#tpu.dimension_semantics<arbitrary>], iteration_bounds = array<i64: 5>, scalar_prefetch = 0 : i64, scratch_operands = 0 : i64, tpu.core_type = #tpu.core_type<tc>, window_params = [{transform_indices = @transform_0, window_bounds = array<i64: 2, 2000, 16>}, {transform_indices = @transform_1, window_bounds = array<i64: 2000, 128>}, {transform_indices = @transform_2, window_bounds = array<i64: 2000, 128>}, {transform_indices = @transform_3, window_bounds = array<i64: 2000, 1>}]} {
    %get3A = arith.constant 0 : index
    %get3A_0 = arith.constant 0 : index
    %get3A_1 = arith.constant 0 : index
    %get3A_2 = vector.load %arg1[%get3A, %get3A_0, %get3A_1] : memref<2x2000x16xf32, #tpu.memory_space<vmem>>, vector<1x2000x1xf32>
    %get3A_3 = vector.shape_cast %get3A_2 : vector<1x2000x1xf32> to vector<2000x1xf32>
    %get3A_4 = arith.constant 1 : index
    %get3A_5 = arith.constant 0 : index
    %get3A_6 = arith.constant 0 : index
    %get3A_7 = vector.load %arg1[%get3A_4, %get3A_5, %get3A_6] : memref<2x2000x16xf32, #tpu.memory_space<vmem>>, vector<1x2000x1xf32>
    %get3A_8 = vector.shape_cast %get3A_7 : vector<1x2000x1xf32> to vector<2000x1xf32>
    %add3A = arith.addf %get3A_3, %get3A_8 : vector<2000x1xf32>
    %add3A_9 = arith.constant 1.000000e+00 : f32
    %add3A_10 = vector.broadcast %add3A_9 : f32 to vector<2000x1xf32>
    %add3A_11 = arith.addf %add3A, %add3A_10 : vector<2000x1xf32>
    %rsqrt3A = math.rsqrt %add3A_11 : vector<2000x1xf32>
    %get3A_12 = arith.constant 0 : index
    %get3A_13 = arith.constant 0 : index
    %get3A_14 = vector.load %arg2[%get3A_12, %get3A_13] : memref<2000x128xf32, #tpu.memory_space<vmem>>, vector<2000x128xf32>
    %mul3A = vector.broadcast %rsqrt3A : vector<2000x1xf32> to vector<2000x128xf32>
    %mul3A_15 = arith.mulf %get3A_14, %mul3A : vector<2000x128xf32>
    %swap3A = arith.constant 0 : index
    %swap3A_16 = arith.constant 0 : index
    %swap3A_17 = vector.load %arg3[%swap3A, %swap3A_16] : memref<2000x128xf32, #tpu.memory_space<vmem>>, vector<2000x128xf32>
    tpu.vector_store %arg3[%swap3A, %swap3A_16], %mul3A_15 {strides = array<i32>} : memref<2000x128xf32, #tpu.memory_space<vmem>>, vector<2000x128xf32>,
    %swap3A_18 = arith.constant 0 : index
    %swap3A_19 = arith.constant 0 : index
    %swap3A_20 = vector.load %arg4[%swap3A_18, %swap3A_19] : memref<2000x1xf32, #tpu.memory_space<vmem>>, vector<2000x1xf32>
    tpu.vector_store %arg4[%swap3A_18, %swap3A_19], %rsqrt3A {strides = array<i32>} : memref<2000x1xf32, #tpu.memory_space<vmem>>, vector<2000x1xf32>,
    return
  }
  func.func @transform_0(%arg0: i32) -> (i32, i32, i32) {
    %c0_i32 = arith.constant 0 : i32
    %c0_i32_0 = arith.constant 0 : i32
    %c0_i32_1 = arith.constant 0 : i32
    return %c0_i32, %arg0, %c0_i32_0 : i32, i32, i32
  }
  func.func @transform_1(%arg0: i32) -> (i32, i32) {
    %c0_i32 = arith.constant 0 : i32
    %c0_i32_0 = arith.constant 0 : i32
    return %arg0, %c0_i32 : i32, i32
  }
  func.func @transform_2(%arg0: i32) -> (i32, i32) {
    %c0_i32 = arith.constant 0 : i32
    %c0_i32_0 = arith.constant 0 : i32
    return %arg0, %c0_i32 : i32, i32
  }
  func.func @transform_3(%arg0: i32) -> (i32, i32) {
    %c0_i32 = arith.constant 0 : i32
    %c0_i32_0 = arith.constant 0 : i32
    return %arg0, %c0_i32 : i32, i32
  }
}

module attributes {stable_mosaic.version = 14 : i64} {
  func.func @_lin2_body(%arg0: i32, %arg1: memref<2x2000x128xf32, #tpu.memory_space<vmem>>, %arg2: memref<2000x128xf32, #tpu.memory_space<vmem>>, %arg3: memref<2000x1xf32, #tpu.memory_space<vmem>>, %arg4: memref<1x128xf32, #tpu.memory_space<vmem>>, %arg5: memref<128x16xf32, #tpu.memory_space<vmem>>, %arg6: memref<2000x16xf32, #tpu.memory_space<vmem>>) attributes {dimension_semantics = [#tpu.dimension_semantics<arbitrary>], iteration_bounds = array<i64: 5>, scalar_prefetch = 0 : i64, scratch_operands = 0 : i64, tpu.core_type = #tpu.core_type<tc>, window_params = [{transform_indices = @transform_0, window_bounds = array<i64: 2, 2000, 128>}, {transform_indices = @transform_1, window_bounds = array<i64: 2000, 128>}, {transform_indices = @transform_2, window_bounds = array<i64: 2000, 1>}, {pipeline_mode = #tpu.pipeline_mode<synchronous>, transform_indices = @transform_3, window_bounds = array<i64: 1, 128>}, {pipeline_mode = #tpu.pipeline_mode<synchronous>, transform_indices = @transform_4, window_bounds = array<i64: 128, 16>}, {transform_indices = @transform_5, window_bounds = array<i64: 2000, 16>}]} {
    %get3A = arith.constant 0 : index
    %get3A_0 = arith.constant 0 : index
    %get3A_1 = vector.load %arg3[%get3A, %get3A_0] : memref<2000x1xf32, #tpu.memory_space<vmem>>, vector<2000x1xf32>
    %get3A_2 = arith.constant 0 : index
    %get3A_3 = arith.constant 0 : index
    %get3A_4 = arith.constant 0 : index
    %get3A_5 = vector.load %arg1[%get3A_2, %get3A_3, %get3A_4] : memref<2x2000x128xf32, #tpu.memory_space<vmem>>, vector<1x2000x128xf32>
    %get3A_6 = vector.shape_cast %get3A_5 : vector<1x2000x128xf32> to vector<2000x128xf32>
    %get3A_7 = arith.constant 1 : index
    %get3A_8 = arith.constant 0 : index
    %get3A_9 = arith.constant 0 : index
    %get3A_10 = vector.load %arg1[%get3A_7, %get3A_8, %get3A_9] : memref<2x2000x128xf32, #tpu.memory_space<vmem>>, vector<1x2000x128xf32>
    %get3A_11 = vector.shape_cast %get3A_10 : vector<1x2000x128xf32> to vector<2000x128xf32>
    %add3A = arith.addf %get3A_6, %get3A_11 : vector<2000x128xf32>
    %get3A_12 = arith.constant 0 : index
    %get3A_13 = arith.constant 0 : index
    %get3A_14 = vector.load %arg2[%get3A_12, %get3A_13] : memref<2000x128xf32, #tpu.memory_space<vmem>>, vector<2000x128xf32>
    %add3A_15 = arith.addf %add3A, %get3A_14 : vector<2000x128xf32>
    %mul3A = vector.broadcast %get3A_1 : vector<2000x1xf32> to vector<2000x128xf32>
    %mul3A_16 = arith.mulf %mul3A, %add3A_15 : vector<2000x128xf32>
    %get3A_17 = arith.constant 0 : index
    %get3A_18 = arith.constant 0 : index
    %get3A_19 = vector.load %arg4[%get3A_17, %get3A_18] : memref<1x128xf32, #tpu.memory_space<vmem>>, vector<1x128xf32>
    %add3A_20 = vector.broadcast %get3A_19 : vector<1x128xf32> to vector<2000x128xf32>
    %add3A_21 = arith.addf %mul3A_16, %add3A_20 : vector<2000x128xf32>
    %max3A = arith.constant 0.000000e+00 : f32
    %max3A_22 = vector.broadcast %max3A : f32 to vector<2000x128xf32>
    %max3A_23 = arith.maximumf %add3A_21, %max3A_22 : vector<2000x128xf32>
    %get3A_24 = arith.constant 0 : index
    %get3A_25 = arith.constant 0 : index
    %get3A_26 = vector.load %arg3[%get3A_24, %get3A_25] : memref<2000x1xf32, #tpu.memory_space<vmem>>, vector<2000x1xf32>
    %get3A_27 = arith.constant 0 : index
    %get3A_28 = arith.constant 0 : index
    %get3A_29 = vector.load %arg5[%get3A_27, %get3A_28] : memref<128x16xf32, #tpu.memory_space<vmem>>, vector<128x16xf32>
    %dot_general3A = arith.constant dense<0.000000e+00> : vector<2000x16xf32>
    %dot_general3A_30 = tpu.matmul %max3A_23, %get3A_29, %dot_general3A {dimension_numbers = #tpu.dot_dimension_numbers<[1], [0], [0], [1], [0, 0, 1, 1], [], []>, transpose_lhs_hint = false} : vector<2000x128xf32>, vector<128x16xf32>, vector<2000x16xf32> -> vector<2000x16xf32>
    %mul3A_31 = vector.broadcast %get3A_26 : vector<2000x1xf32> to vector<2000x16xf32>
    %mul3A_32 = arith.mulf %mul3A_31, %dot_general3A_30 : vector<2000x16xf32>
    %swap3A = arith.constant 0 : index
    %swap3A_33 = arith.constant 0 : index
    %swap3A_34 = vector.load %arg6[%swap3A, %swap3A_33] : memref<2000x16xf32, #tpu.memory_space<vmem>>, vector<2000x16xf32>
    tpu.vector_store %arg6[%swap3A, %swap3A_33], %mul3A_32 {strides = array<i32>} : memref<2000x16xf32, #tpu.memory_space<vmem>>, vector<2000x16xf32>,
    return
  }
  func.func @transform_0(%arg0: i32) -> (i32, i32, i32) {
    %c0_i32 = arith.constant 0 : i32
    %c0_i32_0 = arith.constant 0 : i32
    %c0_i32_1 = arith.constant 0 : i32
    return %c0_i32, %arg0, %c0_i32_0 : i32, i32, i32
  }
  func.func @transform_1(%arg0: i32) -> (i32, i32) {
    %c0_i32 = arith.constant 0 : i32
    %c0_i32_0 = arith.constant 0 : i32
    return %arg0, %c0_i32 : i32, i32
  }
  func.func @transform_2(%arg0: i32) -> (i32, i32) {
    %c0_i32 = arith.constant 0 : i32
    %c0_i32_0 = arith.constant 0 : i32
    return %arg0, %c0_i32 : i32, i32
  }
  func.func @transform_3(%arg0: i32) -> (i32, i32) {
    %c0_i32 = arith.constant 0 : i32
    %c0_i32_0 = arith.constant 0 : i32
    %c0_i32_1 = arith.constant 0 : i32
    return %c0_i32, %c0_i32_0 : i32, i32
  }
  func.func @transform_4(%arg0: i32) -> (i32, i32) {
    %c0_i32 = arith.constant 0 : i32
    %c0_i32_0 = arith.constant 0 : i32
    %c0_i32_1 = arith.constant 0 : i32
    return %c0_i32, %c0_i32_0 : i32, i32
  }
  func.func @transform_5(%arg0: i32) -> (i32, i32) {
    %c0_i32 = arith.constant 0 : i32
    %c0_i32_0 = arith.constant 0 : i32
    return %arg0, %c0_i32 : i32, i32
  }
}

module attributes {stable_mosaic.version = 14 : i64} {
  func.func @_fin_body(%arg0: i32, %arg1: memref<2x5000x16xf32, #tpu.memory_space<vmem>>, %arg2: memref<5000x16xf32, #tpu.memory_space<vmem>>, %arg3: memref<5000x1xf32, #tpu.memory_space<vmem>>, %arg4: memref<1x3xf32, #tpu.memory_space<vmem>>, %arg5: memref<5000x3xf32, #tpu.memory_space<vmem>>) attributes {dimension_semantics = [#tpu.dimension_semantics<arbitrary>], iteration_bounds = array<i64: 2>, scalar_prefetch = 0 : i64, scratch_operands = 0 : i64, tpu.core_type = #tpu.core_type<tc>, window_params = [{transform_indices = @transform_0, window_bounds = array<i64: 2, 5000, 16>}, {transform_indices = @transform_1, window_bounds = array<i64: 5000, 16>}, {transform_indices = @transform_2, window_bounds = array<i64: 5000, 1>}, {pipeline_mode = #tpu.pipeline_mode<synchronous>, transform_indices = @transform_3, window_bounds = array<i64: 1, 3>}, {transform_indices = @transform_4, window_bounds = array<i64: 5000, 3>}]} {
    %get3A = arith.constant 0 : index
    %get3A_0 = arith.constant 0 : index
    %get3A_1 = vector.load %arg3[%get3A, %get3A_0] : memref<5000x1xf32, #tpu.memory_space<vmem>>, vector<5000x1xf32>
    %get3A_2 = arith.constant 0 : index
    %get3A_3 = arith.constant 0 : index
    %get3A_4 = arith.constant 0 : index
    %get3A_5 = vector.load %arg1[%get3A_2, %get3A_3, %get3A_4] : memref<2x5000x16xf32, #tpu.memory_space<vmem>>, vector<1x5000x16xf32>
    %get3A_6 = vector.shape_cast %get3A_5 : vector<1x5000x16xf32> to vector<5000x16xf32>
    %get3A_7 = arith.constant 1 : index
    %get3A_8 = arith.constant 0 : index
    %get3A_9 = arith.constant 0 : index
    %get3A_10 = vector.load %arg1[%get3A_7, %get3A_8, %get3A_9] : memref<2x5000x16xf32, #tpu.memory_space<vmem>>, vector<1x5000x16xf32>
    %get3A_11 = vector.shape_cast %get3A_10 : vector<1x5000x16xf32> to vector<5000x16xf32>
    %add3A = arith.addf %get3A_6, %get3A_11 : vector<5000x16xf32>
    %get3A_12 = arith.constant 0 : index
    %get3A_13 = arith.constant 0 : index
    %get3A_14 = vector.load %arg2[%get3A_12, %get3A_13] : memref<5000x16xf32, #tpu.memory_space<vmem>>, vector<5000x16xf32>
    %add3A_15 = arith.addf %add3A, %get3A_14 : vector<5000x16xf32>
    %mul3A = vector.broadcast %get3A_1 : vector<5000x1xf32> to vector<5000x16xf32>
    %mul3A_16 = arith.mulf %mul3A, %add3A_15 : vector<5000x16xf32>
    %slice3A = vector.extract_strided_slice %mul3A_16 {offsets = [0, 0], sizes = [5000, 3], strides = [1, 1]} : vector<5000x16xf32> to vector<5000x3xf32>
    %get3A_17 = arith.constant 0 : index
    %get3A_18 = arith.constant 0 : index
    %get3A_19 = vector.load %arg4[%get3A_17, %get3A_18] : memref<1x3xf32, #tpu.memory_space<vmem>>, vector<1x3xf32>
    %add3A_20 = vector.broadcast %get3A_19 : vector<1x3xf32> to vector<5000x3xf32>
    %add3A_21 = arith.addf %slice3A, %add3A_20 : vector<5000x3xf32>
    %swap3A = arith.constant 0 : index
    %swap3A_22 = arith.constant 0 : index
    %swap3A_23 = vector.load %arg5[%swap3A, %swap3A_22] : memref<5000x3xf32, #tpu.memory_space<vmem>>, vector<5000x3xf32>
    tpu.vector_store %arg5[%swap3A, %swap3A_22], %add3A_21 {strides = array<i32>} : memref<5000x3xf32, #tpu.memory_space<vmem>>, vector<5000x3xf32>,
    return
  }
  func.func @transform_0(%arg0: i32) -> (i32, i32, i32) {
    %c0_i32 = arith.constant 0 : i32
    %c0_i32_0 = arith.constant 0 : i32
    %c0_i32_1 = arith.constant 0 : i32
    return %c0_i32, %arg0, %c0_i32_0 : i32, i32, i32
  }
  func.func @transform_1(%arg0: i32) -> (i32, i32) {
    %c0_i32 = arith.constant 0 : i32
    %c0_i32_0 = arith.constant 0 : i32
    return %arg0, %c0_i32 : i32, i32
  }
  func.func @transform_2(%arg0: i32) -> (i32, i32) {
    %c0_i32 = arith.constant 0 : i32
    %c0_i32_0 = arith.constant 0 : i32
    return %arg0, %c0_i32 : i32, i32
  }
  func.func @transform_3(%arg0: i32) -> (i32, i32) {
    %c0_i32 = arith.constant 0 : i32
    %c0_i32_0 = arith.constant 0 : i32
    %c0_i32_1 = arith.constant 0 : i32
    return %c0_i32, %c0_i32_0 : i32, i32
  }
  func.func @transform_4(%arg0: i32) -> (i32, i32) {
    %c0_i32 = arith.constant 0 : i32
    %c0_i32_0 = arith.constant 0 : i32
    return %arg0, %c0_i32 : i32, i32
  }
}

</mosaic_0001>

<sc_bundles>
// kernel: kernel.12.cloned.1.call-start
scs
__scs_entry_jumppad:
0x0: {  	(pc) =	sbr.rel $0x88, $3  }
0x1: {  	(tag) =	ssettag $0x0;
	lr =	simm.s32 $0x1  }
0x2: {  	[smem:$0x3F9B] =	sst lr;
	_ =	strace $0xD0000000  }
0x3: {  	_ = 	snop  }
0x4: {  	_ = 	snop  }
0x5: {  	_ = 	snop  }
0x6: {  	_ = 	snop  }
0x7: {  	_ = 	snop  }
__scs_overlays_trampoline_lowered:
0x8: {  	[smem:$0x3FAA] =	sst s0  }
0x9: {  	[smem:$0x3FAB] =	sst s1  }
0xa: {  	[smem:$0x3FAC] =	sst s2  }
0xb: {  	[smem:$0x3FAD] =	sst s3  }
0xc: {  	[smem:$0x3FAE] =	sst s4  }
0xd: {  	[smem:$0x3FAF] =	sst s5  }
0xe: {  	[smem:$0x3FB0] =	sst s6  }
0xf: {  	[smem:$0x3FB1] =	sst s7  }
0x10: {  	[smem:$0x3FB2] =	sst s8  }
0x11: {  	[smem:$0x3FB3] =	sst s9;
	s0 =	simm.s32 @!p0 $0x0  }
0x12: {  	s1 =	sld [smem:$0x3F99];
	s0 =	simm.s32 @p0 $0x1  }
0x13: {  	[smem:$0x3FB4] =	sst s0;
	s0 =	simm.s32 @!p1 $0x0  }
0x14: {  	s2 =	sld [smem:$0x3F98];
	s0 =	simm.s32 @p1 $0x1  }
0x15: {  	[smem:$0x3FB5] =	sst s0;
	s0 =	simm.s32 @!p2 $0x0  }
0x16: {  	s3 =	sld [smem:$0x3FDB];
	s0 =	simm.s32 @p2 $0x1  }
0x17: {  	s4 =	simm.s32 $0x1BF5;
	[smem:$0x3FB7] =	sst s0  }
0x18: {  	s0 =	sld [smem:$0x3F9A];
	_ =	swait.ge [sflag:s4], $0x0  }
0x19: {  	s7 =	sld [smem:$0x3F9B]  }
0x1a: {  	s8 =	sadd.s32 $0xFFFFE003, lr  }
0x1b: {  	s9 =	sadd.s32 $0xFFFFFEF7, lr;
	s5 =	simm.s32 $0xFFFFFFFF;
	p2 =	slt.u32 s8, $0xFFFFF086  }
0x1c: {  	p1 =	slt.u32 s9, $0xF7A;
	s5 =	simm.s32 @!p2 $0x0  }
0x1d: {  	s5 =	simm.s32 @p1 $0x1;
	p0 =	seq.s32 s7, s2  }
0x1e: {  	s7 =	smul.u32 @!p0 $0xF7A, s2;
	p2 =	seq.s32 @!p0 s5, $0x0  }
0x1f: {  	s9 =	smul.u32 $0xF7A, s1;
	s8 =	simm.s32 @!p0 $0x1BF5;
	p2 =	por !p2, p0  }
0x20: {  	[sflag:s8] =	ssyncset.s32 @!p0 $0xFFFFF086;
	s6 =	sadd.s32 @!p0 s3, s7;
	s7 =	simm.s32 @!p0 $0x108  }
0x21: {  	s3 =	sadd.s32 s3, s9;
	s6 =	sadd.s32 @!p0 $0x88, s6;
	s7 =	simm.s32 @p2 $0x1082  }
0x22: {  	[simem:s7], [sflag:s8] =	dma.local @!p0 [hbm:s6], $0xF7A  }
0x23: {  	s9 =	sor.u32 $0xD0000000, s2;
	s6 =	simm.s32 $0x108;
	_ =	swait.ge @!p0 [sflag:s8], $0x0  }
0x24: {  	s3 =	sadd.s32 $0x88, s3;
	s6 =	simm.s32 @!p1 $0x1082;
	[sflag:s4] =	ssyncset.s32 $0xFFFFF086  }
0x25: {  	[simem:s6], [sflag:s4] =	dma.local [hbm:s3], $0xF7A  }
0x26: {  	[smem:$0x3F9B] =	sst s1;
	(tag) =	ssettag s2;
	_ =	strace s9  }
0x27: {  	s1 =	sld [smem:$0x3FAB]  }
0x28: {  	s2 =	sld [smem:$0x3FAC]  }
0x29: {  	s4 =	sld [smem:$0x3FAE]  }
0x2a: {  	p0 =	seq.s32 s5, $0x0;
	s5 =	sld [smem:$0x3FAF]  }
0x2b: {  	s6 =	sld [smem:$0x3FB0]  }
0x2c: {  	s7 =	sld [smem:$0x3FB1]  }
0x2d: {  	s3 =	simm.s32 $0x108;
	s8 =	sld [smem:$0x3FB2]  }
0x2e: {  	s3 =	simm.s32 @!p0 $0x1082;
	s9 =	sld [smem:$0x3FB3]  }
0x2f: {  	lr =	sadd.s32 s0, s3;
	s0 =	sld [smem:$0x3FAA]  }
0x30: {  	s3 =	sld [smem:$0x3FAD]  }
0x31: {  	[smem:$0x3FB6] =	sst s10  }
0x32: {  	s10 =	sld [smem:$0x3FB4];
	_ =	sdelay $0x3  }
0x33: {  	p0 =	seq.s32 s10, $0x1;
	s10 =	sld [smem:$0x3FB6];
	_ =	sdelay $0x3  }
0x34: {  	[smem:$0x3FB6] =	sst s10  }
0x35: {  	s10 =	sld [smem:$0x3FB5];
	_ =	sdelay $0x3  }
0x36: {  	p1 =	seq.s32 s10, $0x1;
	s10 =	sld [smem:$0x3FB6];
	_ =	sdelay $0x3  }
0x37: {  	[smem:$0x3FB6] =	sst s10  }
0x38: {  	s10 =	sld [smem:$0x3FB7]  }
0x39: {  	_ = 	snop;
	(pc) =	sbr.ind lr, $3  }
0x3a: {  	_ = 	snop  }
0x3b: {  	_ = 	snop  }
0x3c: {  	p2 =	seq.s32 s10, $0x1;
	s10 =	sld [smem:$0x3FB6]  }
0x3d: {  	_ =	shalt  }
0x3e: {  	_ =	shalt  }
0x3f: {  	_ =	shalt  }
0x40: {  	_ =	shalt  }
0x41: {  	_ =	shalt  }
0x42: {  	_ =	shalt  }
0x43: {  	_ =	shalt  }
0x44: {  	_ =	shalt  }
0x45: {  	_ =	shalt  }
0x46: {  	_ =	shalt  }
0x47: {  	_ =	shalt  }
0x48: {  	_ =	shalt  }
0x49: {  	_ =	shalt  }
0x4a: {  	_ =	shalt  }
0x4b: {  	_ =	shalt  }
0x4c: {  	_ =	shalt  }
0x4d: {  	_ =	shalt  }
0x4e: {  	_ =	shalt  }
0x4f: {  	_ =	shalt  }
0x50: {  	_ =	shalt  }
0x51: {  	_ =	shalt  }
0x52: {  	_ =	shalt  }
0x53: {  	_ =	shalt  }
0x54: {  	_ =	shalt  }
0x55: {  	_ =	shalt  }
0x56: {  	_ =	shalt  }
0x57: {  	_ =	shalt  }
0x58: {  	_ =	shalt  }
0x59: {  	_ =	shalt  }
0x5a: {  	_ =	shalt  }
0x5b: {  	_ =	shalt  }
0x5c: {  	_ =	shalt  }
0x5d: {  	_ =	shalt  }
0x5e: {  	_ =	shalt  }
0x5f: {  	_ =	shalt  }
0x60: {  	_ =	shalt  }
0x61: {  	_ =	shalt  }
0x62: {  	_ =	shalt  }
0x63: {  	_ =	shalt  }
0x64: {  	_ =	shalt  }
0x65: {  	_ =	shalt  }
0x66: {  	_ =	shalt  }
0x67: {  	_ =	shalt  }
0x68: {  	_ =	shalt  }
0x69: {  	_ =	shalt  }
0x6a: {  	_ =	shalt  }
0x6b: {  	_ =	shalt  }
0x6c: {  	_ =	shalt  }
0x6d: {  	_ =	shalt  }
0x6e: {  	_ =	shalt  }
0x6f: {  	_ =	shalt  }
0x70: {  	_ =	shalt  }
0x71: {  	_ =	shalt  }
0x72: {  	_ =	shalt  }
0x73: {  	_ =	shalt  }
0x74: {  	_ =	shalt  }
0x75: {  	_ =	shalt  }
0x76: {  	_ =	shalt  }
0x77: {  	_ =	shalt  }
0x78: {  	_ =	shalt  }
0x79: {  	_ =	shalt  }
0x7a: {  	_ =	shalt  }
0x7b: {  	_ =	shalt  }
0x7c: {  	_ =	shalt  }
0x7d: {  	_ =	shalt  }
0x7e: {  	_ =	shalt  }
0x7f: {  	_ =	shalt  }
0x80: {  	_ =	shalt  }
0x81: {  	_ =	shalt  }
0x82: {  	_ =	shalt  }
0x83: {  	_ =	shalt  }
0x84: {  	_ =	shalt  }
0x85: {  	_ =	shalt  }
0x86: {  	_ =	shalt  }
0x87: {  	_ =	shalt  }
.Lfunc_end0:
.L_simem_size_0:
called_computation.1_lowered:
.L_overlay_start_0:
0x88: {  	s2 =	sld [smem:$0x3FD9]  }
0x89: {  	s3 =	sld [smem:$0x3FFE];
	_ =	sdelay $0x1  }
0x8a: {  	s1 =	srdreg.scid  }
0x8b: {  	s0 =	sand.u32 $0x1, s1  }
0x8c: {  	s16 =	sshll.u32 s0, $0xA;
	s2 =	sadd.s32 s3, s2  }
0x8d: {  	s2 =	sadd.s32 s2, s16  }
0x8e: {  	[smem:$0x3FC2] =	sst s2  }
0x8f: {  	_ = 	snop  }
0x90: {  	(tm) =	ssettm $0x1  }
0x91: {  	s17 =	sld [smem:$0x3FFB];
	_ =	sdelay $0x3  }
0x92: {  	_ =	strace s17  }
0x93: {  	s2 =	sld [smem:$0x3FFC];
	_ =	sdelay $0x3  }
0x94: {  	_ =	strace s2  }
0x95: {  	s2 =	sld [smem:$0x3FFD];
	_ =	sdelay $0x3  }
0x96: {  	_ =	strace s2  }
0x97: {  	_ =	strace $0x8FFFFFFF  }
0x98: {  	s18 =	sld [smem:$0x3FDB];
	_ =	sdelay $0x1  }
0x99: {  	s19 =	simm.s32 $_scs_section_size  }
0x9a: {  	s4 =	simm.s32 $_size__tile_overlayer_lowered;
	s5 =	simm.s32 $_tile_overlayer_lowered  }
0x9b: {  	s22 =	simm.s32 $0x1BFF;
	s21 =	sshll.u32 s5, $0x1;
	s2 =	sadd.s32 s19, s18  }
0x9c: {  	s6 =	simm.s32 $0x0;
	s20 =	sshll.u32 s4, $0x1;
	s4 =	sadd.s32 s21, s2  }
0x9d: {  	[timem:s6], [sflag:s22] =	dma.local [hbm:s4], s20  }
0x9e: {  	_ =	swait.ge [sflag:s22], s20  }
0x9f: {  	s3 =	ssub.s32 $0x0, s20;
	[sflag:s22] =	ssyncset.done $0x0  }
0xa0: {  	[sflag:s22] =	ssyncadd.s32 s3;
	_ =	sdelay $0x1  }
0xa1: {  	s23 =	simm.s32 $0x1B8B  }
0xa2: {  	_ =	swait.ge [sflag:s23], $0x1  }
0xa3: {  	[sflag:s23] =	ssyncset.done $0x0  }
0xa4: {  	s25 =	simm.s32 $0x1B8E;
	s24 =	sld [smem:$0x3FFE];
	[sflag:s23] =	ssyncadd.s32 $0xFFFFFFFF  }
0xa5: {  	s26 =	simm.s32 $execute0_lowered;
	[smem:$0x3FD2] =	sst s25  }
0xa6: {  	s4 =	sshll.u32 s26, $0x1;
	_ =	strace $0x80000049;
	[dreg:$0x1] =	wrdreg $0xFFFFFFFF  }
0xa7: {  	s28 =	simm.s32 $_size_execute0_lowered;
	s2 =	sadd.s32 s2, s4;
	[dreg:$0x0] =	wrdreg $0x0  }
0xa8: {  	s4 =	sshll.u32 s28, $0x1;
	[dreg:$0x2] =	wrdreg s2  }
0xa9: {  	[dreg:$0x3] =	wrdreg s4  }
0xaa: {  	[dreg:$0x4] =	wrdreg $0xC0  }
0xab: {  	_ =	task [dreg:s6], $0x5FFFF  }
0xac: {  	[dreg:$0x1] =	wrdreg $0xFFFFFFFF  }
0xad: {  	[dreg:$0x0] =	wrdreg $0x60  }
0xae: {  	[dreg:$0x2] =	wrdreg s24  }
0xaf: {  	[dreg:$0x3] =	wrdreg $0xA8000  }
0xb0: {  	[dreg:$0x4] =	wrdreg $0x9  }
0xb1: {  	_ =	task.clear_ibuf [dreg:s6], $0x5FFFF;
	_ =	strace $0x90000049  }
0xb2: {  	s29 =	simm.s32 $0x9;
	_ =	strace $0x8000004B  }
0xb3: {  	_ =	swait.ge [sflag:s29], $0x1  }
0xb4: {  	[sflag:s29] =	ssyncadd.s32 $0xFFFFFFFF  }
0xb5: {  	_ =	strace $0x9000004B  }
0xb6: {  	_ =	sfence  }
0xb7: {  	s30 =	sld [smem:$0x0];
	_ =	sdelay $0x2  }
0xb8: {  	s31 =	sshll.u32 s1, $0xD;
	s1 =	sshrl.u32 s1, $0x2  }
0xb9: {  	s3 =	sand.u32 $0x4000, s31;
	s1 =	sadd.s32 s1, s30  }
0xba: {  	s0 =	sor.u32 s3, s0;
	s1 =	sshll.u32 s1, $0x11  }
0xbb: {  	s0 =	sor.u32 s1, s0  }
0xbc: {  	s0 =	sadd.s32 $0x8F2B, s0  }
0xbd: {  	[sflag:s0] =	ssyncadd.remote.s32 $0x1  }
0xbe: {  	_ =	sfence.sel $0xFFFF  }
0xbf: {  	[dreg:$0x0] =	wrdreg $0xFFFFFFFF;
	(pc) =	sbr.abs _section_cstart, $3  }
0xc0: {  	[dreg:$0x1] =	wrdreg $0xFFFFFFFF  }
0xc1: {  	_ =	task.clear_ibuf [dreg:s6], $0x2FFFF;
	_ =	strace $0x9FFFFFFF  }
0xc2: {  	(tm) =	ssettm $0x7FFFFFFF  }
0xc3: {  	_ =	shalt  }
tec
execute0_lowered:
.L_overlay_start_1:
0x0: {  	(tag) =	ssettag $0x1  }
0x1: {  	s6 =	rddreg [dreg:$0x0]  }
0x2: {  	s0 =	srdreg.scid;
	s2 =	rddreg [dreg:$0x1]  }
0x3: {  	s3 =	simm.s32 $0x0;
	s14 =	simm.s32 $0x2800;
	s15 =	simm.s32 $0x5  }
0x4: {  	s16 =	simm.s32 $0x1400;
	s17 =	simm.s32 $0x7D;
	s18 =	simm.s32 $0x1  }
0x5: {  	s19 =	simm.s32 $0x6800;
	s20 =	simm.s32 $0x2;
	s21 =	simm.s32 $0x3  }
0x6: {  	s22 =	simm.s32 $0x4;
	s23 =	simm.s32 $0x1380;
	s24 =	simm.s32 $0x2700  }
0x7: {  	s25 =	simm.s32 $0x2780;
	s5 =	sand.u32 $0x1, s0;
	s0 =	stileid.u32  }
0x8: {  	[smem:$0x7FF] =	sst s3;
	s4 =	sadd.s32 $0x1A800, s6;
	s8 =	smul.u32 $0x140000, s5  }
0x9: {  	s1 =	sshll.u32 s5, $0x4;
	s9 =	smul.u32 $0x14000, s0;
	s29 =	ssub.s32 $0x2, s5  }
0xa: {  	s10 =	smul.u32 $0x50000, s0;
	s1 =	sor.u32 s0, s1;
	s31 =	sshrl.u32 s29, $0x1  }
0xb: {  	s7 =	smul.u32 $0x280, s1;
	s1 =	rddreg [dreg:$0x2];
	_ =	strace $0x8000004A  }
0xc: {  	s28 =	sadd.s32 s9, s8;
	s30 =	sshrl.u32 s10, $0x2;
	s13 =	ssub.s32 s29, s31  }
0xd: {  	s5 =	sadd.s32 s30, s2;
	s13 =	smax.u32 s13, $0x1;
	s11 =	sadd.s32 s7, s6  }
0xe: {  	s7 =	sshrl.u32 s28, $0x3;
	s8 =	sadd.s32 $0xC000, s5;
	s9 =	sadd.s32 $0x10000, s5  }
0xf: {  	s12 =	sadd.s32 s7, s6;
	s6 =	sadd.s32 $0x4000, s5;
	s7 =	sadd.s32 $0x8000, s5  }
0x10: {  	v0 =	vimm.f32 $0.0e+00;
	s10 =	sadd.s32 $0x15800, s11;
	s11 =	sadd.s32 $0x1800, s11;
	s12 =	sadd.s32 $0x41A00, s12  }
.LBB2_1:
0x11: {  	s26 =	simm.s32 $0x0;
	s28 =	simm.s32 $0x200  }
.LBB2_2:
0x12: {  	p0 =	sne.s32 s28, $0xFE00;
	[tilespmem:s26+$0x2870] =	vst v0  }
0x13: {  	[tilespmem:s26+$0x2800] =	vst v0  }
0x14: {  	[tilespmem:s26+$0x2810] =	vst v0  }
.Ltmp0:
0x15: {  	[tilespmem:s26+$0x2820] =	vst v0;
	(pc) =	sbr.rel @p0 .LBB2_2-.Ltmp0, $4  }
0x16: {  	[tilespmem:s26+$0x2830] =	vst v0  }
0x17: {  	[tilespmem:s26+$0x2840] =	vst v0  }
0x18: {  	[tilespmem:s26+$0x2850] =	vst v0  }
0x19: {  	[tilespmem:s26+$0x2860] =	vst v0;
	s26 =	sshra.s32 s28, $0x2;
	s28 =	sadd.s32 $0x200, s28  }
0x1a: {  	[tilespmem:s26+$0x2870] =	vst v0  }
0x1b: {  	[tilespmem:s26+$0x2800] =	vst v0  }
0x1c: {  	[tilespmem:s26+$0x2810] =	vst v0  }
0x1d: {  	[tilespmem:s26+$0x2820] =	vst v0  }
0x1e: {  	[tilespmem:s26+$0x2830] =	vst v0  }
0x1f: {  	[tilespmem:s26+$0x2840] =	vst v0  }
0x20: {  	[tilespmem:s26+$0x2850] =	vst v0  }
0x21: {  	[tilespmem:s26+$0x2860] =	vst v0  }
0x22: {  	[spmem:s5] =	stream.linear.scatter [tilespmem:s14], [sflag:$0x5], $0x4000, $0x38;
	[tilespmem:$0x1E800] =	vst v63  }
0x23: {  	_ =	swait.ge [sflag:s15], $0x4000  }
0x24: {  	[sflag:s15] =	ssyncset.done $0x0  }
0x25: {  	[sflag:s15] =	ssyncadd.s32 $0xFFFFC000  }
0x26: {  	[spmem:s6] =	stream.linear.scatter [tilespmem:s14], [sflag:$0x5], $0x4000, $0x38;
	[tilespmem:$0x1E800] =	vst v63  }
0x27: {  	_ =	swait.ge [sflag:s15], $0x4000  }
0x28: {  	[sflag:s15] =	ssyncset.done $0x0  }
0x29: {  	[sflag:s15] =	ssyncadd.s32 $0xFFFFC000  }
0x2a: {  	[spmem:s7] =	stream.linear.scatter [tilespmem:s14], [sflag:$0x5], $0x4000, $0x38;
	[tilespmem:$0x1E800] =	vst v63  }
0x2b: {  	_ =	swait.ge [sflag:s15], $0x4000  }
0x2c: {  	[sflag:s15] =	ssyncset.done $0x0  }
0x2d: {  	[sflag:s15] =	ssyncadd.s32 $0xFFFFC000  }
0x2e: {  	[spmem:s8] =	stream.linear.scatter [tilespmem:s14], [sflag:$0x5], $0x4000, $0x38;
	[tilespmem:$0x1E800] =	vst v63  }
0x2f: {  	_ =	swait.ge [sflag:s15], $0x4000  }
0x30: {  	[sflag:s15] =	ssyncset.done $0x0  }
0x31: {  	[sflag:s15] =	ssyncadd.s32 $0xFFFFC000  }
0x32: {  	[spmem:s9] =	stream.linear.scatter [tilespmem:s14], [sflag:$0x5], $0x4000, $0x38;
	[tilespmem:$0x1E800] =	vst v63  }
0x33: {  	_ =	swait.ge [sflag:s15], $0x4000  }
0x34: {  	[sflag:s15] =	ssyncset.done $0x0  }
0x35: {  	[sflag:s15] =	ssyncadd.s32 $0xFFFFC000  }
0x36: {  	s30 =	simm.s32 $0x0;
	[bflag:$0x0] =	sbarrier.arrive $0xFFFF  }
0x37: {  	[tilespmem:s30], [sflag:$0x5] =	stream.linear.gather [hbm4b:s10+s30], $0x1400, $0x38;
	[tilespmem:$0x1E800] =	vst v63  }
0x38: {  	_ =	swait.ge [sflag:s15], $0x1400  }
0x39: {  	[sflag:s15] =	ssyncset.done $0x0  }
0x3a: {  	[sflag:s15] =	ssyncadd.s32 $0xFFFFEC00  }
0x3b: {  	[tilespmem:s16], [sflag:$0x5] =	stream.linear.gather [hbm4b:s11+s30], $0x1400, $0x38;
	[tilespmem:$0x1E800] =	vst v63  }
0x3c: {  	_ =	swait.ge [sflag:s15], $0x1400  }
0x3d: {  	[sflag:s15] =	ssyncset.done $0x0  }
0x3e: {  	[sflag:s15] =	ssyncadd.s32 $0xFFFFEC00  }
0x3f: {  	[tilespmem:s14], [sflag:$0x1] =	stream.indirect.gather [hbm4b:s4+s17], $0x80, s30, s17, $0xb8;
	[tilespmem:$0x1E800] =	vst v63  }
0x40: {  	_ =	swait.ge [sflag:s18], $0x3E80  }
0x41: {  	[sflag:s18] =	ssyncset.done $0x0  }
0x42: {  	s31 =	simm.s32 $0x80;
	[sflag:s18] =	ssyncadd.s32 $0xFFFFC180  }
0x43: {  	[tilespmem:s19], [sflag:$0x2] =	stream.indirect.gather [hbm4b:s4+s17], $0x80, s31, s17, $0xb8;
	[tilespmem:$0x1E800] =	vst v63  }
0x44: {  	s29 =	simm.s32 $0x1400  }
0x45: {  	[spmem:s2] =	stream.indirect.scatter.add.f32 [tilespmem:s14], [sflag:$0x3], $0x80, s29, s17, $0xb8;
	[tilespmem:$0x1E800] =	vst v63  }
0x46: {  	_ =	swait.ge [sflag:s20], $0x3E80  }
0x47: {  	[sflag:s20] =	ssyncset.done $0x0  }
0x48: {  	[sflag:s20] =	ssyncadd.s32 $0xFFFFC180  }
0x49: {  	_ =	swait.ge [sflag:s21], $0x3E80  }
0x4a: {  	[sflag:s21] =	ssyncset.done $0x0  }
0x4b: {  	s30 =	simm.s32 $0x100;
	[sflag:s21] =	ssyncadd.s32 $0xFFFFC180  }
0x4c: {  	[tilespmem:s14], [sflag:$0x1] =	stream.indirect.gather [hbm4b:s4+s17], $0x80, s30, s17, $0xb8;
	[tilespmem:$0x1E800] =	vst v63  }
0x4d: {  	s31 =	simm.s32 $0x1480  }
0x4e: {  	[spmem:s2] =	stream.indirect.scatter.add.f32 [tilespmem:s19], [sflag:$0x4], $0x80, s31, s17, $0xb8;
	[tilespmem:$0x1E800] =	vst v63  }
0x4f: {  	_ =	swait.ge [sflag:s18], $0x3E80  }
0x50: {  	[sflag:s18] =	ssyncset.done $0x0  }
0x51: {  	[sflag:s18] =	ssyncadd.s32 $0xFFFFC180  }
0x52: {  	_ =	swait.ge [sflag:s22], $0x3E80  }
0x53: {  	s28 =	simm.s32 $0x800;
	s26 =	simm.s32 $0x100;
	[sflag:s22] =	ssyncset.done $0x0  }
.LBB2_4:
0x54: {  	s29 =	sadd.s32 $0x80, s26  }
0x55: {  	[sflag:s22] =	ssyncadd.s32 $0xFFFFC180;
	s30 =	smov.u32 s28;
	s31 =	sadd.s32 $0x400, s28  }
0x56: {  	[tilespmem:s19], [sflag:$0x2] =	stream.indirect.gather [hbm4b:s4+s17], $0x80, s29, s17, $0xb8;
	[tilespmem:$0x1E800] =	vst v63  }
0x57: {  	p0 =	sne.s32 s28, $0x4800;
	s28 =	sadd.s32 $0x1400, s26  }
0x58: {  	[spmem:s2] =	stream.indirect.scatter.add.f32 [tilespmem:s14], [sflag:$0x3], $0x80, s28, s17, $0xb8;
	[tilespmem:$0x1E800] =	vst v63  }
0x59: {  	_ =	swait.ge [sflag:s20], $0x3E80  }
0x5a: {  	[sflag:s20] =	ssyncset.done $0x0  }
0x5b: {  	[sflag:s20] =	ssyncadd.s32 $0xFFFFC180  }
0x5c: {  	_ =	swait.ge [sflag:s21], $0x3E80  }
0x5d: {  	[sflag:s21] =	ssyncset.done $0x0  }
0x5e: {  	s28 =	sadd.s32 $0x100, s26;
	[sflag:s21] =	ssyncadd.s32 $0xFFFFC180  }
0x5f: {  	[tilespmem:s14], [sflag:$0x1] =	stream.indirect.gather [hbm4b:s4+s17], $0x80, s28, s17, $0xb8;
	[tilespmem:$0x1E800] =	vst v63  }
0x60: {  	s26 =	sadd.s32 $0x1480, s26  }
0x61: {  	[spmem:s2] =	stream.indirect.scatter.add.f32 [tilespmem:s19], [sflag:$0x4], $0x80, s26, s17, $0xb8;
	[tilespmem:$0x1E800] =	vst v63  }
.Ltmp1:
0x62: {  	_ =	swait.ge [sflag:s18], $0x3E80;
	(pc) =	sbr.rel @p0 .LBB2_4-.Ltmp1, $4  }
0x63: {  	[sflag:s18] =	ssyncset.done $0x0  }
0x64: {  	[sflag:s18] =	ssyncadd.s32 $0xFFFFC180  }
0x65: {  	_ =	swait.ge [sflag:s22], $0x3E80  }
0x66: {  	s28 =	smov.u32 s31;
	s26 =	sshra.s32 s30, $0x2;
	[sflag:s22] =	ssyncset.done $0x0  }
0x67: {  	s28 =	sadd.s32 $0x80, s26;
	[sflag:s22] =	ssyncadd.s32 $0xFFFFC180  }
0x68: {  	[tilespmem:s19], [sflag:$0x2] =	stream.indirect.gather [hbm4b:s4+s17], $0x80, s28, s17, $0xb8;
	[tilespmem:$0x1E800] =	vst v63  }
0x69: {  	s30 =	sadd.s32 $0x1400, s26  }
0x6a: {  	[spmem:s2] =	stream.indirect.scatter.add.f32 [tilespmem:s14], [sflag:$0x3], $0x80, s30, s17, $0xb8;
	[tilespmem:$0x1E800] =	vst v63  }
0x6b: {  	_ =	swait.ge [sflag:s20], $0x3E80  }
0x6c: {  	[sflag:s20] =	ssyncset.done $0x0  }
0x6d: {  	[sflag:s20] =	ssyncadd.s32 $0xFFFFC180  }
0x6e: {  	_ =	swait.ge [sflag:s21], $0x3E80  }
0x6f: {  	[sflag:s21] =	ssyncset.done $0x0  }
0x70: {  	s31 =	sadd.s32 $0x100, s26;
	[sflag:s21] =	ssyncadd.s32 $0xFFFFC180  }
0x71: {  	[tilespmem:s14], [sflag:$0x1] =	stream.indirect.gather [hbm4b:s4+s17], $0x80, s31, s17, $0xb8;
	[tilespmem:$0x1E800] =	vst v63  }
0x72: {  	s29 =	sadd.s32 $0x1480, s26  }
0x73: {  	[spmem:s2] =	stream.indirect.scatter.add.f32 [tilespmem:s19], [sflag:$0x4], $0x80, s29, s17, $0xb8;
	[tilespmem:$0x1E800] =	vst v63  }
0x74: {  	_ =	swait.ge [sflag:s18], $0x3E80  }
0x75: {  	[sflag:s18] =	ssyncset.done $0x0  }
0x76: {  	[sflag:s18] =	ssyncadd.s32 $0xFFFFC180  }
0x77: {  	_ =	swait.ge [sflag:s22], $0x3E80  }
0x78: {  	[sflag:s22] =	ssyncset.done $0x0  }
0x79: {  	[sflag:s22] =	ssyncadd.s32 $0xFFFFC180  }
0x7a: {  	[tilespmem:s19], [sflag:$0x2] =	stream.indirect.gather [hbm4b:s4+s17], $0x80, s23, s17, $0xb8;
	[tilespmem:$0x1E800] =	vst v63  }
0x7b: {  	_ = 	snop  }
0x7c: {  	[spmem:s2] =	stream.indirect.scatter.add.f32 [tilespmem:s14], [sflag:$0x3], $0x80, s24, s17, $0xb8;
	[tilespmem:$0x1E800] =	vst v63  }
0x7d: {  	_ =	swait.ge [sflag:s20], $0x3E80  }
0x7e: {  	[sflag:s20] =	ssyncset.done $0x0  }
0x7f: {  	[sflag:s20] =	ssyncadd.s32 $0xFFFFC180  }
0x80: {  	_ =	swait.ge [sflag:s21], $0x3E80  }
0x81: {  	[sflag:s21] =	ssyncset.done $0x0  }
0x82: {  	[sflag:s21] =	ssyncadd.s32 $0xFFFFC180  }
0x83: {  	[spmem:s2] =	stream.indirect.scatter.add.f32 [tilespmem:s19], [sflag:$0x4], $0x80, s25, s17, $0xb8;
	[tilespmem:$0x1E800] =	vst v63  }
0x84: {  	_ =	swait.ge [sflag:s22], $0x3E80  }
0x85: {  	s3 =	sadd.s32 $0x1, s3;
	s30 =	sshll.u32 s0, $0x6;
	[sflag:s22] =	ssyncset.done $0x0  }
0x86: {  	p0 =	sne.s32 s3, s13;
	s26 =	sor.u32 $0x1C05, s30;
	[sflag:s22] =	ssyncadd.s32 $0xFFFFC180  }
.Ltmp2:
0x87: {  	s31 =	sshrl.u32 s5, $0x3;
	[bflag:$0x0] =	sbarrier.arrive $0xFFFF;
	(pc) =	sbr.rel @p0 .LBB2_1-.Ltmp2, $4  }
0x88: {  	[hbm:s12], [sflag:s26] =	dma.local [spmem:s31], $0x2800  }
0x89: {  	_ =	swait.ge [sflag:s15], $0x2800  }
0x8a: {  	[sflag:s15] =	ssyncset.done $0x0  }
0x8b: {  	[sflag:s15] =	ssyncadd.s32 $0xFFFFD800  }
0x8c: {  	_ =	sfence.sel $0x180000  }
0x8d: {  	[bflag:$0x0] =	sbarrier.arrive $0xFFFF  }
0x8e: {  	p0 =	sne.s32 s0, $0x0;
	_ =	strace $0x9000004A  }
0x8f: {  	s0 =	sadd.s32 @!p0 $0x100000, s1;
	[bflag:$0x2] =	sbarrier.arrive $0xFFFF  }
0x90: {  	[sflag:s0] =	ssyncadd.tile.s32 @!p0 $0x1;
	_ =	shalt  }
.Lfunc_end2:
_tile_overlayer_lowered:
.L_overlay_start_2:
0x91: {  	(tag) =	ssettag $0x2  }
0x92: {  	s0 =	rddreg [dreg:$0x0];
	s2 =	stileid.u32  }
0x93: {  	s1 =	rddreg [dreg:$0x1];
	p0 =	sne.s32 s2, $0x0  }
0x94: {  	s3 =	rddreg [dreg:$0x2];
	[bflag:$0x3] =	sbarrier.arrive $0xFFFF;
	s2 =	simm.s32 @!p0 $0x1C05  }
0x95: {  	[timem:s3], [sflag:s2] =	dma.local @!p0 [hbm:s0], s1  }
0x96: {  	s0 =	simm.s32 @!p0 $0x5  }
0x97: {  	_ =	swait.ge @!p0 [sflag:s0], s1  }
0x98: {  	s1 =	ssub.s32 @!p0 $0x0, s1;
	[sflag:s0] =	ssyncset.done @!p0 $0x0  }
0x99: {  	[sflag:s0] =	ssyncadd.s32 @!p0 s1  }
0x9a: {  	[bflag:$0x3] =	sbarrier.arrive $0xFFFF  }
0x9b: {  	_ =	shalt  }

// kernel: kernel.15.cloned.1.call-start
scs
__scs_entry_jumppad:
0x0: {  	(pc) =	sbr.rel $0x88, $3  }
0x1: {  	(tag) =	ssettag $0x0;
	lr =	simm.s32 $0x1  }
0x2: {  	[smem:$0x3F9B] =	sst lr;
	_ =	strace $0xD0000000  }
0x3: {  	_ = 	snop  }
0x4: {  	_ = 	snop  }
0x5: {  	_ = 	snop  }
0x6: {  	_ = 	snop  }
0x7: {  	_ = 	snop  }
__scs_overlays_trampoline_lowered:
0x8: {  	[smem:$0x3FAA] =	sst s0  }
0x9: {  	[smem:$0x3FAB] =	sst s1  }
0xa: {  	[smem:$0x3FAC] =	sst s2  }
0xb: {  	[smem:$0x3FAD] =	sst s3  }
0xc: {  	[smem:$0x3FAE] =	sst s4  }
0xd: {  	[smem:$0x3FAF] =	sst s5  }
0xe: {  	[smem:$0x3FB0] =	sst s6  }
0xf: {  	[smem:$0x3FB1] =	sst s7  }
0x10: {  	[smem:$0x3FB2] =	sst s8  }
0x11: {  	[smem:$0x3FB3] =	sst s9;
	s0 =	simm.s32 @!p0 $0x0  }
0x12: {  	s1 =	sld [smem:$0x3F99];
	s0 =	simm.s32 @p0 $0x1  }
0x13: {  	[smem:$0x3FB4] =	sst s0;
	s0 =	simm.s32 @!p1 $0x0  }
0x14: {  	s2 =	sld [smem:$0x3F98];
	s0 =	simm.s32 @p1 $0x1  }
0x15: {  	[smem:$0x3FB5] =	sst s0;
	s0 =	simm.s32 @!p2 $0x0  }
0x16: {  	s3 =	sld [smem:$0x3FDB];
	s0 =	simm.s32 @p2 $0x1  }
0x17: {  	s4 =	simm.s32 $0x1BF5;
	[smem:$0x3FB7] =	sst s0  }
0x18: {  	s0 =	sld [smem:$0x3F9A];
	_ =	swait.ge [sflag:s4], $0x0  }
0x19: {  	s7 =	sld [smem:$0x3F9B]  }
0x1a: {  	s8 =	sadd.s32 $0xFFFFE003, lr  }
0x1b: {  	s9 =	sadd.s32 $0xFFFFFEF7, lr;
	s5 =	simm.s32 $0xFFFFFFFF;
	p2 =	slt.u32 s8, $0xFFFFF086  }
0x1c: {  	p1 =	slt.u32 s9, $0xF7A;
	s5 =	simm.s32 @!p2 $0x0  }
0x1d: {  	s5 =	simm.s32 @p1 $0x1;
	p0 =	seq.s32 s7, s2  }
0x1e: {  	s7 =	smul.u32 @!p0 $0xF7A, s2;
	p2 =	seq.s32 @!p0 s5, $0x0  }
0x1f: {  	s9 =	smul.u32 $0xF7A, s1;
	s8 =	simm.s32 @!p0 $0x1BF5;
	p2 =	por !p2, p0  }
0x20: {  	[sflag:s8] =	ssyncset.s32 @!p0 $0xFFFFF086;
	s6 =	sadd.s32 @!p0 s3, s7;
	s7 =	simm.s32 @!p0 $0x108  }
0x21: {  	s3 =	sadd.s32 s3, s9;
	s6 =	sadd.s32 @!p0 $0x88, s6;
	s7 =	simm.s32 @p2 $0x1082  }
0x22: {  	[simem:s7], [sflag:s8] =	dma.local @!p0 [hbm:s6], $0xF7A  }
0x23: {  	s9 =	sor.u32 $0xD0000000, s2;
	s6 =	simm.s32 $0x108;
	_ =	swait.ge @!p0 [sflag:s8], $0x0  }
0x24: {  	s3 =	sadd.s32 $0x88, s3;
	s6 =	simm.s32 @!p1 $0x1082;
	[sflag:s4] =	ssyncset.s32 $0xFFFFF086  }
0x25: {  	[simem:s6], [sflag:s4] =	dma.local [hbm:s3], $0xF7A  }
0x26: {  	[smem:$0x3F9B] =	sst s1;
	(tag) =	ssettag s2;
	_ =	strace s9  }
0x27: {  	s1 =	sld [smem:$0x3FAB]  }
0x28: {  	s2 =	sld [smem:$0x3FAC]  }
0x29: {  	s4 =	sld [smem:$0x3FAE]  }
0x2a: {  	p0 =	seq.s32 s5, $0x0;
	s5 =	sld [smem:$0x3FAF]  }
0x2b: {  	s6 =	sld [smem:$0x3FB0]  }
0x2c: {  	s7 =	sld [smem:$0x3FB1]  }
0x2d: {  	s3 =	simm.s32 $0x108;
	s8 =	sld [smem:$0x3FB2]  }
0x2e: {  	s3 =	simm.s32 @!p0 $0x1082;
	s9 =	sld [smem:$0x3FB3]  }
0x2f: {  	lr =	sadd.s32 s0, s3;
	s0 =	sld [smem:$0x3FAA]  }
0x30: {  	s3 =	sld [smem:$0x3FAD]  }
0x31: {  	[smem:$0x3FB6] =	sst s10  }
0x32: {  	s10 =	sld [smem:$0x3FB4];
	_ =	sdelay $0x3  }
0x33: {  	p0 =	seq.s32 s10, $0x1;
	s10 =	sld [smem:$0x3FB6];
	_ =	sdelay $0x3  }
0x34: {  	[smem:$0x3FB6] =	sst s10  }
0x35: {  	s10 =	sld [smem:$0x3FB5];
	_ =	sdelay $0x3  }
0x36: {  	p1 =	seq.s32 s10, $0x1;
	s10 =	sld [smem:$0x3FB6];
	_ =	sdelay $0x3  }
0x37: {  	[smem:$0x3FB6] =	sst s10  }
0x38: {  	s10 =	sld [smem:$0x3FB7]  }
0x39: {  	_ = 	snop;
	(pc) =	sbr.ind lr, $3  }
0x3a: {  	_ = 	snop  }
0x3b: {  	_ = 	snop  }
0x3c: {  	p2 =	seq.s32 s10, $0x1;
	s10 =	sld [smem:$0x3FB6]  }
0x3d: {  	_ =	shalt  }
0x3e: {  	_ =	shalt  }
0x3f: {  	_ =	shalt  }
0x40: {  	_ =	shalt  }
0x41: {  	_ =	shalt  }
0x42: {  	_ =	shalt  }
0x43: {  	_ =	shalt  }
0x44: {  	_ =	shalt  }
0x45: {  	_ =	shalt  }
0x46: {  	_ =	shalt  }
0x47: {  	_ =	shalt  }
0x48: {  	_ =	shalt  }
0x49: {  	_ =	shalt  }
0x4a: {  	_ =	shalt  }
0x4b: {  	_ =	shalt  }
0x4c: {  	_ =	shalt  }
0x4d: {  	_ =	shalt  }
0x4e: {  	_ =	shalt  }
0x4f: {  	_ =	shalt  }
0x50: {  	_ =	shalt  }
0x51: {  	_ =	shalt  }
0x52: {  	_ =	shalt  }
0x53: {  	_ =	shalt  }
0x54: {  	_ =	shalt  }
0x55: {  	_ =	shalt  }
0x56: {  	_ =	shalt  }
0x57: {  	_ =	shalt  }
0x58: {  	_ =	shalt  }
0x59: {  	_ =	shalt  }
0x5a: {  	_ =	shalt  }
0x5b: {  	_ =	shalt  }
0x5c: {  	_ =	shalt  }
0x5d: {  	_ =	shalt  }
0x5e: {  	_ =	shalt  }
0x5f: {  	_ =	shalt  }
0x60: {  	_ =	shalt  }
0x61: {  	_ =	shalt  }
0x62: {  	_ =	shalt  }
0x63: {  	_ =	shalt  }
0x64: {  	_ =	shalt  }
0x65: {  	_ =	shalt  }
0x66: {  	_ =	shalt  }
0x67: {  	_ =	shalt  }
0x68: {  	_ =	shalt  }
0x69: {  	_ =	shalt  }
0x6a: {  	_ =	shalt  }
0x6b: {  	_ =	shalt  }
0x6c: {  	_ =	shalt  }
0x6d: {  	_ =	shalt  }
0x6e: {  	_ =	shalt  }
0x6f: {  	_ =	shalt  }
0x70: {  	_ =	shalt  }
0x71: {  	_ =	shalt  }
0x72: {  	_ =	shalt  }
0x73: {  	_ =	shalt  }
0x74: {  	_ =	shalt  }
0x75: {  	_ =	shalt  }
0x76: {  	_ =	shalt  }
0x77: {  	_ =	shalt  }
0x78: {  	_ =	shalt  }
0x79: {  	_ =	shalt  }
0x7a: {  	_ =	shalt  }
0x7b: {  	_ =	shalt  }
0x7c: {  	_ =	shalt  }
0x7d: {  	_ =	shalt  }
0x7e: {  	_ =	shalt  }
0x7f: {  	_ =	shalt  }
0x80: {  	_ =	shalt  }
0x81: {  	_ =	shalt  }
0x82: {  	_ =	shalt  }
0x83: {  	_ =	shalt  }
0x84: {  	_ =	shalt  }
0x85: {  	_ =	shalt  }
0x86: {  	_ =	shalt  }
0x87: {  	_ =	shalt  }
.Lfunc_end0:
.L_simem_size_0:
called_computation.2_lowered:
.L_overlay_start_0:
0x88: {  	s2 =	sld [smem:$0x3FD9]  }
0x89: {  	s3 =	sld [smem:$0x3FFE];
	_ =	sdelay $0x1  }
0x8a: {  	s1 =	srdreg.scid  }
0x8b: {  	s0 =	sand.u32 $0x1, s1  }
0x8c: {  	s16 =	sshll.u32 s0, $0xA;
	s2 =	sadd.s32 s3, s2  }
0x8d: {  	s2 =	sadd.s32 s2, s16  }
0x8e: {  	[smem:$0x3FC2] =	sst s2  }
0x8f: {  	_ = 	snop  }
0x90: {  	(tm) =	ssettm $0x1  }
0x91: {  	s17 =	sld [smem:$0x3FFB];
	_ =	sdelay $0x3  }
0x92: {  	_ =	strace s17  }
0x93: {  	s2 =	sld [smem:$0x3FFC];
	_ =	sdelay $0x3  }
0x94: {  	_ =	strace s2  }
0x95: {  	s2 =	sld [smem:$0x3FFD];
	_ =	sdelay $0x3  }
0x96: {  	_ =	strace s2  }
0x97: {  	_ =	strace $0x8FFFFFFF  }
0x98: {  	s18 =	sld [smem:$0x3FDB];
	_ =	sdelay $0x1  }
0x99: {  	s19 =	simm.s32 $_scs_section_size  }
0x9a: {  	s4 =	simm.s32 $_size__tile_overlayer_lowered;
	s5 =	simm.s32 $_tile_overlayer_lowered  }
0x9b: {  	s22 =	simm.s32 $0x1BFF;
	s21 =	sshll.u32 s5, $0x1;
	s2 =	sadd.s32 s19, s18  }
0x9c: {  	s6 =	simm.s32 $0x0;
	s20 =	sshll.u32 s4, $0x1;
	s4 =	sadd.s32 s21, s2  }
0x9d: {  	[timem:s6], [sflag:s22] =	dma.local [hbm:s4], s20  }
0x9e: {  	_ =	swait.ge [sflag:s22], s20  }
0x9f: {  	s3 =	ssub.s32 $0x0, s20;
	[sflag:s22] =	ssyncset.done $0x0  }
0xa0: {  	[sflag:s22] =	ssyncadd.s32 s3;
	_ =	sdelay $0x1  }
0xa1: {  	s23 =	simm.s32 $0x1B8B  }
0xa2: {  	_ =	swait.ge [sflag:s23], $0x1  }
0xa3: {  	[sflag:s23] =	ssyncset.done $0x0  }
0xa4: {  	s25 =	simm.s32 $0x1B8E;
	s24 =	sld [smem:$0x3FFE];
	[sflag:s23] =	ssyncadd.s32 $0xFFFFFFFF  }
0xa5: {  	s26 =	simm.s32 $execute0_lowered;
	[smem:$0x3FD2] =	sst s25  }
0xa6: {  	s4 =	sshll.u32 s26, $0x1;
	_ =	strace $0x8000004C;
	[dreg:$0x1] =	wrdreg $0xFFFFFFFF  }
0xa7: {  	s28 =	simm.s32 $_size_execute0_lowered;
	s2 =	sadd.s32 s2, s4;
	[dreg:$0x0] =	wrdreg $0x0  }
0xa8: {  	s4 =	sshll.u32 s28, $0x1;
	[dreg:$0x2] =	wrdreg s2  }
0xa9: {  	[dreg:$0x3] =	wrdreg s4  }
0xaa: {  	[dreg:$0x4] =	wrdreg $0xC0  }
0xab: {  	_ =	task [dreg:s6], $0x5FFFF  }
0xac: {  	[dreg:$0x1] =	wrdreg $0xFFFFFFFF  }
0xad: {  	[dreg:$0x0] =	wrdreg $0x60  }
0xae: {  	[dreg:$0x2] =	wrdreg s24  }
0xaf: {  	[dreg:$0x3] =	wrdreg $0x68000  }
0xb0: {  	[dreg:$0x4] =	wrdreg $0x9  }
0xb1: {  	_ =	task.clear_ibuf [dreg:s6], $0x5FFFF;
	_ =	strace $0x9000004C  }
0xb2: {  	s29 =	simm.s32 $0x9;
	_ =	strace $0x8000004E  }
0xb3: {  	_ =	swait.ge [sflag:s29], $0x1  }
0xb4: {  	[sflag:s29] =	ssyncadd.s32 $0xFFFFFFFF  }
0xb5: {  	_ =	strace $0x9000004E  }
0xb6: {  	_ =	sfence  }
0xb7: {  	s30 =	sld [smem:$0x0];
	_ =	sdelay $0x2  }
0xb8: {  	s31 =	sshll.u32 s1, $0xD;
	s1 =	sshrl.u32 s1, $0x2  }
0xb9: {  	s3 =	sand.u32 $0x4000, s31;
	s1 =	sadd.s32 s1, s30  }
0xba: {  	s0 =	sor.u32 s3, s0;
	s1 =	sshll.u32 s1, $0x11  }
0xbb: {  	s0 =	sor.u32 s1, s0  }
0xbc: {  	s0 =	sadd.s32 $0x8F2B, s0  }
0xbd: {  	[sflag:s0] =	ssyncadd.remote.s32 $0x1  }
0xbe: {  	_ =	sfence.sel $0xFFFF  }
0xbf: {  	[dreg:$0x0] =	wrdreg $0xFFFFFFFF;
	(pc) =	sbr.abs _section_cstart, $3  }
0xc0: {  	[dreg:$0x1] =	wrdreg $0xFFFFFFFF  }
0xc1: {  	_ =	task.clear_ibuf [dreg:s6], $0x2FFFF;
	_ =	strace $0x9FFFFFFF  }
0xc2: {  	(tm) =	ssettm $0x7FFFFFFF  }
0xc3: {  	_ =	shalt  }
tec
execute0_lowered:
.L_overlay_start_1:
0x0: {  	(tag) =	ssettag $0x1  }
0x1: {  	s0 =	srdreg.scid;
	s3 =	rddreg [dreg:$0x0]  }
0x2: {  	s7 =	stileid.u32;
	s2 =	rddreg [dreg:$0x1]  }
0x3: {  	s13 =	simm.s32 $0x0;
	s14 =	simm.s32 $0x2800;
	s17 =	simm.s32 $0x7D  }
0x4: {  	s18 =	simm.s32 $0x3000;
	s19 =	simm.s32 $0x3800;
	s28 =	simm.s32 $0x3  }
0x5: {  	s29 =	simm.s32 $0x4;
	s30 =	simm.s32 $0x5;
	s31 =	simm.s32 $0x6  }
0x6: {  	s16 =	simm.s32 $0x8;
	s9 =	simm.s32 $0xD;
	s10 =	simm.s32 $0xE  }
0x7: {  	s11 =	simm.s32 $0xF;
	s12 =	simm.s32 $0x10;
	s0 =	sand.u32 $0x1, s0  }
0x8: {  	s5 =	smul.u32 $0x2800, s7;
	[smem:$0x7FF] =	sst s13;
	s4 =	sadd.s32 $0x1800, s3  }
0x9: {  	s1 =	sshll.u32 s0, $0x4;
	s6 =	smul.u32 $0x28000, s0;
	_ =	strace $0x8000004D  }
0xa: {  	s0 =	ssub.s32 $0x2, s0;
	s1 =	sor.u32 s7, s1;
	s7 =	smul.u32 $0xA000, s7  }
0xb: {  	s8 =	sshrl.u32 s0, $0x1;
	s15 =	sadd.s32 s5, s2;
	s1 =	smul.u32 $0x280, s1  }
0xc: {  	s6 =	sadd.s32 s5, s6;
	s0 =	ssub.s32 s0, s8;
	s7 =	sshrl.u32 s7, $0x2  }
0xd: {  	[dreg:$0x4] =	wrdreg s15;
	s0 =	smax.u32 s0, $0x1;
	s20 =	sadd.s32 s7, s2  }
0xe: {  	s8 =	simm.s32 $0xC;
	[dreg:$0xc] =	wrdreg s0;
	s21 =	sadd.s32 $0x800, s20  }
0xf: {  	s6 =	sshrl.u32 s6, $0x3;
	s22 =	sadd.s32 $0x1000, s20;
	[dreg:$0x5] =	wrdreg s21  }
0x10: {  	s1 =	sadd.s32 s1, s3;
	s23 =	sadd.s32 $0x1800, s20;
	[dreg:$0x6] =	wrdreg s22  }
0x11: {  	s3 =	sadd.s32 s6, s3;
	s24 =	sadd.s32 $0x2000, s20;
	[dreg:$0x7] =	wrdreg s23  }
0x12: {  	s0 =	simm.s32 $0x9;
	s25 =	sadd.s32 $0xB800, s1;
	[dreg:$0x8] =	wrdreg s24  }
0x13: {  	s6 =	simm.s32 $0xA;
	s1 =	sadd.s32 $0x6800, s1;
	[dreg:$0x9] =	wrdreg s25  }
0x14: {  	s7 =	simm.s32 $0xB;
	s26 =	sadd.s32 $0x10800, s3;
	[dreg:$0xa] =	wrdreg s1  }
0x15: {  	s20 =	simm.s32 $0x4000;
	[dreg:$0xb] =	wrdreg s26;
	s21 =	simm.s32 $0x4800  }
0x16: {  	s22 =	simm.s32 $0x5000;
	s23 =	simm.s32 $0x5800;
	s24 =	simm.s32 $0x6000  }
0x17: {  	v0 =	vimm.f32 $0.0e+00;
	s25 =	simm.s32 $0x1;
	s26 =	simm.s32 $0x2;
	s1 =	simm.s32 $0x7  }
.LBB2_1:
0x18: {  	[dreg:$0x3] =	wrdreg s13;
	s3 =	simm.s32 $0x40;
	s5 =	simm.s32 $0x0  }
.LBB2_2:
0x19: {  	p0 =	sne.s32 s3, $0x1FC0;
	[tilespmem:s5+$0x2800] =	vst v0;
	s5 =	smov.u32 s3;
	s3 =	sadd.s32 $0x40, s3  }
.Ltmp0:
0x1a: {  	(pc) =	sbr.rel @p0 .LBB2_2-.Ltmp0, $2  }
0x1b: {  	_ =	sdelay $0x2  }
0x1c: {  	s5 =	sshra.s32 s5, $0x2  }
0x1d: {  	[tilespmem:s5+$0x2800] =	vst v0;
	s13 =	simm.s32 $0x11  }
0x1e: {  	[spmem:s15] =	stream.linear.scatter [tilespmem:s14], [sflag:$0x11], $0x800, $0x38;
	[tilespmem:$0x9000] =	vst v63  }
0x1f: {  	_ =	swait.ge [sflag:s13], $0x800  }
0x20: {  	[sflag:s13] =	ssyncset.done $0x0  }
0x21: {  	s3 =	rddreg [dreg:$0x5];
	[sflag:s13] =	ssyncadd.s32 $0xFFFFF800  }
0x22: {  	[spmem:s3] =	stream.linear.scatter [tilespmem:s14], [sflag:$0x11], $0x800, $0x38;
	[tilespmem:$0x9000] =	vst v63  }
0x23: {  	_ =	swait.ge [sflag:s13], $0x800  }
0x24: {  	[sflag:s13] =	ssyncset.done $0x0  }
0x25: {  	s5 =	rddreg [dreg:$0x6];
	[sflag:s13] =	ssyncadd.s32 $0xFFFFF800  }
0x26: {  	[spmem:s5] =	stream.linear.scatter [tilespmem:s14], [sflag:$0x11], $0x800, $0x38;
	[tilespmem:$0x9000] =	vst v63  }
0x27: {  	_ =	swait.ge [sflag:s13], $0x800  }
0x28: {  	[sflag:s13] =	ssyncset.done $0x0  }
0x29: {  	s15 =	rddreg [dreg:$0x7];
	[sflag:s13] =	ssyncadd.s32 $0xFFFFF800  }
0x2a: {  	[spmem:s15] =	stream.linear.scatter [tilespmem:s14], [sflag:$0x11], $0x800, $0x38;
	[tilespmem:$0x9000] =	vst v63  }
0x2b: {  	_ =	swait.ge [sflag:s13], $0x800  }
0x2c: {  	[sflag:s13] =	ssyncset.done $0x0  }
0x2d: {  	s5 =	rddreg [dreg:$0x8];
	[sflag:s13] =	ssyncadd.s32 $0xFFFFF800  }
0x2e: {  	[spmem:s5] =	stream.linear.scatter [tilespmem:s14], [sflag:$0x11], $0x800, $0x38;
	[tilespmem:$0x9000] =	vst v63  }
0x2f: {  	_ =	swait.ge [sflag:s13], $0x800  }
0x30: {  	[sflag:s13] =	ssyncset.done $0x0  }
0x31: {  	[sflag:s13] =	ssyncadd.s32 $0xFFFFF800  }
0x32: {  	[bflag:$0x0] =	sbarrier.arrive $0xFFFF  }
0x33: {  	s3 =	simm.s32 $0x0;
	s15 =	rddreg [dreg:$0x9]  }
0x34: {  	[tilespmem:s3], [sflag:$0x11] =	stream.linear.gather [hbm4b:s15+s3], $0x1400, $0x38;
	[tilespmem:$0x9000] =	vst v63  }
0x35: {  	_ =	swait.ge [sflag:s13], $0x1400  }
0x36: {  	[sflag:s13] =	ssyncset.done $0x0  }
0x37: {  	s15 =	simm.s32 $0x1400;
	s5 =	rddreg [dreg:$0xa];
	[sflag:s13] =	ssyncadd.s32 $0xFFFFEC00  }
0x38: {  	[tilespmem:s15], [sflag:$0x11] =	stream.linear.gather [hbm4b:s5+s3], $0x1400, $0x38;
	[tilespmem:$0x9000] =	vst v63  }
0x39: {  	_ =	swait.ge [sflag:s13], $0x1400  }
0x3a: {  	[sflag:s13] =	ssyncset.done $0x0  }
0x3b: {  	s15 =	simm.s32 $0x0;
	[sflag:s13] =	ssyncadd.s32 $0xFFFFEC00  }
0x3c: {  	[tilespmem:s14], [sflag:$0x1] =	stream.indirect.gather [hbm4b:s4+s17], $0x10, s15, s17, $0xb8;
	[tilespmem:$0x9000] =	vst v63  }
0x3d: {  	s5 =	simm.s32 $0x80  }
0x3e: {  	[tilespmem:s18], [sflag:$0x2] =	stream.indirect.gather [hbm4b:s4+s17], $0x10, s5, s17, $0xb8;
	[tilespmem:$0x9000] =	vst v63  }
0x3f: {  	s13 =	simm.s32 $0x100  }
0x40: {  	[tilespmem:s19], [sflag:$0x3] =	stream.indirect.gather [hbm4b:s4+s17], $0x10, s13, s17, $0xb8;
	[tilespmem:$0x9000] =	vst v63  }
0x41: {  	s15 =	simm.s32 $0x180  }
0x42: {  	[tilespmem:s20], [sflag:$0x4] =	stream.indirect.gather [hbm4b:s4+s17], $0x10, s15, s17, $0xb8;
	[tilespmem:$0x9000] =	vst v63  }
0x43: {  	s5 =	simm.s32 $0x200  }
0x44: {  	[tilespmem:s21], [sflag:$0x5] =	stream.indirect.gather [hbm4b:s4+s17], $0x10, s5, s17, $0xb8;
	[tilespmem:$0x9000] =	vst v63  }
0x45: {  	s13 =	simm.s32 $0x280  }
0x46: {  	[tilespmem:s22], [sflag:$0x6] =	stream.indirect.gather [hbm4b:s4+s17], $0x10, s13, s17, $0xb8;
	[tilespmem:$0x9000] =	vst v63  }
0x47: {  	s15 =	simm.s32 $0x300  }
0x48: {  	[tilespmem:s23], [sflag:$0x7] =	stream.indirect.gather [hbm4b:s4+s17], $0x10, s15, s17, $0xb8;
	[tilespmem:$0x9000] =	vst v63  }
0x49: {  	s5 =	simm.s32 $0x380  }
0x4a: {  	[tilespmem:s24], [sflag:$0x8] =	stream.indirect.gather [hbm4b:s4+s17], $0x10, s5, s17, $0xb8;
	[tilespmem:$0x9000] =	vst v63  }
0x4b: {  	_ =	swait.ge [sflag:s25], $0x7D0  }
0x4c: {  	[sflag:s25] =	ssyncset.done $0x0  }
0x4d: {  	s13 =	simm.s32 $0x1400;
	[sflag:s25] =	ssyncadd.s32 $0xFFFFF830  }
0x4e: {  	[spmem:s2] =	stream.indirect.scatter.add.f32 [tilespmem:s14], [sflag:$0x9], $0x10, s13, s17, $0xb8;
	[tilespmem:$0x9000] =	vst v63  }
0x4f: {  	_ =	swait.ge [sflag:s26], $0x7D0  }
0x50: {  	[sflag:s26] =	ssyncset.done $0x0  }
0x51: {  	s15 =	simm.s32 $0x1480;
	[sflag:s26] =	ssyncadd.s32 $0xFFFFF830  }
0x52: {  	[spmem:s2] =	stream.indirect.scatter.add.f32 [tilespmem:s18], [sflag:$0xA], $0x10, s15, s17, $0xb8;
	[tilespmem:$0x9000] =	vst v63  }
0x53: {  	_ =	swait.ge [sflag:s28], $0x7D0  }
0x54: {  	[sflag:s28] =	ssyncset.done $0x0  }
0x55: {  	s5 =	simm.s32 $0x1500;
	[sflag:s28] =	ssyncadd.s32 $0xFFFFF830  }
0x56: {  	[spmem:s2] =	stream.indirect.scatter.add.f32 [tilespmem:s19], [sflag:$0xB], $0x10, s5, s17, $0xb8;
	[tilespmem:$0x9000] =	vst v63  }
0x57: {  	_ =	swait.ge [sflag:s29], $0x7D0  }
0x58: {  	[sflag:s29] =	ssyncset.done $0x0  }
0x59: {  	s13 =	simm.s32 $0x1580;
	[sflag:s29] =	ssyncadd.s32 $0xFFFFF830  }
0x5a: {  	[spmem:s2] =	stream.indirect.scatter.add.f32 [tilespmem:s20], [sflag:$0xC], $0x10, s13, s17, $0xb8;
	[tilespmem:$0x9000] =	vst v63  }
0x5b: {  	_ =	swait.ge [sflag:s30], $0x7D0  }
0x5c: {  	[sflag:s30] =	ssyncset.done $0x0  }
0x5d: {  	s15 =	simm.s32 $0x1600;
	[sflag:s30] =	ssyncadd.s32 $0xFFFFF830  }
0x5e: {  	[spmem:s2] =	stream.indirect.scatter.add.f32 [tilespmem:s21], [sflag:$0xD], $0x10, s15, s17, $0xb8;
	[tilespmem:$0x9000] =	vst v63  }
0x5f: {  	_ =	swait.ge [sflag:s31], $0x7D0  }
0x60: {  	[sflag:s31] =	ssyncset.done $0x0  }
0x61: {  	s5 =	simm.s32 $0x1680;
	[sflag:s31] =	ssyncadd.s32 $0xFFFFF830  }
0x62: {  	[spmem:s2] =	stream.indirect.scatter.add.f32 [tilespmem:s22], [sflag:$0xE], $0x10, s5, s17, $0xb8;
	[tilespmem:$0x9000] =	vst v63  }
0x63: {  	_ =	swait.ge [sflag:s1], $0x7D0  }
0x64: {  	[sflag:s1] =	ssyncset.done $0x0  }
0x65: {  	s13 =	simm.s32 $0x1700;
	[sflag:s1] =	ssyncadd.s32 $0xFFFFF830  }
0x66: {  	[spmem:s2] =	stream.indirect.scatter.add.f32 [tilespmem:s23], [sflag:$0xF], $0x10, s13, s17, $0xb8;
	[tilespmem:$0x9000] =	vst v63  }
0x67: {  	_ =	swait.ge [sflag:s16], $0x7D0  }
0x68: {  	[sflag:s16] =	ssyncset.done $0x0  }
0x69: {  	s15 =	simm.s32 $0x1780;
	[sflag:s16] =	ssyncadd.s32 $0xFFFFF830  }
0x6a: {  	[spmem:s2] =	stream.indirect.scatter.add.f32 [tilespmem:s24], [sflag:$0x10], $0x10, s15, s17, $0xb8;
	[tilespmem:$0x9000] =	vst v63  }
0x6b: {  	_ =	swait.ge [sflag:s0], $0x7D0  }
0x6c: {  	[sflag:s0] =	ssyncset.done $0x0  }
0x6d: {  	[sflag:s0] =	ssyncadd.s32 $0xFFFFF830  }
0x6e: {  	_ =	swait.ge [sflag:s6], $0x7D0  }
0x6f: {  	[sflag:s6] =	ssyncset.done $0x0  }
0x70: {  	[sflag:s6] =	ssyncadd.s32 $0xFFFFF830  }
0x71: {  	_ =	swait.ge [sflag:s7], $0x7D0  }
0x72: {  	[sflag:s7] =	ssyncset.done $0x0  }
0x73: {  	[sflag:s7] =	ssyncadd.s32 $0xFFFFF830  }
0x74: {  	_ =	swait.ge [sflag:s8], $0x7D0  }
0x75: {  	[sflag:s8] =	ssyncset.done $0x0  }
0x76: {  	[sflag:s8] =	ssyncadd.s32 $0xFFFFF830  }
0x77: {  	_ =	swait.ge [sflag:s9], $0x7D0  }
0x78: {  	[sflag:s9] =	ssyncset.done $0x0  }
0x79: {  	[sflag:s9] =	ssyncadd.s32 $0xFFFFF830  }
0x7a: {  	_ =	swait.ge [sflag:s10], $0x7D0  }
0x7b: {  	[sflag:s10] =	ssyncset.done $0x0  }
0x7c: {  	[sflag:s10] =	ssyncadd.s32 $0xFFFFF830  }
0x7d: {  	_ =	swait.ge [sflag:s11], $0x7D0  }
0x7e: {  	[sflag:s11] =	ssyncset.done $0x0  }
0x7f: {  	[sflag:s11] =	ssyncadd.s32 $0xFFFFF830  }
0x80: {  	_ =	swait.ge [sflag:s12], $0x7D0  }
0x81: {  	s5 =	simm.s32 $0x2000;
	s13 =	simm.s32 $0x1000;
	[sflag:s12] =	ssyncset.done $0x0  }
.LBB2_4:
0x82: {  	s3 =	sshra.s32 s13, $0x2  }
0x83: {  	[sflag:s12] =	ssyncadd.s32 $0xFFFFF830;
	s13 =	smov.u32 s5;
	s15 =	sadd.s32 $0x1000, s5  }
0x84: {  	[tilespmem:s14], [sflag:$0x1] =	stream.indirect.gather [hbm4b:s4+s17], $0x10, s3, s17, $0xb8;
	[tilespmem:$0x9000] =	vst v63  }
0x85: {  	p0 =	sne.s32 s5, $0x4000;
	s5 =	sadd.s32 $0x80, s3  }
0x86: {  	[tilespmem:s18], [sflag:$0x2] =	stream.indirect.gather [hbm4b:s4+s17], $0x10, s5, s17, $0xb8;
	[tilespmem:$0x9000] =	vst v63  }
0x87: {  	s5 =	sadd.s32 $0x100, s3  }
0x88: {  	[tilespmem:s19], [sflag:$0x3] =	stream.indirect.gather [hbm4b:s4+s17], $0x10, s5, s17, $0xb8;
	[tilespmem:$0x9000] =	vst v63  }
0x89: {  	s5 =	sadd.s32 $0x180, s3  }
0x8a: {  	[tilespmem:s20], [sflag:$0x4] =	stream.indirect.gather [hbm4b:s4+s17], $0x10, s5, s17, $0xb8;
	[tilespmem:$0x9000] =	vst v63  }
0x8b: {  	s5 =	sadd.s32 $0x200, s3  }
0x8c: {  	[tilespmem:s21], [sflag:$0x5] =	stream.indirect.gather [hbm4b:s4+s17], $0x10, s5, s17, $0xb8;
	[tilespmem:$0x9000] =	vst v63  }
0x8d: {  	s5 =	sadd.s32 $0x280, s3  }
0x8e: {  	[tilespmem:s22], [sflag:$0x6] =	stream.indirect.gather [hbm4b:s4+s17], $0x10, s5, s17, $0xb8;
	[tilespmem:$0x9000] =	vst v63  }
0x8f: {  	s5 =	sadd.s32 $0x300, s3  }
0x90: {  	[tilespmem:s23], [sflag:$0x7] =	stream.indirect.gather [hbm4b:s4+s17], $0x10, s5, s17, $0xb8;
	[tilespmem:$0x9000] =	vst v63  }
0x91: {  	s5 =	sadd.s32 $0x380, s3  }
0x92: {  	[tilespmem:s24], [sflag:$0x8] =	stream.indirect.gather [hbm4b:s4+s17], $0x10, s5, s17, $0xb8;
	[tilespmem:$0x9000] =	vst v63  }
0x93: {  	_ =	swait.ge [sflag:s25], $0x7D0  }
0x94: {  	[sflag:s25] =	ssyncset.done $0x0  }
0x95: {  	s5 =	sadd.s32 $0x1400, s3;
	[sflag:s25] =	ssyncadd.s32 $0xFFFFF830  }
0x96: {  	[spmem:s2] =	stream.indirect.scatter.add.f32 [tilespmem:s14], [sflag:$0x9], $0x10, s5, s17, $0xb8;
	[tilespmem:$0x9000] =	vst v63  }
0x97: {  	_ =	swait.ge [sflag:s26], $0x7D0  }
0x98: {  	[sflag:s26] =	ssyncset.done $0x0  }
0x99: {  	s5 =	sadd.s32 $0x1480, s3;
	[sflag:s26] =	ssyncadd.s32 $0xFFFFF830  }
0x9a: {  	[spmem:s2] =	stream.indirect.scatter.add.f32 [tilespmem:s18], [sflag:$0xA], $0x10, s5, s17, $0xb8;
	[tilespmem:$0x9000] =	vst v63  }
0x9b: {  	_ =	swait.ge [sflag:s28], $0x7D0  }
0x9c: {  	[sflag:s28] =	ssyncset.done $0x0  }
0x9d: {  	s5 =	sadd.s32 $0x1500, s3;
	[sflag:s28] =	ssyncadd.s32 $0xFFFFF830  }
0x9e: {  	[spmem:s2] =	stream.indirect.scatter.add.f32 [tilespmem:s19], [sflag:$0xB], $0x10, s5, s17, $0xb8;
	[tilespmem:$0x9000] =	vst v63  }
0x9f: {  	_ =	swait.ge [sflag:s29], $0x7D0  }
0xa0: {  	[sflag:s29] =	ssyncset.done $0x0  }
0xa1: {  	s5 =	sadd.s32 $0x1580, s3;
	[sflag:s29] =	ssyncadd.s32 $0xFFFFF830  }
0xa2: {  	[spmem:s2] =	stream.indirect.scatter.add.f32 [tilespmem:s20], [sflag:$0xC], $0x10, s5, s17, $0xb8;
	[tilespmem:$0x9000] =	vst v63  }
0xa3: {  	_ =	swait.ge [sflag:s30], $0x7D0  }
0xa4: {  	[sflag:s30] =	ssyncset.done $0x0  }
0xa5: {  	s5 =	sadd.s32 $0x1600, s3;
	[sflag:s30] =	ssyncadd.s32 $0xFFFFF830  }
0xa6: {  	[spmem:s2] =	stream.indirect.scatter.add.f32 [tilespmem:s21], [sflag:$0xD], $0x10, s5, s17, $0xb8;
	[tilespmem:$0x9000] =	vst v63  }
0xa7: {  	_ =	swait.ge [sflag:s31], $0x7D0  }
0xa8: {  	[sflag:s31] =	ssyncset.done $0x0  }
0xa9: {  	s5 =	sadd.s32 $0x1680, s3;
	[sflag:s31] =	ssyncadd.s32 $0xFFFFF830  }
0xaa: {  	[spmem:s2] =	stream.indirect.scatter.add.f32 [tilespmem:s22], [sflag:$0xE], $0x10, s5, s17, $0xb8;
	[tilespmem:$0x9000] =	vst v63  }
0xab: {  	_ =	swait.ge [sflag:s1], $0x7D0  }
0xac: {  	[sflag:s1] =	ssyncset.done $0x0  }
0xad: {  	s5 =	sadd.s32 $0x1700, s3;
	[sflag:s1] =	ssyncadd.s32 $0xFFFFF830  }
0xae: {  	[spmem:s2] =	stream.indirect.scatter.add.f32 [tilespmem:s23], [sflag:$0xF], $0x10, s5, s17, $0xb8;
	[tilespmem:$0x9000] =	vst v63  }
0xaf: {  	_ =	swait.ge [sflag:s16], $0x7D0  }
0xb0: {  	[sflag:s16] =	ssyncset.done $0x0  }
0xb1: {  	s3 =	sadd.s32 $0x1780, s3;
	[sflag:s16] =	ssyncadd.s32 $0xFFFFF830  }
0xb2: {  	[spmem:s2] =	stream.indirect.scatter.add.f32 [tilespmem:s24], [sflag:$0x10], $0x10, s3, s17, $0xb8;
	[tilespmem:$0x9000] =	vst v63  }
0xb3: {  	_ =	swait.ge [sflag:s0], $0x7D0  }
0xb4: {  	[sflag:s0] =	ssyncset.done $0x0  }
0xb5: {  	[sflag:s0] =	ssyncadd.s32 $0xFFFFF830  }
0xb6: {  	_ =	swait.ge [sflag:s6], $0x7D0  }
0xb7: {  	[sflag:s6] =	ssyncset.done $0x0  }
0xb8: {  	[sflag:s6] =	ssyncadd.s32 $0xFFFFF830  }
0xb9: {  	_ =	swait.ge [sflag:s7], $0x7D0  }
0xba: {  	[sflag:s7] =	ssyncset.done $0x0  }
0xbb: {  	[sflag:s7] =	ssyncadd.s32 $0xFFFFF830  }
0xbc: {  	_ =	swait.ge [sflag:s8], $0x7D0  }
0xbd: {  	[sflag:s8] =	ssyncset.done $0x0  }
0xbe: {  	[sflag:s8] =	ssyncadd.s32 $0xFFFFF830  }
0xbf: {  	_ =	swait.ge [sflag:s9], $0x7D0  }
0xc0: {  	[sflag:s9] =	ssyncset.done $0x0  }
0xc1: {  	[sflag:s9] =	ssyncadd.s32 $0xFFFFF830  }
0xc2: {  	_ =	swait.ge [sflag:s10], $0x7D0  }
0xc3: {  	[sflag:s10] =	ssyncset.done $0x0  }
0xc4: {  	[sflag:s10] =	ssyncadd.s32 $0xFFFFF830  }
.Ltmp1:
0xc5: {  	_ =	swait.ge [sflag:s11], $0x7D0;
	(pc) =	sbr.rel @p0 .LBB2_4-.Ltmp1, $4  }
0xc6: {  	[sflag:s11] =	ssyncset.done $0x0  }
0xc7: {  	[sflag:s11] =	ssyncadd.s32 $0xFFFFF830  }
0xc8: {  	_ =	swait.ge [sflag:s12], $0x7D0  }
0xc9: {  	s5 =	smov.u32 s15;
	[sflag:s12] =	ssyncset.done $0x0  }
0xca: {  	s3 =	sshra.s32 s13, $0x2;
	[sflag:s12] =	ssyncadd.s32 $0xFFFFF830  }
0xcb: {  	[tilespmem:s14], [sflag:$0x1] =	stream.indirect.gather [hbm4b:s4+s17], $0x10, s3, s17, $0xb8;
	[tilespmem:$0x9000] =	vst v63  }
0xcc: {  	s5 =	sadd.s32 $0x80, s3  }
0xcd: {  	[tilespmem:s18], [sflag:$0x2] =	stream.indirect.gather [hbm4b:s4+s17], $0x10, s5, s17, $0xb8;
	[tilespmem:$0x9000] =	vst v63  }
0xce: {  	s13 =	sadd.s32 $0x100, s3  }
0xcf: {  	[tilespmem:s19], [sflag:$0x3] =	stream.indirect.gather [hbm4b:s4+s17], $0x10, s13, s17, $0xb8;
	[tilespmem:$0x9000] =	vst v63  }
0xd0: {  	s15 =	sadd.s32 $0x180, s3  }
0xd1: {  	[tilespmem:s20], [sflag:$0x4] =	stream.indirect.gather [hbm4b:s4+s17], $0x10, s15, s17, $0xb8;
	[tilespmem:$0x9000] =	vst v63  }
0xd2: {  	s13 =	sadd.s32 $0x200, s3  }
0xd3: {  	[tilespmem:s21], [sflag:$0x5] =	stream.indirect.gather [hbm4b:s4+s17], $0x10, s13, s17, $0xb8;
	[tilespmem:$0x9000] =	vst v63  }
0xd4: {  	s15 =	sadd.s32 $0x280, s3  }
0xd5: {  	[tilespmem:s22], [sflag:$0x6] =	stream.indirect.gather [hbm4b:s4+s17], $0x10, s15, s17, $0xb8;
	[tilespmem:$0x9000] =	vst v63  }
0xd6: {  	s13 =	sadd.s32 $0x300, s3  }
0xd7: {  	[tilespmem:s23], [sflag:$0x7] =	stream.indirect.gather [hbm4b:s4+s17], $0x10, s13, s17, $0xb8;
	[tilespmem:$0x9000] =	vst v63  }
0xd8: {  	s15 =	sadd.s32 $0x380, s3  }
0xd9: {  	[tilespmem:s24], [sflag:$0x8] =	stream.indirect.gather [hbm4b:s4+s17], $0x10, s15, s17, $0xb8;
	[tilespmem:$0x9000] =	vst v63  }
0xda: {  	_ =	swait.ge [sflag:s25], $0x7D0  }
0xdb: {  	[sflag:s25] =	ssyncset.done $0x0  }
0xdc: {  	s13 =	sadd.s32 $0x1400, s3;
	[sflag:s25] =	ssyncadd.s32 $0xFFFFF830  }
0xdd: {  	[spmem:s2] =	stream.indirect.scatter.add.f32 [tilespmem:s14], [sflag:$0x9], $0x10, s13, s17, $0xb8;
	[tilespmem:$0x9000] =	vst v63  }
0xde: {  	_ =	swait.ge [sflag:s26], $0x7D0  }
0xdf: {  	[sflag:s26] =	ssyncset.done $0x0  }
0xe0: {  	s15 =	sadd.s32 $0x1480, s3;
	[sflag:s26] =	ssyncadd.s32 $0xFFFFF830  }
0xe1: {  	[spmem:s2] =	stream.indirect.scatter.add.f32 [tilespmem:s18], [sflag:$0xA], $0x10, s15, s17, $0xb8;
	[tilespmem:$0x9000] =	vst v63  }
0xe2: {  	_ =	swait.ge [sflag:s28], $0x7D0  }
0xe3: {  	[sflag:s28] =	ssyncset.done $0x0  }
0xe4: {  	s13 =	sadd.s32 $0x1500, s3;
	[sflag:s28] =	ssyncadd.s32 $0xFFFFF830  }
0xe5: {  	[spmem:s2] =	stream.indirect.scatter.add.f32 [tilespmem:s19], [sflag:$0xB], $0x10, s13, s17, $0xb8;
	[tilespmem:$0x9000] =	vst v63  }
0xe6: {  	_ =	swait.ge [sflag:s29], $0x7D0  }
0xe7: {  	[sflag:s29] =	ssyncset.done $0x0  }
0xe8: {  	s15 =	sadd.s32 $0x1580, s3;
	[sflag:s29] =	ssyncadd.s32 $0xFFFFF830  }
0xe9: {  	[spmem:s2] =	stream.indirect.scatter.add.f32 [tilespmem:s20], [sflag:$0xC], $0x10, s15, s17, $0xb8;
	[tilespmem:$0x9000] =	vst v63  }
0xea: {  	_ =	swait.ge [sflag:s30], $0x7D0  }
0xeb: {  	[sflag:s30] =	ssyncset.done $0x0  }
0xec: {  	s13 =	sadd.s32 $0x1600, s3;
	[sflag:s30] =	ssyncadd.s32 $0xFFFFF830  }
0xed: {  	[spmem:s2] =	stream.indirect.scatter.add.f32 [tilespmem:s21], [sflag:$0xD], $0x10, s13, s17, $0xb8;
	[tilespmem:$0x9000] =	vst v63  }
0xee: {  	_ =	swait.ge [sflag:s31], $0x7D0  }
0xef: {  	[sflag:s31] =	ssyncset.done $0x0  }
0xf0: {  	s15 =	sadd.s32 $0x1680, s3;
	[sflag:s31] =	ssyncadd.s32 $0xFFFFF830  }
0xf1: {  	[spmem:s2] =	stream.indirect.scatter.add.f32 [tilespmem:s22], [sflag:$0xE], $0x10, s15, s17, $0xb8;
	[tilespmem:$0x9000] =	vst v63  }
0xf2: {  	_ =	swait.ge [sflag:s1], $0x7D0  }
0xf3: {  	[sflag:s1] =	ssyncset.done $0x0  }
0xf4: {  	s13 =	sadd.s32 $0x1700, s3;
	[sflag:s1] =	ssyncadd.s32 $0xFFFFF830  }
0xf5: {  	[spmem:s2] =	stream.indirect.scatter.add.f32 [tilespmem:s23], [sflag:$0xF], $0x10, s13, s17, $0xb8;
	[tilespmem:$0x9000] =	vst v63  }
0xf6: {  	_ =	swait.ge [sflag:s16], $0x7D0  }
0xf7: {  	[sflag:s16] =	ssyncset.done $0x0  }
0xf8: {  	s3 =	sadd.s32 $0x1780, s3;
	[sflag:s16] =	ssyncadd.s32 $0xFFFFF830  }
0xf9: {  	[spmem:s2] =	stream.indirect.scatter.add.f32 [tilespmem:s24], [sflag:$0x10], $0x10, s3, s17, $0xb8;
	[tilespmem:$0x9000] =	vst v63  }
0xfa: {  	_ =	swait.ge [sflag:s0], $0x7D0  }
0xfb: {  	[sflag:s0] =	ssyncset.done $0x0  }
0xfc: {  	[sflag:s0] =	ssyncadd.s32 $0xFFFFF830  }
0xfd: {  	_ =	swait.ge [sflag:s6], $0x7D0  }
0xfe: {  	[sflag:s6] =	ssyncset.done $0x0  }
0xff: {  	[sflag:s6] =	ssyncadd.s32 $0xFFFFF830  }
0x100: {  	_ =	swait.ge [sflag:s7], $0x7D0  }
0x101: {  	[sflag:s7] =	ssyncset.done $0x0  }
0x102: {  	[sflag:s7] =	ssyncadd.s32 $0xFFFFF830  }
0x103: {  	_ =	swait.ge [sflag:s8], $0x7D0  }
0x104: {  	[sflag:s8] =	ssyncset.done $0x0  }
0x105: {  	[sflag:s8] =	ssyncadd.s32 $0xFFFFF830  }
0x106: {  	_ =	swait.ge [sflag:s9], $0x7D0  }
0x107: {  	[sflag:s9] =	ssyncset.done $0x0  }
0x108: {  	[sflag:s9] =	ssyncadd.s32 $0xFFFFF830  }
0x109: {  	_ =	swait.ge [sflag:s10], $0x7D0  }
0x10a: {  	[sflag:s10] =	ssyncset.done $0x0  }
0x10b: {  	[sflag:s10] =	ssyncadd.s32 $0xFFFFF830  }
0x10c: {  	_ =	swait.ge [sflag:s11], $0x7D0  }
0x10d: {  	[sflag:s11] =	ssyncset.done $0x0  }
0x10e: {  	[sflag:s11] =	ssyncadd.s32 $0xFFFFF830  }
0x10f: {  	_ =	swait.ge [sflag:s12], $0x7D0  }
0x110: {  	[sflag:s12] =	ssyncset.done $0x0  }
0x111: {  	[sflag:s12] =	ssyncadd.s32 $0xFFFFF830  }
0x112: {  	s15 =	stileid.u32;
	[bflag:$0x0] =	sbarrier.arrive $0xFFFF  }
0x113: {  	s3 =	sshll.u32 s15, $0x6;
	s15 =	rddreg [dreg:$0x4]  }
0x114: {  	s3 =	sor.u32 $0x1C11, s3;
	s13 =	rddreg [dreg:$0xb];
	s5 =	sshrl.u32 s15, $0x3  }
0x115: {  	[hbm:s13], [sflag:s3] =	dma.local [spmem:s5], $0x500  }
0x116: {  	s5 =	simm.s32 $0x11  }
0x117: {  	_ =	swait.ge [sflag:s5], $0x500  }
0x118: {  	s3 =	rddreg [dreg:$0x3]  }
0x119: {  	s13 =	sadd.s32 $0x1, s3;
	s3 =	rddreg [dreg:$0xc]  }
0x11a: {  	p0 =	sne.s32 s13, s3  }
.Ltmp2:
0x11b: {  	_ = 	snop;
	(pc) =	sbr.rel @p0 .LBB2_1-.Ltmp2, $3  }
0x11c: {  	_ =	sdelay $0x1  }
0x11d: {  	[sflag:s5] =	ssyncset.done $0x0  }
0x11e: {  	[sflag:s5] =	ssyncadd.s32 $0xFFFFFB00  }
0x11f: {  	_ =	sfence.sel $0x180000  }
0x120: {  	[bflag:$0x0] =	sbarrier.arrive $0xFFFF  }
0x121: {  	_ =	strace $0x9000004D  }
0x122: {  	s0 =	stileid.u32;
	[bflag:$0x2] =	sbarrier.arrive $0xFFFF  }
0x123: {  	p0 =	sne.s32 s0, $0x0;
	s0 =	rddreg [dreg:$0x2]  }
0x124: {  	s0 =	sadd.s32 @!p0 $0x100000, s0  }
0x125: {  	[sflag:s0] =	ssyncadd.tile.s32 @!p0 $0x1;
	_ =	shalt  }
.Lfunc_end2:
_tile_overlayer_lowered:
.L_overlay_start_2:
0x126: {  	(tag) =	ssettag $0x2  }
0x127: {  	s0 =	rddreg [dreg:$0x0];
	s2 =	stileid.u32  }
0x128: {  	s1 =	rddreg [dreg:$0x1];
	p0 =	sne.s32 s2, $0x0  }
0x129: {  	s3 =	rddreg [dreg:$0x2];
	[bflag:$0x3] =	sbarrier.arrive $0xFFFF;
	s2 =	simm.s32 @!p0 $0x1C11  }
0x12a: {  	[timem:s3], [sflag:s2] =	dma.local @!p0 [hbm:s0], s1  }
0x12b: {  	s0 =	simm.s32 @!p0 $0x11  }
0x12c: {  	_ =	swait.ge @!p0 [sflag:s0], s1  }
0x12d: {  	s1 =	ssub.s32 @!p0 $0x0, s1;
	[sflag:s0] =	ssyncset.done @!p0 $0x0  }
0x12e: {  	[sflag:s0] =	ssyncadd.s32 @!p0 s1  }
0x12f: {  	[bflag:$0x3] =	sbarrier.arrive $0xFFFF  }
0x130: {  	_ =	shalt  }

// kernel: kernel.9.cloned.1.call-start
scs
__scs_entry_jumppad:
0x0: {  	(pc) =	sbr.rel $0x88, $3  }
0x1: {  	(tag) =	ssettag $0x0;
	lr =	simm.s32 $0x1  }
0x2: {  	[smem:$0x3F9B] =	sst lr;
	_ =	strace $0xD0000000  }
0x3: {  	_ = 	snop  }
0x4: {  	_ = 	snop  }
0x5: {  	_ = 	snop  }
0x6: {  	_ = 	snop  }
0x7: {  	_ = 	snop  }
__scs_overlays_trampoline_lowered:
0x8: {  	[smem:$0x3FAA] =	sst s0  }
0x9: {  	[smem:$0x3FAB] =	sst s1  }
0xa: {  	[smem:$0x3FAC] =	sst s2  }
0xb: {  	[smem:$0x3FAD] =	sst s3  }
0xc: {  	[smem:$0x3FAE] =	sst s4  }
0xd: {  	[smem:$0x3FAF] =	sst s5  }
0xe: {  	[smem:$0x3FB0] =	sst s6  }
0xf: {  	[smem:$0x3FB1] =	sst s7  }
0x10: {  	[smem:$0x3FB2] =	sst s8  }
0x11: {  	[smem:$0x3FB3] =	sst s9;
	s0 =	simm.s32 @!p0 $0x0  }
0x12: {  	s1 =	sld [smem:$0x3F99];
	s0 =	simm.s32 @p0 $0x1  }
0x13: {  	[smem:$0x3FB4] =	sst s0;
	s0 =	simm.s32 @!p1 $0x0  }
0x14: {  	s2 =	sld [smem:$0x3F98];
	s0 =	simm.s32 @p1 $0x1  }
0x15: {  	[smem:$0x3FB5] =	sst s0;
	s0 =	simm.s32 @!p2 $0x0  }
0x16: {  	s3 =	sld [smem:$0x3FDB];
	s0 =	simm.s32 @p2 $0x1  }
0x17: {  	s4 =	simm.s32 $0x1BF5;
	[smem:$0x3FB7] =	sst s0  }
0x18: {  	s0 =	sld [smem:$0x3F9A];
	_ =	swait.ge [sflag:s4], $0x0  }
0x19: {  	s7 =	sld [smem:$0x3F9B]  }
0x1a: {  	s8 =	sadd.s32 $0xFFFFE003, lr  }
0x1b: {  	s9 =	sadd.s32 $0xFFFFFEF7, lr;
	s5 =	simm.s32 $0xFFFFFFFF;
	p2 =	slt.u32 s8, $0xFFFFF086  }
0x1c: {  	p1 =	slt.u32 s9, $0xF7A;
	s5 =	simm.s32 @!p2 $0x0  }
0x1d: {  	s5 =	simm.s32 @p1 $0x1;
	p0 =	seq.s32 s7, s2  }
0x1e: {  	s7 =	smul.u32 @!p0 $0xF7A, s2;
	p2 =	seq.s32 @!p0 s5, $0x0  }
0x1f: {  	s9 =	smul.u32 $0xF7A, s1;
	s8 =	simm.s32 @!p0 $0x1BF5;
	p2 =	por !p2, p0  }
0x20: {  	[sflag:s8] =	ssyncset.s32 @!p0 $0xFFFFF086;
	s6 =	sadd.s32 @!p0 s3, s7;
	s7 =	simm.s32 @!p0 $0x108  }
0x21: {  	s3 =	sadd.s32 s3, s9;
	s6 =	sadd.s32 @!p0 $0x88, s6;
	s7 =	simm.s32 @p2 $0x1082  }
0x22: {  	[simem:s7], [sflag:s8] =	dma.local @!p0 [hbm:s6], $0xF7A  }
0x23: {  	s9 =	sor.u32 $0xD0000000, s2;
	s6 =	simm.s32 $0x108;
	_ =	swait.ge @!p0 [sflag:s8], $0x0  }
0x24: {  	s3 =	sadd.s32 $0x88, s3;
	s6 =	simm.s32 @!p1 $0x1082;
	[sflag:s4] =	ssyncset.s32 $0xFFFFF086  }
0x25: {  	[simem:s6], [sflag:s4] =	dma.local [hbm:s3], $0xF7A  }
0x26: {  	[smem:$0x3F9B] =	sst s1;
	(tag) =	ssettag s2;
	_ =	strace s9  }
0x27: {  	s1 =	sld [smem:$0x3FAB]  }
0x28: {  	s2 =	sld [smem:$0x3FAC]  }
0x29: {  	s4 =	sld [smem:$0x3FAE]  }
0x2a: {  	p0 =	seq.s32 s5, $0x0;
	s5 =	sld [smem:$0x3FAF]  }
0x2b: {  	s6 =	sld [smem:$0x3FB0]  }
0x2c: {  	s7 =	sld [smem:$0x3FB1]  }
0x2d: {  	s3 =	simm.s32 $0x108;
	s8 =	sld [smem:$0x3FB2]  }
0x2e: {  	s3 =	simm.s32 @!p0 $0x1082;
	s9 =	sld [smem:$0x3FB3]  }
0x2f: {  	lr =	sadd.s32 s0, s3;
	s0 =	sld [smem:$0x3FAA]  }
0x30: {  	s3 =	sld [smem:$0x3FAD]  }
0x31: {  	[smem:$0x3FB6] =	sst s10  }
0x32: {  	s10 =	sld [smem:$0x3FB4];
	_ =	sdelay $0x3  }
0x33: {  	p0 =	seq.s32 s10, $0x1;
	s10 =	sld [smem:$0x3FB6];
	_ =	sdelay $0x3  }
0x34: {  	[smem:$0x3FB6] =	sst s10  }
0x35: {  	s10 =	sld [smem:$0x3FB5];
	_ =	sdelay $0x3  }
0x36: {  	p1 =	seq.s32 s10, $0x1;
	s10 =	sld [smem:$0x3FB6];
	_ =	sdelay $0x3  }
0x37: {  	[smem:$0x3FB6] =	sst s10  }
0x38: {  	s10 =	sld [smem:$0x3FB7]  }
0x39: {  	_ = 	snop;
	(pc) =	sbr.ind lr, $3  }
0x3a: {  	_ = 	snop  }
0x3b: {  	_ = 	snop  }
0x3c: {  	p2 =	seq.s32 s10, $0x1;
	s10 =	sld [smem:$0x3FB6]  }
0x3d: {  	_ =	shalt  }
0x3e: {  	_ =	shalt  }
0x3f: {  	_ =	shalt  }
0x40: {  	_ =	shalt  }
0x41: {  	_ =	shalt  }
0x42: {  	_ =	shalt  }
0x43: {  	_ =	shalt  }
0x44: {  	_ =	shalt  }
0x45: {  	_ =	shalt  }
0x46: {  	_ =	shalt  }
0x47: {  	_ =	shalt  }
0x48: {  	_ =	shalt  }
0x49: {  	_ =	shalt  }
0x4a: {  	_ =	shalt  }
0x4b: {  	_ =	shalt  }
0x4c: {  	_ =	shalt  }
0x4d: {  	_ =	shalt  }
0x4e: {  	_ =	shalt  }
0x4f: {  	_ =	shalt  }
0x50: {  	_ =	shalt  }
0x51: {  	_ =	shalt  }
0x52: {  	_ =	shalt  }
0x53: {  	_ =	shalt  }
0x54: {  	_ =	shalt  }
0x55: {  	_ =	shalt  }
0x56: {  	_ =	shalt  }
0x57: {  	_ =	shalt  }
0x58: {  	_ =	shalt  }
0x59: {  	_ =	shalt  }
0x5a: {  	_ =	shalt  }
0x5b: {  	_ =	shalt  }
0x5c: {  	_ =	shalt  }
0x5d: {  	_ =	shalt  }
0x5e: {  	_ =	shalt  }
0x5f: {  	_ =	shalt  }
0x60: {  	_ =	shalt  }
0x61: {  	_ =	shalt  }
0x62: {  	_ =	shalt  }
0x63: {  	_ =	shalt  }
0x64: {  	_ =	shalt  }
0x65: {  	_ =	shalt  }
0x66: {  	_ =	shalt  }
0x67: {  	_ =	shalt  }
0x68: {  	_ =	shalt  }
0x69: {  	_ =	shalt  }
0x6a: {  	_ =	shalt  }
0x6b: {  	_ =	shalt  }
0x6c: {  	_ =	shalt  }
0x6d: {  	_ =	shalt  }
0x6e: {  	_ =	shalt  }
0x6f: {  	_ =	shalt  }
0x70: {  	_ =	shalt  }
0x71: {  	_ =	shalt  }
0x72: {  	_ =	shalt  }
0x73: {  	_ =	shalt  }
0x74: {  	_ =	shalt  }
0x75: {  	_ =	shalt  }
0x76: {  	_ =	shalt  }
0x77: {  	_ =	shalt  }
0x78: {  	_ =	shalt  }
0x79: {  	_ =	shalt  }
0x7a: {  	_ =	shalt  }
0x7b: {  	_ =	shalt  }
0x7c: {  	_ =	shalt  }
0x7d: {  	_ =	shalt  }
0x7e: {  	_ =	shalt  }
0x7f: {  	_ =	shalt  }
0x80: {  	_ =	shalt  }
0x81: {  	_ =	shalt  }
0x82: {  	_ =	shalt  }
0x83: {  	_ =	shalt  }
0x84: {  	_ =	shalt  }
0x85: {  	_ =	shalt  }
0x86: {  	_ =	shalt  }
0x87: {  	_ =	shalt  }
.Lfunc_end0:
.L_simem_size_0:
called_computation_lowered:
.L_overlay_start_0:
0x88: {  	s2 =	sld [smem:$0x3FD9]  }
0x89: {  	s3 =	sld [smem:$0x3FFE];
	_ =	sdelay $0x1  }
0x8a: {  	s1 =	srdreg.scid  }
0x8b: {  	s0 =	sand.u32 $0x1, s1  }
0x8c: {  	s16 =	sshll.u32 s0, $0xA;
	s2 =	sadd.s32 s3, s2  }
0x8d: {  	s2 =	sadd.s32 s2, s16  }
0x8e: {  	[smem:$0x3FC2] =	sst s2  }
0x8f: {  	_ = 	snop  }
0x90: {  	(tm) =	ssettm $0x1  }
0x91: {  	s17 =	sld [smem:$0x3FFB];
	_ =	sdelay $0x3  }
0x92: {  	_ =	strace s17  }
0x93: {  	s2 =	sld [smem:$0x3FFC];
	_ =	sdelay $0x3  }
0x94: {  	_ =	strace s2  }
0x95: {  	s2 =	sld [smem:$0x3FFD];
	_ =	sdelay $0x3  }
0x96: {  	_ =	strace s2  }
0x97: {  	_ =	strace $0x8FFFFFFF  }
0x98: {  	s18 =	sld [smem:$0x3FDB];
	_ =	sdelay $0x1  }
0x99: {  	s19 =	simm.s32 $_scs_section_size  }
0x9a: {  	s4 =	simm.s32 $_size__tile_overlayer_lowered;
	s5 =	simm.s32 $_tile_overlayer_lowered  }
0x9b: {  	s22 =	simm.s32 $0x1BFF;
	s21 =	sshll.u32 s5, $0x1;
	s2 =	sadd.s32 s19, s18  }
0x9c: {  	s6 =	simm.s32 $0x0;
	s20 =	sshll.u32 s4, $0x1;
	s4 =	sadd.s32 s21, s2  }
0x9d: {  	[timem:s6], [sflag:s22] =	dma.local [hbm:s4], s20  }
0x9e: {  	_ =	swait.ge [sflag:s22], s20  }
0x9f: {  	s3 =	ssub.s32 $0x0, s20;
	[sflag:s22] =	ssyncset.done $0x0  }
0xa0: {  	[sflag:s22] =	ssyncadd.s32 s3;
	_ =	sdelay $0x1  }
0xa1: {  	s23 =	simm.s32 $0x1B8B  }
0xa2: {  	_ =	swait.ge [sflag:s23], $0x1  }
0xa3: {  	[sflag:s23] =	ssyncset.done $0x0  }
0xa4: {  	s25 =	simm.s32 $0x1B8E;
	s24 =	sld [smem:$0x3FFE];
	[sflag:s23] =	ssyncadd.s32 $0xFFFFFFFF  }
0xa5: {  	s26 =	simm.s32 $execute0_lowered;
	[smem:$0x3FD2] =	sst s25  }
0xa6: {  	s4 =	sshll.u32 s26, $0x1;
	_ =	strace $0x80000046;
	[dreg:$0x1] =	wrdreg $0xFFFFFFFF  }
0xa7: {  	s28 =	simm.s32 $_size_execute0_lowered;
	s2 =	sadd.s32 s2, s4;
	[dreg:$0x0] =	wrdreg $0x0  }
0xa8: {  	s4 =	sshll.u32 s28, $0x1;
	[dreg:$0x2] =	wrdreg s2  }
0xa9: {  	[dreg:$0x3] =	wrdreg s4  }
0xaa: {  	[dreg:$0x4] =	wrdreg $0xC0  }
0xab: {  	_ =	task [dreg:s6], $0x5FFFF  }
0xac: {  	[dreg:$0x1] =	wrdreg $0xFFFFFFFF  }
0xad: {  	[dreg:$0x0] =	wrdreg $0x60  }
0xae: {  	[dreg:$0x2] =	wrdreg s24  }
0xaf: {  	[dreg:$0x3] =	wrdreg $0x24000  }
0xb0: {  	[dreg:$0x4] =	wrdreg $0x9  }
0xb1: {  	_ =	task.clear_ibuf [dreg:s6], $0x5FFFF;
	_ =	strace $0x90000046  }
0xb2: {  	s29 =	simm.s32 $0x9;
	_ =	strace $0x80000048  }
0xb3: {  	_ =	swait.ge [sflag:s29], $0x1  }
0xb4: {  	[sflag:s29] =	ssyncadd.s32 $0xFFFFFFFF  }
0xb5: {  	_ =	strace $0x90000048  }
0xb6: {  	_ =	sfence  }
0xb7: {  	s30 =	sld [smem:$0x0];
	_ =	sdelay $0x2  }
0xb8: {  	s31 =	sshll.u32 s1, $0xD;
	s1 =	sshrl.u32 s1, $0x2  }
0xb9: {  	s3 =	sand.u32 $0x4000, s31;
	s1 =	sadd.s32 s1, s30  }
0xba: {  	s0 =	sor.u32 s3, s0;
	s1 =	sshll.u32 s1, $0x11  }
0xbb: {  	s0 =	sor.u32 s1, s0  }
0xbc: {  	s0 =	sadd.s32 $0x8F2B, s0  }
0xbd: {  	[sflag:s0] =	ssyncadd.remote.s32 $0x1  }
0xbe: {  	_ =	sfence.sel $0xFFFF  }
0xbf: {  	[dreg:$0x0] =	wrdreg $0xFFFFFFFF;
	(pc) =	sbr.abs _section_cstart, $3  }
0xc0: {  	[dreg:$0x1] =	wrdreg $0xFFFFFFFF  }
0xc1: {  	_ =	task.clear_ibuf [dreg:s6], $0x2FFFF;
	_ =	strace $0x9FFFFFFF  }
0xc2: {  	(tm) =	ssettm $0x7FFFFFFF  }
0xc3: {  	_ =	shalt  }
tec
execute0_lowered:
.L_overlay_start_1:
0x0: {  	(tag) =	ssettag $0x1  }
0x1: {  	s5 =	rddreg [dreg:$0x0]  }
0x2: {  	s0 =	srdreg.scid;
	s2 =	rddreg [dreg:$0x1]  }
0x3: {  	s3 =	simm.s32 $0x0;
	s4 =	sand.u32 $0x1, s0;
	s0 =	stileid.u32  }
0x4: {  	s13 =	simm.s32 $0x1;
	s14 =	simm.s32 $0x7D;
	s7 =	smul.u32 $0x2800, s0  }
0x5: {  	s15 =	simm.s32 $0x1400;
	[smem:$0x7FF] =	sst s3;
	s8 =	smul.u32 $0x28000, s4  }
0x6: {  	s1 =	sshll.u32 s4, $0x4;
	s9 =	smul.u32 $0xA000, s0;
	s4 =	ssub.s32 $0x2, s4  }
0x7: {  	s16 =	sshll.u32 s0, $0x6;
	s1 =	sor.u32 s0, s1;
	s30 =	sshrl.u32 s4, $0x1  }
0x8: {  	s16 =	sor.u32 $0x1C01, s16;
	s6 =	smul.u32 $0x280, s1;
	s1 =	rddreg [dreg:$0x2]  }
0x9: {  	_ =	strace $0x80000047;
	s29 =	sadd.s32 s7, s8;
	s9 =	sshrl.u32 s9, $0x2  }
0xa: {  	s12 =	ssub.s32 s4, s30;
	s4 =	sadd.s32 s7, s2;
	s31 =	sadd.s32 s9, s2  }
0xb: {  	s17 =	sshrl.u32 s4, $0x3;
	s10 =	sadd.s32 s6, s5;
	s6 =	sshrl.u32 s29, $0x3  }
0xc: {  	s7 =	sadd.s32 $0x1800, s31;
	s8 =	sadd.s32 $0x2000, s31;
	s11 =	sadd.s32 s6, s5  }
0xd: {  	s5 =	sadd.s32 $0x800, s31;
	s6 =	sadd.s32 $0x1000, s31;
	s9 =	sadd.s32 $0x6800, s10  }
0xe: {  	v0 =	vimm.f32 $0.0e+00;
	v1 =	vimm.f32 $1.000000000e+00;
	s10 =	sadd.s32 $0xB800, s11;
	s11 =	smax.u32 s12, $0x1;
	s12 =	simm.s32 $0x1C00  }
.LBB2_1:
0xf: {  	s18 =	simm.s32 $0x40;
	s19 =	simm.s32 $0x0  }
.LBB2_2:
0x10: {  	p0 =	sne.s32 s18, $0x1FC0;
	[tilespmem:s19+$0x1C00] =	vst v0;
	s20 =	smov.u32 s18;
	s18 =	sadd.s32 $0x40, s18  }
.Ltmp0:
0x11: {  	[tilespmem:s19+$0x1400] =	vst v1;
	(pc) =	sbr.rel @p0 .LBB2_2-.Ltmp0, $2  }
0x12: {  	_ =	sdelay $0x2  }
0x13: {  	s19 =	sshra.s32 s20, $0x2  }
0x14: {  	[tilespmem:s19+$0x1C00] =	vst v0  }
0x15: {  	[tilespmem:s19+$0x1400] =	vst v1  }
0x16: {  	[spmem:s4] =	stream.linear.scatter [tilespmem:s12], [sflag:$0x1], $0x800, $0x38;
	[tilespmem:$0x4C00] =	vst v63  }
0x17: {  	_ =	swait.ge [sflag:s13], $0x800  }
0x18: {  	[sflag:s13] =	ssyncset.done $0x0  }
0x19: {  	[sflag:s13] =	ssyncadd.s32 $0xFFFFF800  }
0x1a: {  	[spmem:s5] =	stream.linear.scatter [tilespmem:s12], [sflag:$0x1], $0x800, $0x38;
	[tilespmem:$0x4C00] =	vst v63  }
0x1b: {  	_ =	swait.ge [sflag:s13], $0x800  }
0x1c: {  	[sflag:s13] =	ssyncset.done $0x0  }
0x1d: {  	[sflag:s13] =	ssyncadd.s32 $0xFFFFF800  }
0x1e: {  	[spmem:s6] =	stream.linear.scatter [tilespmem:s12], [sflag:$0x1], $0x800, $0x38;
	[tilespmem:$0x4C00] =	vst v63  }
0x1f: {  	_ =	swait.ge [sflag:s13], $0x800  }
0x20: {  	[sflag:s13] =	ssyncset.done $0x0  }
0x21: {  	[sflag:s13] =	ssyncadd.s32 $0xFFFFF800  }
0x22: {  	[spmem:s7] =	stream.linear.scatter [tilespmem:s12], [sflag:$0x1], $0x800, $0x38;
	[tilespmem:$0x4C00] =	vst v63  }
0x23: {  	_ =	swait.ge [sflag:s13], $0x800  }
0x24: {  	[sflag:s13] =	ssyncset.done $0x0  }
0x25: {  	[sflag:s13] =	ssyncadd.s32 $0xFFFFF800  }
0x26: {  	[spmem:s8] =	stream.linear.scatter [tilespmem:s12], [sflag:$0x1], $0x800, $0x38;
	[tilespmem:$0x4C00] =	vst v63  }
0x27: {  	_ =	swait.ge [sflag:s13], $0x800  }
0x28: {  	[sflag:s13] =	ssyncset.done $0x0  }
0x29: {  	[sflag:s13] =	ssyncadd.s32 $0xFFFFF800  }
0x2a: {  	s18 =	simm.s32 $0x0;
	[bflag:$0x0] =	sbarrier.arrive $0xFFFF  }
0x2b: {  	[tilespmem:s18], [sflag:$0x1] =	stream.linear.gather [hbm4b:s9+s18], $0x1400, $0x38;
	[tilespmem:$0x4C00] =	vst v63  }
0x2c: {  	_ =	swait.ge [sflag:s13], $0x1400  }
0x2d: {  	[sflag:s13] =	ssyncset.done $0x0  }
0x2e: {  	s31 =	simm.s32 $0x0;
	[sflag:s13] =	ssyncadd.s32 $0xFFFFEC00  }
0x2f: {  	[spmem:s2] =	stream.indirect.scatter.add.f32 [tilespmem:s15], [sflag:$0x1], $0x10, s31, s14, $0xb8;
	[tilespmem:$0x4C00] =	vst v63  }
0x30: {  	_ =	swait.ge [sflag:s13], $0x7D0  }
0x31: {  	s18 =	simm.s32 $0x200;
	[sflag:s13] =	ssyncset.done $0x0  }
.LBB2_4:
0x32: {  	s19 =	sshra.s32 s18, $0x2;
	[sflag:s13] =	ssyncadd.s32 $0xFFFFF830;
	p0 =	sne.s32 s18, $0x4E00  }
0x33: {  	[spmem:s2] =	stream.indirect.scatter.add.f32 [tilespmem:s15], [sflag:$0x1], $0x10, s19, s14, $0xb8;
	[tilespmem:$0x4C00] =	vst v63  }
.Ltmp1:
0x34: {  	_ = 	snop;
	(pc) =	sbr.rel @p0 .LBB2_4-.Ltmp1, $4  }
0x35: {  	_ = 	snop  }
0x36: {  	s18 =	sadd.s32 $0x200, s18  }
0x37: {  	_ =	swait.ge [sflag:s13], $0x7D0  }
0x38: {  	[sflag:s13] =	ssyncset.done $0x0  }
0x39: {  	s3 =	sadd.s32 $0x1, s3  }
0x3a: {  	[sflag:s13] =	ssyncadd.s32 $0xFFFFF830;
	p0 =	sne.s32 s3, s11  }
.Ltmp2:
0x3b: {  	[bflag:$0x0] =	sbarrier.arrive $0xFFFF;
	(pc) =	sbr.rel @p0 .LBB2_1-.Ltmp2, $4  }
0x3c: {  	[hbm:s10], [sflag:s16] =	dma.local [spmem:s17], $0x500  }
0x3d: {  	_ =	swait.ge [sflag:s13], $0x500  }
0x3e: {  	[sflag:s13] =	ssyncset.done $0x0  }
0x3f: {  	[sflag:s13] =	ssyncadd.s32 $0xFFFFFB00  }
0x40: {  	_ =	sfence.sel $0x180000  }
0x41: {  	[bflag:$0x0] =	sbarrier.arrive $0xFFFF  }
0x42: {  	p0 =	sne.s32 s0, $0x0;
	_ =	strace $0x90000047  }
0x43: {  	s0 =	sadd.s32 @!p0 $0x100000, s1;
	[bflag:$0x2] =	sbarrier.arrive $0xFFFF  }
0x44: {  	[sflag:s0] =	ssyncadd.tile.s32 @!p0 $0x1;
	_ =	shalt  }
.Lfunc_end2:
_tile_overlayer_lowered:
.L_overlay_start_2:
0x45: {  	(tag) =	ssettag $0x2  }
0x46: {  	s0 =	rddreg [dreg:$0x0];
	s2 =	stileid.u32  }
0x47: {  	s1 =	rddreg [dreg:$0x1];
	p0 =	sne.s32 s2, $0x0  }
0x48: {  	s3 =	rddreg [dreg:$0x2];
	[bflag:$0x3] =	sbarrier.arrive $0xFFFF;
	s2 =	simm.s32 @!p0 $0x1C01  }
0x49: {  	[timem:s3], [sflag:s2] =	dma.local @!p0 [hbm:s0], s1  }
0x4a: {  	s0 =	simm.s32 @!p0 $0x1  }
0x4b: {  	_ =	swait.ge @!p0 [sflag:s0], s1  }
0x4c: {  	s1 =	ssub.s32 @!p0 $0x0, s1;
	[sflag:s0] =	ssyncset.done @!p0 $0x0  }
0x4d: {  	[sflag:s0] =	ssyncadd.s32 @!p0 s1  }
0x4e: {  	[bflag:$0x3] =	sbarrier.arrive $0xFFFF  }
0x4f: {  	_ =	shalt  }

</sc_bundles>
